<compile_context>
chip_gen: v7x
topology: tpu7x:2x2x1
jax: 0.10.2.dev20260603
libtpu: 0.0.44.dev20260713+nightly
codegen_flags: <defaults>
</compile_context>

<pallas_src>
import functools

import jax
import jax.numpy as jnp
from jax import lax
from jax.experimental import pallas as pl
from jax.experimental.pallas import tpu as pltpu
from jax.experimental.pallas import tpu_sc as plsc

B = 1024
H, W = 21, 79
HW = H * W
GPAD = 1664
CHAR_DIM = 96
COLOR_DIM = 16
NBINS = CHAR_DIM * COLOR_DIM
PBINS = 1664
NCHUNK = NBINS // 16
SENT = 2047
MAX_LEN = 64
PAD_CHAR = 128
PAD_COLOR = COLOR_DIM
HIDDEN = 32
GROUP = 8


HB = B // 2


def _sc_bag_body_for(half):
  def _sc_bag_body(glyphs_hbm, keys_hbm, glyphs_v, pres, outbuf):
    info = plsc.get_sparse_core_info()
    nc = info.num_cores
    nw = nc * info.num_subcores
    spw = HB // nw
    wid = lax.axis_index("s") * nc + lax.axis_index("c")

    zero16 = jnp.zeros((16,), jnp.int32)
    sent16 = jnp.full((16,), SENT, jnp.int32)
    iota16 = lax.iota(jnp.int32, 16)

    def _zero(i, _):
        pres[pl.ds(i * 16, 16)] = zero16
        return 0

    lax.fori_loop(0, PBINS // 16, _zero, 0)

    def _group(g, _):
        lbase = wid * spw + g * GROUP
        base = half * HB + lbase
        pltpu.sync_copy(glyphs_hbm.at[pl.ds(base, GROUP)], glyphs_v)

        def _sample(jj, _):
            s = base + jj
            marker = jnp.full((16,), s + 1, jnp.int32)

            def _scat16(off):
                plsc.store_scatter(pres, [glyphs_v[jj, pl.ds(off, 16)]], marker)

            def _scatter(i, _):
                for u in range(4):
                    _scat16(i * 64 + u * 16)
                return 0

            lax.fori_loop(0, HW // 64, _scatter, 0)
            for off in (1600, 1616, 1632, HW - 16):
                _scat16(off)

            for cc in range(5):
                outbuf[pl.ds(cc * 16, 16)] = sent16

            def _cond(carry):
                i, off = carry
                return jnp.logical_and(i < NCHUNK, off < MAX_LEN)

            def _compact(carry):
                i, off = carry
                m = pres[pl.ds(i * 16, 16)] == marker
                mi = m.astype(jnp.int32)
                pos = plsc.cumsum(mi)
                plsc.store_scatter(outbuf, [off + pos - 1], iota16 + i * 16, mask=m)
                return i + 1, off + jnp.sum(mi)

            lax.while_loop(_cond, _compact, (jnp.int32(0), jnp.int32(0)))
            pltpu.sync_copy(outbuf.at[pl.ds(0, MAX_LEN)],
                            keys_hbm.at[lbase + jj])
            return 0

        lax.fori_loop(0, GROUP, _sample, 0)
        return 0

    lax.fori_loop(0, spw // GROUP, _group, 0)

  return _sc_bag_body


@functools.cache
def _make_sc_bag(half):
    return pl.kernel(
        _sc_bag_body_for(half),
        mesh=plsc.VectorSubcoreMesh(core_axis_name="c", subcore_axis_name="s"),
        compiler_params=pltpu.CompilerParams(
            needs_layout_passes=False, use_tc_tiling_on_sc=False),
        out_type=jax.ShapeDtypeStruct((HB, MAX_LEN), jnp.int32),
        scratch_types=[
            pltpu.VMEM((GROUP, HW), jnp.int32),
            pltpu.VMEM((PBINS,), jnp.int32),
            pltpu.VMEM((80,), jnp.int32),
        ],
    )


TPC = 4


def _tc_body(keysT_ref, ct_ref, lt_ref, wih_ref, whh_ref, bih_ref, bhh_ref,
             feat_ref, emb_ref, cbag_ref, lbag_ref):
    bh = HB
    ct = ct_ref[...]
    lt = lt_ref[...]
    keysT = keysT_ref[...]
    valid = keysT < NBINS

    cbag_ref[...] = jnp.where(valid, keysT >> 4, PAD_CHAR)
    lbag_ref[...] = jnp.where(valid, keysT & 15, PAD_COLOR)

    ci = jnp.where(valid, keysT >> 4, CHAR_DIM)
    lj = jnp.where(valid, keysT & 15, COLOR_DIM) + (CHAR_DIM + 1)
    iota_j = lax.broadcasted_iota(jnp.int32, (114, 1), 0)

    wih = wih_ref[...]
    whh = whh_ref[...]
    biasT = bih_ref[...] + bhh_ref[...]

    z97x4 = jnp.zeros((CHAR_DIM + 1, 4), jnp.float32)
    z17x16 = jnp.zeros((COLOR_DIM + 1, 16), jnp.float32)
    te = jnp.concatenate([
        jnp.concatenate([ct, z97x4], axis=1),
        jnp.concatenate([z17x16, lt], axis=1)], axis=0)
    tw = lax.dot_general(te, wih, (((1,), (1,)), ((), ())),
                         preferred_element_type=jnp.float32)
    tt = jnp.concatenate([te, tw], axis=1)
    eye52 = (lax.broadcasted_iota(jnp.int32, (52, 1), 0)
             == lax.broadcasted_iota(jnp.int32, (1, 52), 1)).astype(jnp.float32)
    ttT = lax.dot_general(eye52, tt, (((1,), (1,)), ((), ())),
                          preferred_element_type=jnp.float32)
    ttT_hi = ttT.astype(jnp.bfloat16)
    ttT_lo = (ttT - ttT_hi.astype(jnp.float32)).astype(jnp.bfloat16)

    hT = jnp.zeros((HIDDEN, bh), jnp.float32)
    for r in range(MAX_LEN // TPC):
        c0 = r * TPC * bh
        ohT = ((ci[r:r + 1, :] == iota_j) | (lj[r:r + 1, :] == iota_j)
               ).astype(jnp.bfloat16)
        zT = (lax.dot_general(ttT_hi, ohT, (((1,), (0,)), ((), ())),
                              preferred_element_type=jnp.float32)
              + lax.dot_general(ttT_lo, ohT, (((1,), (0,)), ((), ())),
                                preferred_element_type=jnp.float32))
        emb_ref[:, c0:c0 + TPC * bh] = zT[:20, :]
        zrnn = zT[20:, :]
        for w in range(TPC):
            pre = (zrnn[:, w * bh:(w + 1) * bh]
                   + lax.dot_general(whh, hT, (((1,), (0,)), ((), ())),
                                     preferred_element_type=jnp.float32)
                   + biasT)
            vrow = valid[r:r + 1, w * bh:(w + 1) * bh]
            hT = jnp.where(vrow, jnp.tanh(pre), hT)
    feat_ref[...] = hT


def _tc_embed_rnn(keysT, char_table, color_table, W_ih, W_hh, b_ih, b_hh):
    return pl.pallas_call(
        _tc_body,
        out_shape=(
            jax.ShapeDtypeStruct((HIDDEN, HB), jnp.float32),
            jax.ShapeDtypeStruct((20, MAX_LEN * HB), jnp.float32),
            jax.ShapeDtypeStruct((MAX_LEN // TPC, TPC * HB), jnp.int32),
            jax.ShapeDtypeStruct((MAX_LEN // TPC, TPC * HB), jnp.int32),
        ),
    )(keysT.reshape(MAX_LEN // TPC, TPC * HB), char_table, color_table,
      W_ih, W_hh, b_ih.reshape(HIDDEN, 1), b_hh.reshape(HIDDEN, 1))


def kernel(glyph_chars, glyph_colors, char_table, color_table, W_ih, W_hh, b_ih, b_hh):
    glyphs = (glyph_chars.reshape(B, HW) * 16
              + glyph_colors.reshape(B, HW)).astype(jnp.int32)

    halves = []
    for half in range(2):
        keys_h = _make_sc_bag(half)(glyphs)
        halves.append(_tc_embed_rnn(
            keys_h.T, char_table, color_table, W_ih, W_hh, b_ih, b_hh))
    features = jnp.concatenate([fT.T for fT, _, _, _ in halves], axis=0)
    emb = jnp.concatenate(
        [eT.reshape(20, MAX_LEN, HB).transpose(2, 1, 0)
         for _, eT, _, _ in halves], axis=0)
    bag = jnp.stack([
        jnp.concatenate([cT.reshape(MAX_LEN, HB).T
                         for _, _, cT, _ in halves], axis=0),
        jnp.concatenate([lT.reshape(MAX_LEN, HB).T
                         for _, _, _, lT in halves], axis=0)], axis=-1)
    return features, emb, bag

# --- scband reference (transcript-rebuilt; emitter-appended) ---
"""Pipeline reference for scband-glyph-bag-90065464197716 (READ-ONLY COPY).

The authoritative reference and input builder live on the scoring server;
editing this copy changes nothing except your own understanding.
"""

import jax, jax.numpy as jnp
import numpy as np

CHAR_DIM = 96
COLOR_DIM = 16
CHAR_EMB = 16
COLOR_EMB = 4
GLYPH_EMB = CHAR_EMB + COLOR_EMB
MAX_LEN = 64
HIDDEN = 32
PAD_CHAR = 128
PAD_COLOR = COLOR_DIM
B, H, W = 1024, 21, 79


def setup_inputs(seed: int = 0) -> dict:
    key = jax.random.key(seed)
    ks = jax.random.split(key, 8)
    glyph_chars = jax.random.randint(ks[0], (B, H, W), 0, CHAR_DIM)
    glyph_colors = jax.random.randint(ks[1], (B, H, W), 0, COLOR_DIM)
    char_table = 0.02 * jax.random.normal(ks[2], (CHAR_DIM + 1, CHAR_EMB), dtype=jnp.float32)
    color_table = 0.02 * jax.random.normal(ks[3], (COLOR_DIM + 1, COLOR_EMB), dtype=jnp.float32)
    W_ih = 0.1 * jax.random.normal(ks[4], (HIDDEN, GLYPH_EMB), dtype=jnp.float32)
    W_hh = 0.1 * jax.random.normal(ks[5], (HIDDEN, HIDDEN), dtype=jnp.float32)
    b_ih = jnp.zeros((HIDDEN,), dtype=jnp.float32)
    b_hh = jnp.zeros((HIDDEN,), dtype=jnp.float32)
    return {
        'glyph_chars': glyph_chars,
        'glyph_colors': glyph_colors,
        'char_table': char_table,
        'color_table': color_table,
        'W_ih': W_ih,
        'W_hh': W_hh,
        'b_ih': b_ih,
        'b_hh': b_hh,
    }


def _encode_bag(chars, colors, max_len=MAX_LEN):
    # bag of unique (char, color) pairs, sorted, truncated/padded to max_len
    bsz = chars.shape[0]
    base = COLOR_DIM + 1
    pad_key = PAD_CHAR * base + PAD_COLOR
    keys = (chars.reshape(bsz, -1).astype(jnp.int64) * base
            + colors.reshape(bsz, -1).astype(jnp.int64))
    skeys = jnp.sort(keys, axis=1)
    is_new = jnp.concatenate(
        [jnp.ones((bsz, 1), dtype=bool), skeys[:, 1:] != skeys[:, :-1]], axis=1)
    pos = jnp.cumsum(is_new, axis=1) - 1
    idx = jnp.where(is_new & (pos < max_len), pos, max_len)
    out = jnp.full((bsz, max_len + 1), pad_key, dtype=jnp.int64)
    out = out.at[jnp.arange(bsz)[:, None], idx].set(skeys)
    uniq = out[:, :max_len]
    u_chars = uniq // base
    u_colors = uniq % base
    return jnp.stack([u_chars, u_colors], axis=-1)


def reference(glyph_chars, glyph_colors, char_table, color_table, W_ih, W_hh, b_ih, b_hh):
    bag = _encode_bag(glyph_chars, glyph_colors)
    char_bag = bag[:, :, 0]
    color_bag = bag[:, :, 1]
    ce = jnp.take(char_table, jnp.clip(char_bag, 0, CHAR_DIM), axis=0)
    co = jnp.take(color_table, jnp.clip(color_bag, 0, COLOR_DIM), axis=0)
    emb = jnp.concatenate([ce, co], axis=2)  # [B, max_len, GLYPH_EMB]
    lengths = jnp.sum(char_bag != PAD_CHAR, axis=1)
    bsz = emb.shape[0]
    h = jnp.zeros((bsz, HIDDEN), dtype=emb.dtype)
    for t in range(MAX_LEN):
        x_t = emb[:, t, :]
        h_new = jnp.tanh(x_t @ W_ih.T + b_ih + h @ W_hh.T + b_hh)
        mask = (t < lengths)[:, None]
        h = jnp.where(mask, h_new, h)
    features = h
    return (features, emb, bag)

if __name__ == "__main__":
    import jax
    _d = setup_inputs()
    print(jax.jit(kernel)(*tuple(_d.values())))

</pallas_src>

<mosaic_0001>
#map = affine_map<(d0, d1) -> (0, 0)>
module attributes {stable_mosaic.version = 14 : i64} {
  func.func @_sc_bag_body(%arg0: i32, %arg1: i32, %arg2: memref<1024x1659xi32, #tpu.memory_space<hbm>>, %arg3: memref<512x64xi32, #tpu.memory_space<hbm>>, %arg4: memref<8x1659xi32, #tpu.memory_space<vmem>>, %arg5: memref<1664xi32, #tpu.memory_space<vmem>>, %arg6: memref<80xi32, #tpu.memory_space<vmem>>) attributes {dimension_semantics = [#tpu.dimension_semantics<core_parallel>, #tpu.dimension_semantics<subcore_parallel>], iteration_bounds = array<i64: 2, 16>, scalar_prefetch = 0 : i64, scratch_operands = 3 : i64, tpu.core_type = #tpu.core_type<sc_vector_subcore>, window_params = [{transform_indices = #map}, {transform_indices = #map}]} {
    %mul3A = arith.constant 2 : i32
    %mul3A_0 = arith.muli %arg1, %mul3A : i32
    %add3A = arith.addi %mul3A_0, %arg0 : i32
    %broadcast_in_dim3A = arith.constant 0 : i32
    %broadcast_in_dim3A_1 = vector.broadcast %broadcast_in_dim3A : i32 to vector<16xi32>
    %broadcast_in_dim3A_2 = arith.constant 2047 : i32
    %broadcast_in_dim3A_3 = vector.broadcast %broadcast_in_dim3A_2 : i32 to vector<16xi32>
    %iota3A = tpu.iota {dimensions = array<i32: 0>} : vector<16xi32>
    %scan3A = arith.constant 0 : i32
    %scan3A_4 = arith.constant 0 : i32
    %scan3A_5 = arith.constant 104 : i32
    %scan3A_6 = arith.addi %scan3A_4, %scan3A_5 : i32
    %scan3A_7 = arith.constant 1 : i32
    %scan3A_8 = scf.for %scan3A_17 = %scan3A_4 to %scan3A_6 step %scan3A_7 iter_args(%scan3A_18 = %scan3A) -> (i32)  : i32 {
      %mul3A_19 = arith.constant 16 : i32
      %mul3A_20 = arith.muli %scan3A_17, %mul3A_19 : i32
      %swap3A = arith.index_cast %mul3A_20 : i32 to index
      %swap3A_21 = tpu.vector_load %arg5[%swap3A] {strides = array<i32>} : memref<1664xi32, #tpu.memory_space<vmem>>, vector<16xi32>,
      tpu.vector_store %arg5[%swap3A], %broadcast_in_dim3A_1 {strides = array<i32>} : memref<1664xi32, #tpu.memory_space<vmem>>, vector<16xi32>,
      %scan3A_22 = arith.constant 0 : i32
      scf.yield %scan3A_22 : i32
    }
    %scan3A_9 = arith.constant 104 : i32
    %scan3A_10 = arith.constant 0 : i32
    %scan3A_11 = arith.constant 0 : i32
    %scan3A_12 = arith.constant 2 : i32
    %scan3A_13 = arith.addi %scan3A_11, %scan3A_12 : i32
    %scan3A_14 = arith.constant 1 : i32
    %scan3A_15 = scf.for %scan3A_17 = %scan3A_11 to %scan3A_13 step %scan3A_14 iter_args(%scan3A_18 = %scan3A_10) -> (i32)  : i32 {
      %mul3A_19 = arith.constant 16 : i32
      %mul3A_20 = arith.muli %add3A, %mul3A_19 : i32
      %mul3A_21 = arith.constant 8 : i32
      %mul3A_22 = arith.muli %scan3A_17, %mul3A_21 : i32
      %add3A_23 = arith.addi %mul3A_20, %mul3A_22 : i32
      %add3A_24 = arith.constant 0 : i32
      %add3A_25 = arith.addi %add3A_24, %add3A_23 : i32
      "tpu.region"() ({
        %run_scoped3A = tpu.sem_alloc : memref<!tpu.dma_semaphore, #tpu.memory_space<semaphore_mem>>
        %dma_start3A = arith.constant 0 : i32
        %dma_start3A_34 = tpu.memref_slice %arg2[%add3A_25, %dma_start3A] : memref<1024x1659xi32, #tpu.memory_space<hbm>> -> memref<8x1659xi32, #tpu.memory_space<hbm>>
        %dma_start3A_35 = arith.constant 0 : i32
        %dma_start3A_36 = tpu.memref_slice %arg2[%add3A_25, %dma_start3A_35] : memref<1024x1659xi32, #tpu.memory_space<hbm>> -> memref<8x1659xi32, #tpu.memory_space<hbm>>
        tpu.enqueue_dma source(%dma_start3A_36 : memref<8x1659xi32, #tpu.memory_space<hbm>>) target(%arg4 : memref<8x1659xi32, #tpu.memory_space<vmem>>) target_semaphore(%run_scoped3A : memref<!tpu.dma_semaphore, #tpu.memory_space<semaphore_mem>>)
        %dma_wait3A = arith.constant 0 : i32
        %dma_wait3A_37 = tpu.memref_slice %arg2[%add3A_25, %dma_wait3A] : memref<1024x1659xi32, #tpu.memory_space<hbm>> -> memref<8x1659xi32, #tpu.memory_space<hbm>>
        %dma_wait3A_38 = arith.constant 0 : i32
        %dma_wait3A_39 = tpu.memref_slice %arg2[%add3A_25, %dma_wait3A_38] : memref<1024x1659xi32, #tpu.memory_space<hbm>> -> memref<8x1659xi32, #tpu.memory_space<hbm>>
        tpu.wait_dma2 semaphore(%run_scoped3A : memref<!tpu.dma_semaphore, #tpu.memory_space<semaphore_mem>>) src(%dma_wait3A_39 : memref<8x1659xi32, #tpu.memory_space<hbm>>) dst(%arg4 : memref<8x1659xi32, #tpu.memory_space<vmem>>)
        tpu.yield
      }) : () -> ()
      %scan3A_26 = arith.constant 0 : i32
      %scan3A_27 = arith.constant 0 : i32
      %scan3A_28 = arith.constant 8 : i32
      %scan3A_29 = arith.addi %scan3A_27, %scan3A_28 : i32
      %scan3A_30 = arith.constant 1 : i32
      %scan3A_31 = scf.for %scan3A_34 = %scan3A_27 to %scan3A_29 step %scan3A_30 iter_args(%scan3A_35 = %scan3A_26) -> (i32)  : i32 {
        %add3A_36 = arith.addi %add3A_25, %scan3A_34 : i32
        %add3A_37 = arith.constant 1 : i32
        %add3A_38 = arith.addi %add3A_36, %add3A_37 : i32
        %broadcast_in_dim3A_39 = vector.broadcast %add3A_38 : i32 to vector<16xi32>
        %scan3A_40 = arith.constant 0 : i32
        %scan3A_41 = arith.constant 0 : i32
        %scan3A_42 = arith.constant 25 : i32
        %scan3A_43 = arith.addi %scan3A_41, %scan3A_42 : i32
        %scan3A_44 = arith.constant 1 : i32
        %scan3A_45 = scf.for %scan3A_71 = %scan3A_41 to %scan3A_43 step %scan3A_44 iter_args(%scan3A_72 = %scan3A_40) -> (i32)  : i32 {
          %mul3A_73 = arith.constant 64 : i32
          %mul3A_74 = arith.muli %scan3A_71, %mul3A_73 : i32
          %add3A_75 = arith.constant 0 : i32
          %add3A_76 = arith.addi %mul3A_74, %add3A_75 : i32
          %get3A_77 = arith.index_cast %scan3A_34 : i32 to index
          %get3A_78 = arith.index_cast %add3A_76 : i32 to index
          %get3A_79 = tpu.vector_load %arg4[%get3A_77, %get3A_78] {strides = array<i32>} : memref<8x1659xi32, #tpu.memory_space<vmem>>, vector<16xi32>,
          tpu.vector_store_idx %arg5[%get3A_79], %broadcast_in_dim3A_39 : memref<1664xi32, #tpu.memory_space<vmem>>[vector<16xi32>], vector<16xi32>,
          %mul3A_80 = arith.constant 64 : i32
          %mul3A_81 = arith.muli %scan3A_71, %mul3A_80 : i32
          %add3A_82 = arith.constant 16 : i32
          %add3A_83 = arith.addi %mul3A_81, %add3A_82 : i32
          %get3A_84 = arith.index_cast %scan3A_34 : i32 to index
          %get3A_85 = arith.index_cast %add3A_83 : i32 to index
          %get3A_86 = tpu.vector_load %arg4[%get3A_84, %get3A_85] {strides = array<i32>} : memref<8x1659xi32, #tpu.memory_space<vmem>>, vector<16xi32>,
          tpu.vector_store_idx %arg5[%get3A_86], %broadcast_in_dim3A_39 : memref<1664xi32, #tpu.memory_space<vmem>>[vector<16xi32>], vector<16xi32>,
          %mul3A_87 = arith.constant 64 : i32
          %mul3A_88 = arith.muli %scan3A_71, %mul3A_87 : i32
          %add3A_89 = arith.constant 32 : i32
          %add3A_90 = arith.addi %mul3A_88, %add3A_89 : i32
          %get3A_91 = arith.index_cast %scan3A_34 : i32 to index
          %get3A_92 = arith.index_cast %add3A_90 : i32 to index
          %get3A_93 = tpu.vector_load %arg4[%get3A_91, %get3A_92] {strides = array<i32>} : memref<8x1659xi32, #tpu.memory_space<vmem>>, vector<16xi32>,
          tpu.vector_store_idx %arg5[%get3A_93], %broadcast_in_dim3A_39 : memref<1664xi32, #tpu.memory_space<vmem>>[vector<16xi32>], vector<16xi32>,
          %mul3A_94 = arith.constant 64 : i32
          %mul3A_95 = arith.muli %scan3A_71, %mul3A_94 : i32
          %add3A_96 = arith.constant 48 : i32
          %add3A_97 = arith.addi %mul3A_95, %add3A_96 : i32
          %get3A_98 = arith.index_cast %scan3A_34 : i32 to index
          %get3A_99 = arith.index_cast %add3A_97 : i32 to index
          %get3A_100 = tpu.vector_load %arg4[%get3A_98, %get3A_99] {strides = array<i32>} : memref<8x1659xi32, #tpu.memory_space<vmem>>, vector<16xi32>,
          tpu.vector_store_idx %arg5[%get3A_100], %broadcast_in_dim3A_39 : memref<1664xi32, #tpu.memory_space<vmem>>[vector<16xi32>], vector<16xi32>,
          %scan3A_101 = arith.constant 0 : i32
          scf.yield %scan3A_101 : i32
        }
        %scan3A_46 = arith.constant 25 : i32
        %get3A = arith.index_cast %scan3A_34 : i32 to index
        %get3A_47 = arith.constant 1600 : index
        %get3A_48 = tpu.vector_load %arg4[%get3A, %get3A_47] {strides = array<i32>} : memref<8x1659xi32, #tpu.memory_space<vmem>>, vector<16xi32>,
        tpu.vector_store_idx %arg5[%get3A_48], %broadcast_in_dim3A_39 : memref<1664xi32, #tpu.memory_space<vmem>>[vector<16xi32>], vector<16xi32>,
        %get3A_49 = arith.index_cast %scan3A_34 : i32 to index
        %get3A_50 = arith.constant 1616 : index
        %get3A_51 = tpu.vector_load %arg4[%get3A_49, %get3A_50] {strides = array<i32>} : memref<8x1659xi32, #tpu.memory_space<vmem>>, vector<16xi32>,
        tpu.vector_store_idx %arg5[%get3A_51], %broadcast_in_dim3A_39 : memref<1664xi32, #tpu.memory_space<vmem>>[vector<16xi32>], vector<16xi32>,
        %get3A_52 = arith.index_cast %scan3A_34 : i32 to index
        %get3A_53 = arith.constant 1632 : index
        %get3A_54 = tpu.vector_load %arg4[%get3A_52, %get3A_53] {strides = array<i32>} : memref<8x1659xi32, #tpu.memory_space<vmem>>, vector<16xi32>,
        tpu.vector_store_idx %arg5[%get3A_54], %broadcast_in_dim3A_39 : memref<1664xi32, #tpu.memory_space<vmem>>[vector<16xi32>], vector<16xi32>,
        %get3A_55 = arith.index_cast %scan3A_34 : i32 to index
        %get3A_56 = arith.constant 1643 : index
        %get3A_57 = tpu.vector_load %arg4[%get3A_55, %get3A_56] {strides = array<i32>} : memref<8x1659xi32, #tpu.memory_space<vmem>>, vector<16xi32>,
        tpu.vector_store_idx %arg5[%get3A_57], %broadcast_in_dim3A_39 : memref<1664xi32, #tpu.memory_space<vmem>>[vector<16xi32>], vector<16xi32>,
        %swap3A = arith.constant 0 : index
        %swap3A_58 = tpu.vector_load %arg6[%swap3A] {strides = array<i32>} : memref<80xi32, #tpu.memory_space<vmem>>, vector<16xi32>,
        tpu.vector_store %arg6[%swap3A], %broadcast_in_dim3A_3 {strides = array<i32>} : memref<80xi32, #tpu.memory_space<vmem>>, vector<16xi32>,
        %swap3A_59 = arith.constant 16 : index
        %swap3A_60 = tpu.vector_load %arg6[%swap3A_59] {strides = array<i32>} : memref<80xi32, #tpu.memory_space<vmem>>, vector<16xi32>,
        tpu.vector_store %arg6[%swap3A_59], %broadcast_in_dim3A_3 {strides = array<i32>} : memref<80xi32, #tpu.memory_space<vmem>>, vector<16xi32>,
        %swap3A_61 = arith.constant 32 : index
        %swap3A_62 = tpu.vector_load %arg6[%swap3A_61] {strides = array<i32>} : memref<80xi32, #tpu.memory_space<vmem>>, vector<16xi32>,
        tpu.vector_store %arg6[%swap3A_61], %broadcast_in_dim3A_3 {strides = array<i32>} : memref<80xi32, #tpu.memory_space<vmem>>, vector<16xi32>,
        %swap3A_63 = arith.constant 48 : index
        %swap3A_64 = tpu.vector_load %arg6[%swap3A_63] {strides = array<i32>} : memref<80xi32, #tpu.memory_space<vmem>>, vector<16xi32>,
        tpu.vector_store %arg6[%swap3A_63], %broadcast_in_dim3A_3 {strides = array<i32>} : memref<80xi32, #tpu.memory_space<vmem>>, vector<16xi32>,
        %swap3A_65 = arith.constant 64 : index
        %swap3A_66 = tpu.vector_load %arg6[%swap3A_65] {strides = array<i32>} : memref<80xi32, #tpu.memory_space<vmem>>, vector<16xi32>,
        tpu.vector_store %arg6[%swap3A_65], %broadcast_in_dim3A_3 {strides = array<i32>} : memref<80xi32, #tpu.memory_space<vmem>>, vector<16xi32>,
        %while3A = arith.constant 0 : i32
        %while3A_67 = arith.constant 0 : i32
        %while3A_68:2 = scf.while (%while3A_71 = %while3A, %while3A_72 = %while3A_67) : (i32, i32) -> (i32, i32) {
          %lt3A = arith.constant 96 : i32
          %lt3A_73 = arith.cmpi slt, %while3A_71, %lt3A : i32
          %lt3A_74 = arith.constant 64 : i32
          %lt3A_75 = arith.cmpi slt, %while3A_72, %lt3A_74 : i32
          %and3A = arith.andi %lt3A_73, %lt3A_75 : i1
          scf.condition(%and3A) %while3A_71, %while3A_72 : i32, i32
        } do {
        ^bb0(%while3A_71: i32, %while3A_72: i32):
          %mul3A_73 = arith.constant 16 : i32
          %mul3A_74 = arith.muli %while3A_71, %mul3A_73 : i32
          %get3A_75 = arith.index_cast %mul3A_74 : i32 to index
          %get3A_76 = tpu.vector_load %arg5[%get3A_75] {strides = array<i32>} : memref<1664xi32, #tpu.memory_space<vmem>>, vector<16xi32>,
          %eq3A = arith.cmpi eq, %get3A_76, %broadcast_in_dim3A_39 : vector<16xi32>
          %convert_element_type3A = arith.extui %eq3A : vector<16xi1> to vector<16xi32>
          %broadcast_in_dim3A_77 = arith.constant true
          %broadcast_in_dim3A_78 = vector.broadcast %broadcast_in_dim3A_77 : i1 to vector<16xi1>
          %masked_cumsum3A = tpu.scan <sum>, %convert_element_type3A masked %broadcast_in_dim3A_78 : vector<16xi32>, vector<16xi1> -> vector<16xi32>
          %add3A_79 = vector.broadcast %while3A_72 : i32 to vector<16xi32>
          %add3A_80 = arith.addi %add3A_79, %masked_cumsum3A : vector<16xi32>
          %sub3A = arith.constant 1 : i32
          %sub3A_81 = vector.broadcast %sub3A : i32 to vector<16xi32>
          %sub3A_82 = arith.subi %add3A_80, %sub3A_81 : vector<16xi32>
          %mul3A_83 = arith.constant 16 : i32
          %mul3A_84 = arith.muli %while3A_71, %mul3A_83 : i32
          %add3A_85 = vector.broadcast %mul3A_84 : i32 to vector<16xi32>
          %add3A_86 = arith.addi %iota3A, %add3A_85 : vector<16xi32>
          tpu.vector_store_idx %arg6[%sub3A_82], %add3A_86 masked %eq3A : memref<80xi32, #tpu.memory_space<vmem>>[vector<16xi32>], vector<16xi32>, vector<16xi1>
          %add3A_87 = arith.constant 1 : i32
          %add3A_88 = arith.addi %while3A_71, %add3A_87 : i32
          %reduce_sum3A = arith.constant true
          %reduce_sum3A_89 = vector.broadcast %reduce_sum3A : i1 to vector<16xi1>
          %reduce_sum3A_90 = tpu.scan <sum>, %convert_element_type3A masked %reduce_sum3A_89 : vector<16xi32>, vector<16xi1> -> vector<16xi32>
          %reduce_sum3A_91 = vector.extract %reduce_sum3A_90[15] : i32 from vector<16xi32>
          %add3A_92 = arith.addi %while3A_72, %reduce_sum3A_91 : i32
          scf.yield %add3A_88, %add3A_92 : i32, i32
        }
        %add3A_69 = arith.addi %add3A_23, %scan3A_34 : i32
        "tpu.region"() ({
          %run_scoped3A = tpu.sem_alloc : memref<!tpu.dma_semaphore, #tpu.memory_space<semaphore_mem>>
          %dma_start3A = arith.constant 0 : i32
          %dma_start3A_71 = tpu.memref_slice %arg6[%dma_start3A] : memref<80xi32, #tpu.memory_space<vmem>> -> memref<64xi32, #tpu.memory_space<vmem>>
          %dma_start3A_72 = arith.constant 0 : i32
          %dma_start3A_73 = tpu.memref_slice %arg3[%add3A_69, %dma_start3A_72] : memref<512x64xi32, #tpu.memory_space<hbm>> -> memref<1x64xi32, #tpu.memory_space<hbm>>
          %dma_start3A_74 = tpu.memref_squeeze %dma_start3A_73 : memref<1x64xi32, #tpu.memory_space<hbm>> -> memref<64xi32, #tpu.memory_space<hbm>>
          %dma_start3A_75 = arith.constant 0 : i32
          %dma_start3A_76 = tpu.memref_slice %arg3[%add3A_69, %dma_start3A_75] : memref<512x64xi32, #tpu.memory_space<hbm>> -> memref<1x64xi32, #tpu.memory_space<hbm>>
          %dma_start3A_77 = tpu.memref_squeeze %dma_start3A_76 : memref<1x64xi32, #tpu.memory_space<hbm>> -> memref<64xi32, #tpu.memory_space<hbm>>
          %dma_start3A_78 = arith.constant 0 : i32
          %dma_start3A_79 = tpu.memref_slice %arg6[%dma_start3A_78] : memref<80xi32, #tpu.memory_space<vmem>> -> memref<64xi32, #tpu.memory_space<vmem>>
          tpu.enqueue_dma source(%dma_start3A_79 : memref<64xi32, #tpu.memory_space<vmem>>) target(%dma_start3A_77 : memref<64xi32, #tpu.memory_space<hbm>>) target_semaphore(%run_scoped3A : memref<!tpu.dma_semaphore, #tpu.memory_space<semaphore_mem>>)
          %dma_wait3A = arith.constant 0 : i32
          %dma_wait3A_80 = tpu.memref_slice %arg6[%dma_wait3A] : memref<80xi32, #tpu.memory_space<vmem>> -> memref<64xi32, #tpu.memory_space<vmem>>
          %dma_wait3A_81 = arith.constant 0 : i32
          %dma_wait3A_82 = tpu.memref_slice %arg3[%add3A_69, %dma_wait3A_81] : memref<512x64xi32, #tpu.memory_space<hbm>> -> memref<1x64xi32, #tpu.memory_space<hbm>>
          %dma_wait3A_83 = tpu.memref_squeeze %dma_wait3A_82 : memref<1x64xi32, #tpu.memory_space<hbm>> -> memref<64xi32, #tpu.memory_space<hbm>>
          %dma_wait3A_84 = arith.constant 0 : i32
          %dma_wait3A_85 = tpu.memref_slice %arg3[%add3A_69, %dma_wait3A_84] : memref<512x64xi32, #tpu.memory_space<hbm>> -> memref<1x64xi32, #tpu.memory_space<hbm>>
          %dma_wait3A_86 = tpu.memref_squeeze %dma_wait3A_85 : memref<1x64xi32, #tpu.memory_space<hbm>> -> memref<64xi32, #tpu.memory_space<hbm>>
          %dma_wait3A_87 = arith.constant 0 : i32
          %dma_wait3A_88 = tpu.memref_slice %arg6[%dma_wait3A_87] : memref<80xi32, #tpu.memory_space<vmem>> -> memref<64xi32, #tpu.memory_space<vmem>>
          tpu.wait_dma2 semaphore(%run_scoped3A : memref<!tpu.dma_semaphore, #tpu.memory_space<semaphore_mem>>) src(%dma_wait3A_88 : memref<64xi32, #tpu.memory_space<vmem>>) dst(%dma_wait3A_86 : memref<64xi32, #tpu.memory_space<hbm>>)
          tpu.yield
        }) : () -> ()
        %scan3A_70 = arith.constant 0 : i32
        scf.yield %scan3A_70 : i32
      }
      %scan3A_32 = arith.constant 8 : i32
      %scan3A_33 = arith.constant 0 : i32
      scf.yield %scan3A_33 : i32
    }
    %scan3A_16 = arith.constant 2 : i32
    return
  }
}

#map = affine_map<(d0, d1) -> (0, 0)>
module attributes {stable_mosaic.version = 14 : i64} {
  func.func @_sc_bag_body(%arg0: i32, %arg1: i32, %arg2: memref<1024x1659xi32, #tpu.memory_space<hbm>>, %arg3: memref<512x64xi32, #tpu.memory_space<hbm>>, %arg4: memref<8x1659xi32, #tpu.memory_space<vmem>>, %arg5: memref<1664xi32, #tpu.memory_space<vmem>>, %arg6: memref<80xi32, #tpu.memory_space<vmem>>) attributes {dimension_semantics = [#tpu.dimension_semantics<core_parallel>, #tpu.dimension_semantics<subcore_parallel>], iteration_bounds = array<i64: 2, 16>, scalar_prefetch = 0 : i64, scratch_operands = 3 : i64, tpu.core_type = #tpu.core_type<sc_vector_subcore>, window_params = [{transform_indices = #map}, {transform_indices = #map}]} {
    %mul3A = arith.constant 2 : i32
    %mul3A_0 = arith.muli %arg1, %mul3A : i32
    %add3A = arith.addi %mul3A_0, %arg0 : i32
    %broadcast_in_dim3A = arith.constant 0 : i32
    %broadcast_in_dim3A_1 = vector.broadcast %broadcast_in_dim3A : i32 to vector<16xi32>
    %broadcast_in_dim3A_2 = arith.constant 2047 : i32
    %broadcast_in_dim3A_3 = vector.broadcast %broadcast_in_dim3A_2 : i32 to vector<16xi32>
    %iota3A = tpu.iota {dimensions = array<i32: 0>} : vector<16xi32>
    %scan3A = arith.constant 0 : i32
    %scan3A_4 = arith.constant 0 : i32
    %scan3A_5 = arith.constant 104 : i32
    %scan3A_6 = arith.addi %scan3A_4, %scan3A_5 : i32
    %scan3A_7 = arith.constant 1 : i32
    %scan3A_8 = scf.for %scan3A_17 = %scan3A_4 to %scan3A_6 step %scan3A_7 iter_args(%scan3A_18 = %scan3A) -> (i32)  : i32 {
      %mul3A_19 = arith.constant 16 : i32
      %mul3A_20 = arith.muli %scan3A_17, %mul3A_19 : i32
      %swap3A = arith.index_cast %mul3A_20 : i32 to index
      %swap3A_21 = tpu.vector_load %arg5[%swap3A] {strides = array<i32>} : memref<1664xi32, #tpu.memory_space<vmem>>, vector<16xi32>,
      tpu.vector_store %arg5[%swap3A], %broadcast_in_dim3A_1 {strides = array<i32>} : memref<1664xi32, #tpu.memory_space<vmem>>, vector<16xi32>,
      %scan3A_22 = arith.constant 0 : i32
      scf.yield %scan3A_22 : i32
    }
    %scan3A_9 = arith.constant 104 : i32
    %scan3A_10 = arith.constant 0 : i32
    %scan3A_11 = arith.constant 0 : i32
    %scan3A_12 = arith.constant 2 : i32
    %scan3A_13 = arith.addi %scan3A_11, %scan3A_12 : i32
    %scan3A_14 = arith.constant 1 : i32
    %scan3A_15 = scf.for %scan3A_17 = %scan3A_11 to %scan3A_13 step %scan3A_14 iter_args(%scan3A_18 = %scan3A_10) -> (i32)  : i32 {
      %mul3A_19 = arith.constant 16 : i32
      %mul3A_20 = arith.muli %add3A, %mul3A_19 : i32
      %mul3A_21 = arith.constant 8 : i32
      %mul3A_22 = arith.muli %scan3A_17, %mul3A_21 : i32
      %add3A_23 = arith.addi %mul3A_20, %mul3A_22 : i32
      %add3A_24 = arith.constant 512 : i32
      %add3A_25 = arith.addi %add3A_24, %add3A_23 : i32
      "tpu.region"() ({
        %run_scoped3A = tpu.sem_alloc : memref<!tpu.dma_semaphore, #tpu.memory_space<semaphore_mem>>
        %dma_start3A = arith.constant 0 : i32
        %dma_start3A_34 = tpu.memref_slice %arg2[%add3A_25, %dma_start3A] : memref<1024x1659xi32, #tpu.memory_space<hbm>> -> memref<8x1659xi32, #tpu.memory_space<hbm>>
        %dma_start3A_35 = arith.constant 0 : i32
        %dma_start3A_36 = tpu.memref_slice %arg2[%add3A_25, %dma_start3A_35] : memref<1024x1659xi32, #tpu.memory_space<hbm>> -> memref<8x1659xi32, #tpu.memory_space<hbm>>
        tpu.enqueue_dma source(%dma_start3A_36 : memref<8x1659xi32, #tpu.memory_space<hbm>>) target(%arg4 : memref<8x1659xi32, #tpu.memory_space<vmem>>) target_semaphore(%run_scoped3A : memref<!tpu.dma_semaphore, #tpu.memory_space<semaphore_mem>>)
        %dma_wait3A = arith.constant 0 : i32
        %dma_wait3A_37 = tpu.memref_slice %arg2[%add3A_25, %dma_wait3A] : memref<1024x1659xi32, #tpu.memory_space<hbm>> -> memref<8x1659xi32, #tpu.memory_space<hbm>>
        %dma_wait3A_38 = arith.constant 0 : i32
        %dma_wait3A_39 = tpu.memref_slice %arg2[%add3A_25, %dma_wait3A_38] : memref<1024x1659xi32, #tpu.memory_space<hbm>> -> memref<8x1659xi32, #tpu.memory_space<hbm>>
        tpu.wait_dma2 semaphore(%run_scoped3A : memref<!tpu.dma_semaphore, #tpu.memory_space<semaphore_mem>>) src(%dma_wait3A_39 : memref<8x1659xi32, #tpu.memory_space<hbm>>) dst(%arg4 : memref<8x1659xi32, #tpu.memory_space<vmem>>)
        tpu.yield
      }) : () -> ()
      %scan3A_26 = arith.constant 0 : i32
      %scan3A_27 = arith.constant 0 : i32
      %scan3A_28 = arith.constant 8 : i32
      %scan3A_29 = arith.addi %scan3A_27, %scan3A_28 : i32
      %scan3A_30 = arith.constant 1 : i32
      %scan3A_31 = scf.for %scan3A_34 = %scan3A_27 to %scan3A_29 step %scan3A_30 iter_args(%scan3A_35 = %scan3A_26) -> (i32)  : i32 {
        %add3A_36 = arith.addi %add3A_25, %scan3A_34 : i32
        %add3A_37 = arith.constant 1 : i32
        %add3A_38 = arith.addi %add3A_36, %add3A_37 : i32
        %broadcast_in_dim3A_39 = vector.broadcast %add3A_38 : i32 to vector<16xi32>
        %scan3A_40 = arith.constant 0 : i32
        %scan3A_41 = arith.constant 0 : i32
        %scan3A_42 = arith.constant 25 : i32
        %scan3A_43 = arith.addi %scan3A_41, %scan3A_42 : i32
        %scan3A_44 = arith.constant 1 : i32
        %scan3A_45 = scf.for %scan3A_71 = %scan3A_41 to %scan3A_43 step %scan3A_44 iter_args(%scan3A_72 = %scan3A_40) -> (i32)  : i32 {
          %mul3A_73 = arith.constant 64 : i32
          %mul3A_74 = arith.muli %scan3A_71, %mul3A_73 : i32
          %add3A_75 = arith.constant 0 : i32
          %add3A_76 = arith.addi %mul3A_74, %add3A_75 : i32
          %get3A_77 = arith.index_cast %scan3A_34 : i32 to index
          %get3A_78 = arith.index_cast %add3A_76 : i32 to index
          %get3A_79 = tpu.vector_load %arg4[%get3A_77, %get3A_78] {strides = array<i32>} : memref<8x1659xi32, #tpu.memory_space<vmem>>, vector<16xi32>,
          tpu.vector_store_idx %arg5[%get3A_79], %broadcast_in_dim3A_39 : memref<1664xi32, #tpu.memory_space<vmem>>[vector<16xi32>], vector<16xi32>,
          %mul3A_80 = arith.constant 64 : i32
          %mul3A_81 = arith.muli %scan3A_71, %mul3A_80 : i32
          %add3A_82 = arith.constant 16 : i32
          %add3A_83 = arith.addi %mul3A_81, %add3A_82 : i32
          %get3A_84 = arith.index_cast %scan3A_34 : i32 to index
          %get3A_85 = arith.index_cast %add3A_83 : i32 to index
          %get3A_86 = tpu.vector_load %arg4[%get3A_84, %get3A_85] {strides = array<i32>} : memref<8x1659xi32, #tpu.memory_space<vmem>>, vector<16xi32>,
          tpu.vector_store_idx %arg5[%get3A_86], %broadcast_in_dim3A_39 : memref<1664xi32, #tpu.memory_space<vmem>>[vector<16xi32>], vector<16xi32>,
          %mul3A_87 = arith.constant 64 : i32
          %mul3A_88 = arith.muli %scan3A_71, %mul3A_87 : i32
          %add3A_89 = arith.constant 32 : i32
          %add3A_90 = arith.addi %mul3A_88, %add3A_89 : i32
          %get3A_91 = arith.index_cast %scan3A_34 : i32 to index
          %get3A_92 = arith.index_cast %add3A_90 : i32 to index
          %get3A_93 = tpu.vector_load %arg4[%get3A_91, %get3A_92] {strides = array<i32>} : memref<8x1659xi32, #tpu.memory_space<vmem>>, vector<16xi32>,
          tpu.vector_store_idx %arg5[%get3A_93], %broadcast_in_dim3A_39 : memref<1664xi32, #tpu.memory_space<vmem>>[vector<16xi32>], vector<16xi32>,
          %mul3A_94 = arith.constant 64 : i32
          %mul3A_95 = arith.muli %scan3A_71, %mul3A_94 : i32
          %add3A_96 = arith.constant 48 : i32
          %add3A_97 = arith.addi %mul3A_95, %add3A_96 : i32
          %get3A_98 = arith.index_cast %scan3A_34 : i32 to index
          %get3A_99 = arith.index_cast %add3A_97 : i32 to index
          %get3A_100 = tpu.vector_load %arg4[%get3A_98, %get3A_99] {strides = array<i32>} : memref<8x1659xi32, #tpu.memory_space<vmem>>, vector<16xi32>,
          tpu.vector_store_idx %arg5[%get3A_100], %broadcast_in_dim3A_39 : memref<1664xi32, #tpu.memory_space<vmem>>[vector<16xi32>], vector<16xi32>,
          %scan3A_101 = arith.constant 0 : i32
          scf.yield %scan3A_101 : i32
        }
        %scan3A_46 = arith.constant 25 : i32
        %get3A = arith.index_cast %scan3A_34 : i32 to index
        %get3A_47 = arith.constant 1600 : index
        %get3A_48 = tpu.vector_load %arg4[%get3A, %get3A_47] {strides = array<i32>} : memref<8x1659xi32, #tpu.memory_space<vmem>>, vector<16xi32>,
        tpu.vector_store_idx %arg5[%get3A_48], %broadcast_in_dim3A_39 : memref<1664xi32, #tpu.memory_space<vmem>>[vector<16xi32>], vector<16xi32>,
        %get3A_49 = arith.index_cast %scan3A_34 : i32 to index
        %get3A_50 = arith.constant 1616 : index
        %get3A_51 = tpu.vector_load %arg4[%get3A_49, %get3A_50] {strides = array<i32>} : memref<8x1659xi32, #tpu.memory_space<vmem>>, vector<16xi32>,
        tpu.vector_store_idx %arg5[%get3A_51], %broadcast_in_dim3A_39 : memref<1664xi32, #tpu.memory_space<vmem>>[vector<16xi32>], vector<16xi32>,
        %get3A_52 = arith.index_cast %scan3A_34 : i32 to index
        %get3A_53 = arith.constant 1632 : index
        %get3A_54 = tpu.vector_load %arg4[%get3A_52, %get3A_53] {strides = array<i32>} : memref<8x1659xi32, #tpu.memory_space<vmem>>, vector<16xi32>,
        tpu.vector_store_idx %arg5[%get3A_54], %broadcast_in_dim3A_39 : memref<1664xi32, #tpu.memory_space<vmem>>[vector<16xi32>], vector<16xi32>,
        %get3A_55 = arith.index_cast %scan3A_34 : i32 to index
        %get3A_56 = arith.constant 1643 : index
        %get3A_57 = tpu.vector_load %arg4[%get3A_55, %get3A_56] {strides = array<i32>} : memref<8x1659xi32, #tpu.memory_space<vmem>>, vector<16xi32>,
        tpu.vector_store_idx %arg5[%get3A_57], %broadcast_in_dim3A_39 : memref<1664xi32, #tpu.memory_space<vmem>>[vector<16xi32>], vector<16xi32>,
        %swap3A = arith.constant 0 : index
        %swap3A_58 = tpu.vector_load %arg6[%swap3A] {strides = array<i32>} : memref<80xi32, #tpu.memory_space<vmem>>, vector<16xi32>,
        tpu.vector_store %arg6[%swap3A], %broadcast_in_dim3A_3 {strides = array<i32>} : memref<80xi32, #tpu.memory_space<vmem>>, vector<16xi32>,
        %swap3A_59 = arith.constant 16 : index
        %swap3A_60 = tpu.vector_load %arg6[%swap3A_59] {strides = array<i32>} : memref<80xi32, #tpu.memory_space<vmem>>, vector<16xi32>,
        tpu.vector_store %arg6[%swap3A_59], %broadcast_in_dim3A_3 {strides = array<i32>} : memref<80xi32, #tpu.memory_space<vmem>>, vector<16xi32>,
        %swap3A_61 = arith.constant 32 : index
        %swap3A_62 = tpu.vector_load %arg6[%swap3A_61] {strides = array<i32>} : memref<80xi32, #tpu.memory_space<vmem>>, vector<16xi32>,
        tpu.vector_store %arg6[%swap3A_61], %broadcast_in_dim3A_3 {strides = array<i32>} : memref<80xi32, #tpu.memory_space<vmem>>, vector<16xi32>,
        %swap3A_63 = arith.constant 48 : index
        %swap3A_64 = tpu.vector_load %arg6[%swap3A_63] {strides = array<i32>} : memref<80xi32, #tpu.memory_space<vmem>>, vector<16xi32>,
        tpu.vector_store %arg6[%swap3A_63], %broadcast_in_dim3A_3 {strides = array<i32>} : memref<80xi32, #tpu.memory_space<vmem>>, vector<16xi32>,
        %swap3A_65 = arith.constant 64 : index
        %swap3A_66 = tpu.vector_load %arg6[%swap3A_65] {strides = array<i32>} : memref<80xi32, #tpu.memory_space<vmem>>, vector<16xi32>,
        tpu.vector_store %arg6[%swap3A_65], %broadcast_in_dim3A_3 {strides = array<i32>} : memref<80xi32, #tpu.memory_space<vmem>>, vector<16xi32>,
        %while3A = arith.constant 0 : i32
        %while3A_67 = arith.constant 0 : i32
        %while3A_68:2 = scf.while (%while3A_71 = %while3A, %while3A_72 = %while3A_67) : (i32, i32) -> (i32, i32) {
          %lt3A = arith.constant 96 : i32
          %lt3A_73 = arith.cmpi slt, %while3A_71, %lt3A : i32
          %lt3A_74 = arith.constant 64 : i32
          %lt3A_75 = arith.cmpi slt, %while3A_72, %lt3A_74 : i32
          %and3A = arith.andi %lt3A_73, %lt3A_75 : i1
          scf.condition(%and3A) %while3A_71, %while3A_72 : i32, i32
        } do {
        ^bb0(%while3A_71: i32, %while3A_72: i32):
          %mul3A_73 = arith.constant 16 : i32
          %mul3A_74 = arith.muli %while3A_71, %mul3A_73 : i32
          %get3A_75 = arith.index_cast %mul3A_74 : i32 to index
          %get3A_76 = tpu.vector_load %arg5[%get3A_75] {strides = array<i32>} : memref<1664xi32, #tpu.memory_space<vmem>>, vector<16xi32>,
          %eq3A = arith.cmpi eq, %get3A_76, %broadcast_in_dim3A_39 : vector<16xi32>
          %convert_element_type3A = arith.extui %eq3A : vector<16xi1> to vector<16xi32>
          %broadcast_in_dim3A_77 = arith.constant true
          %broadcast_in_dim3A_78 = vector.broadcast %broadcast_in_dim3A_77 : i1 to vector<16xi1>
          %masked_cumsum3A = tpu.scan <sum>, %convert_element_type3A masked %broadcast_in_dim3A_78 : vector<16xi32>, vector<16xi1> -> vector<16xi32>
          %add3A_79 = vector.broadcast %while3A_72 : i32 to vector<16xi32>
          %add3A_80 = arith.addi %add3A_79, %masked_cumsum3A : vector<16xi32>
          %sub3A = arith.constant 1 : i32
          %sub3A_81 = vector.broadcast %sub3A : i32 to vector<16xi32>
          %sub3A_82 = arith.subi %add3A_80, %sub3A_81 : vector<16xi32>
          %mul3A_83 = arith.constant 16 : i32
          %mul3A_84 = arith.muli %while3A_71, %mul3A_83 : i32
          %add3A_85 = vector.broadcast %mul3A_84 : i32 to vector<16xi32>
          %add3A_86 = arith.addi %iota3A, %add3A_85 : vector<16xi32>
          tpu.vector_store_idx %arg6[%sub3A_82], %add3A_86 masked %eq3A : memref<80xi32, #tpu.memory_space<vmem>>[vector<16xi32>], vector<16xi32>, vector<16xi1>
          %add3A_87 = arith.constant 1 : i32
          %add3A_88 = arith.addi %while3A_71, %add3A_87 : i32
          %reduce_sum3A = arith.constant true
          %reduce_sum3A_89 = vector.broadcast %reduce_sum3A : i1 to vector<16xi1>
          %reduce_sum3A_90 = tpu.scan <sum>, %convert_element_type3A masked %reduce_sum3A_89 : vector<16xi32>, vector<16xi1> -> vector<16xi32>
          %reduce_sum3A_91 = vector.extract %reduce_sum3A_90[15] : i32 from vector<16xi32>
          %add3A_92 = arith.addi %while3A_72, %reduce_sum3A_91 : i32
          scf.yield %add3A_88, %add3A_92 : i32, i32
        }
        %add3A_69 = arith.addi %add3A_23, %scan3A_34 : i32
        "tpu.region"() ({
          %run_scoped3A = tpu.sem_alloc : memref<!tpu.dma_semaphore, #tpu.memory_space<semaphore_mem>>
          %dma_start3A = arith.constant 0 : i32
          %dma_start3A_71 = tpu.memref_slice %arg6[%dma_start3A] : memref<80xi32, #tpu.memory_space<vmem>> -> memref<64xi32, #tpu.memory_space<vmem>>
          %dma_start3A_72 = arith.constant 0 : i32
          %dma_start3A_73 = tpu.memref_slice %arg3[%add3A_69, %dma_start3A_72] : memref<512x64xi32, #tpu.memory_space<hbm>> -> memref<1x64xi32, #tpu.memory_space<hbm>>
          %dma_start3A_74 = tpu.memref_squeeze %dma_start3A_73 : memref<1x64xi32, #tpu.memory_space<hbm>> -> memref<64xi32, #tpu.memory_space<hbm>>
          %dma_start3A_75 = arith.constant 0 : i32
          %dma_start3A_76 = tpu.memref_slice %arg3[%add3A_69, %dma_start3A_75] : memref<512x64xi32, #tpu.memory_space<hbm>> -> memref<1x64xi32, #tpu.memory_space<hbm>>
          %dma_start3A_77 = tpu.memref_squeeze %dma_start3A_76 : memref<1x64xi32, #tpu.memory_space<hbm>> -> memref<64xi32, #tpu.memory_space<hbm>>
          %dma_start3A_78 = arith.constant 0 : i32
          %dma_start3A_79 = tpu.memref_slice %arg6[%dma_start3A_78] : memref<80xi32, #tpu.memory_space<vmem>> -> memref<64xi32, #tpu.memory_space<vmem>>
          tpu.enqueue_dma source(%dma_start3A_79 : memref<64xi32, #tpu.memory_space<vmem>>) target(%dma_start3A_77 : memref<64xi32, #tpu.memory_space<hbm>>) target_semaphore(%run_scoped3A : memref<!tpu.dma_semaphore, #tpu.memory_space<semaphore_mem>>)
          %dma_wait3A = arith.constant 0 : i32
          %dma_wait3A_80 = tpu.memref_slice %arg6[%dma_wait3A] : memref<80xi32, #tpu.memory_space<vmem>> -> memref<64xi32, #tpu.memory_space<vmem>>
          %dma_wait3A_81 = arith.constant 0 : i32
          %dma_wait3A_82 = tpu.memref_slice %arg3[%add3A_69, %dma_wait3A_81] : memref<512x64xi32, #tpu.memory_space<hbm>> -> memref<1x64xi32, #tpu.memory_space<hbm>>
          %dma_wait3A_83 = tpu.memref_squeeze %dma_wait3A_82 : memref<1x64xi32, #tpu.memory_space<hbm>> -> memref<64xi32, #tpu.memory_space<hbm>>
          %dma_wait3A_84 = arith.constant 0 : i32
          %dma_wait3A_85 = tpu.memref_slice %arg3[%add3A_69, %dma_wait3A_84] : memref<512x64xi32, #tpu.memory_space<hbm>> -> memref<1x64xi32, #tpu.memory_space<hbm>>
          %dma_wait3A_86 = tpu.memref_squeeze %dma_wait3A_85 : memref<1x64xi32, #tpu.memory_space<hbm>> -> memref<64xi32, #tpu.memory_space<hbm>>
          %dma_wait3A_87 = arith.constant 0 : i32
          %dma_wait3A_88 = tpu.memref_slice %arg6[%dma_wait3A_87] : memref<80xi32, #tpu.memory_space<vmem>> -> memref<64xi32, #tpu.memory_space<vmem>>
          tpu.wait_dma2 semaphore(%run_scoped3A : memref<!tpu.dma_semaphore, #tpu.memory_space<semaphore_mem>>) src(%dma_wait3A_88 : memref<64xi32, #tpu.memory_space<vmem>>) dst(%dma_wait3A_86 : memref<64xi32, #tpu.memory_space<hbm>>)
          tpu.yield
        }) : () -> ()
        %scan3A_70 = arith.constant 0 : i32
        scf.yield %scan3A_70 : i32
      }
      %scan3A_32 = arith.constant 8 : i32
      %scan3A_33 = arith.constant 0 : i32
      scf.yield %scan3A_33 : i32
    }
    %scan3A_16 = arith.constant 2 : i32
    return
  }
}

module attributes {stable_mosaic.version = 14 : i64} {
  func.func @_tc_body(%arg0: memref<16x2048xi32, #tpu.memory_space<vmem>>, %arg1: memref<97x16xf32, #tpu.memory_space<vmem>>, %arg2: memref<17x4xf32, #tpu.memory_space<vmem>>, %arg3: memref<32x20xf32, #tpu.memory_space<vmem>>, %arg4: memref<32x32xf32, #tpu.memory_space<vmem>>, %arg5: memref<32x1xf32, #tpu.memory_space<vmem>>, %arg6: memref<32x1xf32, #tpu.memory_space<vmem>>, %arg7: memref<32x512xf32, #tpu.memory_space<vmem>>, %arg8: memref<20x32768xf32, #tpu.memory_space<vmem>>, %arg9: memref<16x2048xi32, #tpu.memory_space<vmem>>, %arg10: memref<16x2048xi32, #tpu.memory_space<vmem>>) attributes {dimension_semantics = [], scalar_prefetch = 0 : i64, scratch_operands = 0 : i64, tpu.core_type = #tpu.core_type<tc>} {
    %get3A = arith.constant 0 : index
    %get3A_0 = arith.constant 0 : index
    %get3A_1 = vector.load %arg1[%get3A, %get3A_0] : memref<97x16xf32, #tpu.memory_space<vmem>>, vector<97x16xf32>
    %get3A_2 = arith.constant 0 : index
    %get3A_3 = arith.constant 0 : index
    %get3A_4 = vector.load %arg2[%get3A_2, %get3A_3] : memref<17x4xf32, #tpu.memory_space<vmem>>, vector<17x4xf32>
    %get3A_5 = arith.constant 0 : index
    %get3A_6 = arith.constant 0 : index
    %get3A_7 = vector.load %arg0[%get3A_5, %get3A_6] : memref<16x2048xi32, #tpu.memory_space<vmem>>, vector<16x2048xi32>
    %lt3A = arith.constant 1536 : i32
    %lt3A_8 = vector.broadcast %lt3A : i32 to vector<16x2048xi32>
    %lt3A_9 = arith.cmpi slt, %get3A_7, %lt3A_8 : vector<16x2048xi32>
    %shift_right_arithmetic3A = arith.constant 4 : i32
    %shift_right_arithmetic3A_10 = vector.broadcast %shift_right_arithmetic3A : i32 to vector<16x2048xi32>
    %shift_right_arithmetic3A_11 = arith.shrsi %get3A_7, %shift_right_arithmetic3A_10 : vector<16x2048xi32>
    %jit3A = arith.constant 128 : i32
    %broadcast_in_dim3A = vector.broadcast %jit3A : i32 to vector<16x2048xi32>
    %select_n3A = arith.select %lt3A_9, %shift_right_arithmetic3A_11, %broadcast_in_dim3A : vector<16x2048xi1>, vector<16x2048xi32>
    %swap3A = arith.constant 0 : index
    %swap3A_12 = arith.constant 0 : index
    %swap3A_13 = vector.load %arg9[%swap3A, %swap3A_12] : memref<16x2048xi32, #tpu.memory_space<vmem>>, vector<16x2048xi32>
    tpu.vector_store %arg9[%swap3A, %swap3A_12], %select_n3A {strides = array<i32>} : memref<16x2048xi32, #tpu.memory_space<vmem>>, vector<16x2048xi32>,
    %and3A = arith.constant 15 : i32
    %and3A_14 = vector.broadcast %and3A : i32 to vector<16x2048xi32>
    %and3A_15 = arith.andi %get3A_7, %and3A_14 : vector<16x2048xi32>
    %jit3A_16 = arith.constant 16 : i32
    %broadcast_in_dim3A_17 = vector.broadcast %jit3A_16 : i32 to vector<16x2048xi32>
    %select_n3A_18 = arith.select %lt3A_9, %and3A_15, %broadcast_in_dim3A_17 : vector<16x2048xi1>, vector<16x2048xi32>
    %swap3A_19 = arith.constant 0 : index
    %swap3A_20 = arith.constant 0 : index
    %swap3A_21 = vector.load %arg10[%swap3A_19, %swap3A_20] : memref<16x2048xi32, #tpu.memory_space<vmem>>, vector<16x2048xi32>
    tpu.vector_store %arg10[%swap3A_19, %swap3A_20], %select_n3A_18 {strides = array<i32>} : memref<16x2048xi32, #tpu.memory_space<vmem>>, vector<16x2048xi32>,
    %shift_right_arithmetic3A_22 = arith.constant 4 : i32
    %shift_right_arithmetic3A_23 = vector.broadcast %shift_right_arithmetic3A_22 : i32 to vector<16x2048xi32>
    %shift_right_arithmetic3A_24 = arith.shrsi %get3A_7, %shift_right_arithmetic3A_23 : vector<16x2048xi32>
    %jit3A_25 = arith.constant 96 : i32
    %broadcast_in_dim3A_26 = vector.broadcast %jit3A_25 : i32 to vector<16x2048xi32>
    %select_n3A_27 = arith.select %lt3A_9, %shift_right_arithmetic3A_24, %broadcast_in_dim3A_26 : vector<16x2048xi1>, vector<16x2048xi32>
    %and3A_28 = arith.constant 15 : i32
    %and3A_29 = vector.broadcast %and3A_28 : i32 to vector<16x2048xi32>
    %and3A_30 = arith.andi %get3A_7, %and3A_29 : vector<16x2048xi32>
    %jit3A_31 = arith.constant 16 : i32
    %broadcast_in_dim3A_32 = vector.broadcast %jit3A_31 : i32 to vector<16x2048xi32>
    %select_n3A_33 = arith.select %lt3A_9, %and3A_30, %broadcast_in_dim3A_32 : vector<16x2048xi1>, vector<16x2048xi32>
    %add3A = arith.constant 97 : i32
    %add3A_34 = vector.broadcast %add3A : i32 to vector<16x2048xi32>
    %add3A_35 = arith.addi %select_n3A_33, %add3A_34 : vector<16x2048xi32>
    %iota3A = tpu.iota {dimensions = array<i32: 0>} : vector<114x1xi32>
    %get3A_36 = arith.constant 0 : index
    %get3A_37 = arith.constant 0 : index
    %get3A_38 = vector.load %arg3[%get3A_36, %get3A_37] : memref<32x20xf32, #tpu.memory_space<vmem>>, vector<32x20xf32>
    %get3A_39 = arith.constant 0 : index
    %get3A_40 = arith.constant 0 : index
    %get3A_41 = vector.load %arg4[%get3A_39, %get3A_40] : memref<32x32xf32, #tpu.memory_space<vmem>>, vector<32x32xf32>
    %get3A_42 = arith.constant 0 : index
    %get3A_43 = arith.constant 0 : index
    %get3A_44 = vector.load %arg5[%get3A_42, %get3A_43] : memref<32x1xf32, #tpu.memory_space<vmem>>, vector<32x1xf32>
    %get3A_45 = arith.constant 0 : index
    %get3A_46 = arith.constant 0 : index
    %get3A_47 = vector.load %arg6[%get3A_45, %get3A_46] : memref<32x1xf32, #tpu.memory_space<vmem>>, vector<32x1xf32>
    %add3A_48 = arith.addf %get3A_44, %get3A_47 : vector<32x1xf32>
    %broadcast_in_dim3A_49 = arith.constant 0.000000e+00 : f32
    %broadcast_in_dim3A_50 = vector.broadcast %broadcast_in_dim3A_49 : f32 to vector<97x4xf32>
    %broadcast_in_dim3A_51 = arith.constant 0.000000e+00 : f32
    %broadcast_in_dim3A_52 = vector.broadcast %broadcast_in_dim3A_51 : f32 to vector<17x16xf32>
    %concatenate3A = tpu.concatenate %get3A_1, %broadcast_in_dim3A_50 in 1 : vector<97x16xf32>, vector<97x4xf32> -> vector<97x20xf32>
    %concatenate3A_53 = tpu.concatenate %broadcast_in_dim3A_52, %get3A_4 in 1 : vector<17x16xf32>, vector<17x4xf32> -> vector<17x20xf32>
    %concatenate3A_54 = tpu.concatenate %concatenate3A, %concatenate3A_53 in 0 : vector<97x20xf32>, vector<17x20xf32> -> vector<114x20xf32>
    %dot_general3A = arith.constant dense<0.000000e+00> : vector<114x32xf32>
    %dot_general3A_55 = tpu.matmul %concatenate3A_54, %get3A_38, %dot_general3A {dimension_numbers = #tpu.dot_dimension_numbers<[1], [1], [0], [0], [0, 0, 1, 0], [], []>, transpose_lhs_hint = false} : vector<114x20xf32>, vector<32x20xf32>, vector<114x32xf32> -> vector<114x32xf32>
    %concatenate3A_56 = tpu.concatenate %concatenate3A_54, %dot_general3A_55 in 1 : vector<114x20xf32>, vector<114x32xf32> -> vector<114x52xf32>
    %iota3A_57 = tpu.iota {dimensions = array<i32: 0>} : vector<52x1xi32>
    %iota3A_58 = tpu.iota {dimensions = array<i32: 1>} : vector<1x52xi32>
    %eq3A = vector.broadcast %iota3A_57 : vector<52x1xi32> to vector<52x52xi32>
    %eq3A_59 = vector.broadcast %iota3A_58 : vector<1x52xi32> to vector<52x52xi32>
    %eq3A_60 = arith.cmpi eq, %eq3A, %eq3A_59 : vector<52x52xi32>
    %convert_element_type3A = arith.extui %eq3A_60 : vector<52x52xi1> to vector<52x52xi32>
    %convert_element_type3A_61 = arith.sitofp %convert_element_type3A : vector<52x52xi32> to vector<52x52xf32>
    %dot_general3A_62 = arith.constant dense<0.000000e+00> : vector<52x114xf32>
    %dot_general3A_63 = tpu.matmul %convert_element_type3A_61, %concatenate3A_56, %dot_general3A_62 {dimension_numbers = #tpu.dot_dimension_numbers<[1], [1], [0], [0], [0, 0, 1, 0], [], []>, transpose_lhs_hint = false} : vector<52x52xf32>, vector<114x52xf32>, vector<52x114xf32> -> vector<52x114xf32>
    %convert_element_type3A_64 = arith.truncf %dot_general3A_63 : vector<52x114xf32> to vector<52x114xbf16>
    %convert_element_type3A_65 = arith.extf %convert_element_type3A_64 : vector<52x114xbf16> to vector<52x114xf32>
    %sub3A = arith.subf %dot_general3A_63, %convert_element_type3A_65 : vector<52x114xf32>
    %convert_element_type3A_66 = arith.truncf %sub3A : vector<52x114xf32> to vector<52x114xbf16>
    %broadcast_in_dim3A_67 = arith.constant 0.000000e+00 : f32
    %broadcast_in_dim3A_68 = vector.broadcast %broadcast_in_dim3A_67 : f32 to vector<32x512xf32>
    %slice3A = vector.extract_strided_slice %select_n3A_27 {offsets = [0, 0], sizes = [1, 2048], strides = [1, 1]} : vector<16x2048xi32> to vector<1x2048xi32>
    %eq3A_69 = vector.broadcast %slice3A : vector<1x2048xi32> to vector<114x2048xi32>
    %eq3A_70 = vector.broadcast %iota3A : vector<114x1xi32> to vector<114x2048xi32>
    %eq3A_71 = arith.cmpi eq, %eq3A_69, %eq3A_70 : vector<114x2048xi32>
    %slice3A_72 = vector.extract_strided_slice %add3A_35 {offsets = [0, 0], sizes = [1, 2048], strides = [1, 1]} : vector<16x2048xi32> to vector<1x2048xi32>
    %eq3A_73 = vector.broadcast %slice3A_72 : vector<1x2048xi32> to vector<114x2048xi32>
    %eq3A_74 = vector.broadcast %iota3A : vector<114x1xi32> to vector<114x2048xi32>
    %eq3A_75 = arith.cmpi eq, %eq3A_73, %eq3A_74 : vector<114x2048xi32>
    %or3A = arith.ori %eq3A_71, %eq3A_75 : vector<114x2048xi1>
    %convert_element_type3A_76 = arith.extui %or3A : vector<114x2048xi1> to vector<114x2048xi32>
    %convert_element_type3A_77 = arith.sitofp %convert_element_type3A_76 : vector<114x2048xi32> to vector<114x2048xf32>
    %convert_element_type3A_78 = arith.truncf %convert_element_type3A_77 : vector<114x2048xf32> to vector<114x2048xbf16>
    %dot_general3A_79 = arith.constant dense<0.000000e+00> : vector<52x2048xf32>
    %dot_general3A_80 = tpu.matmul %convert_element_type3A_64, %convert_element_type3A_78, %dot_general3A_79 {dimension_numbers = #tpu.dot_dimension_numbers<[1], [0], [0], [1], [0, 0, 1, 1], [], []>, transpose_lhs_hint = false} : vector<52x114xbf16>, vector<114x2048xbf16>, vector<52x2048xf32> -> vector<52x2048xf32>
    %dot_general3A_81 = arith.constant dense<0.000000e+00> : vector<52x2048xf32>
    %dot_general3A_82 = tpu.matmul %convert_element_type3A_66, %convert_element_type3A_78, %dot_general3A_81 {dimension_numbers = #tpu.dot_dimension_numbers<[1], [0], [0], [1], [0, 0, 1, 1], [], []>, transpose_lhs_hint = false} : vector<52x114xbf16>, vector<114x2048xbf16>, vector<52x2048xf32> -> vector<52x2048xf32>
    %add3A_83 = arith.addf %dot_general3A_80, %dot_general3A_82 : vector<52x2048xf32>
    %slice3A_84 = vector.extract_strided_slice %add3A_83 {offsets = [0, 0], sizes = [20, 2048], strides = [1, 1]} : vector<52x2048xf32> to vector<20x2048xf32>
    %swap3A_85 = arith.constant 0 : index
    %swap3A_86 = arith.constant 0 : index
    %swap3A_87 = vector.load %arg8[%swap3A_85, %swap3A_86] : memref<20x32768xf32, #tpu.memory_space<vmem>>, vector<20x2048xf32>
    tpu.vector_store %arg8[%swap3A_85, %swap3A_86], %slice3A_84 {strides = array<i32>} : memref<20x32768xf32, #tpu.memory_space<vmem>>, vector<20x2048xf32>,
    %slice3A_88 = vector.extract_strided_slice %add3A_83 {offsets = [20, 0], sizes = [32, 2048], strides = [1, 1]} : vector<52x2048xf32> to vector<32x2048xf32>
    %slice3A_89 = vector.extract_strided_slice %slice3A_88 {offsets = [0, 0], sizes = [32, 512], strides = [1, 1]} : vector<32x2048xf32> to vector<32x512xf32>
    %dot_general3A_90 = arith.constant dense<0.000000e+00> : vector<32x512xf32>
    %dot_general3A_91 = tpu.matmul %get3A_41, %broadcast_in_dim3A_68, %dot_general3A_90 {dimension_numbers = #tpu.dot_dimension_numbers<[1], [0], [0], [1], [0, 0, 1, 1], [], []>, transpose_lhs_hint = false} : vector<32x32xf32>, vector<32x512xf32>, vector<32x512xf32> -> vector<32x512xf32>
    %add3A_92 = arith.addf %slice3A_89, %dot_general3A_91 : vector<32x512xf32>
    %add3A_93 = vector.broadcast %add3A_48 : vector<32x1xf32> to vector<32x512xf32>
    %add3A_94 = arith.addf %add3A_92, %add3A_93 : vector<32x512xf32>
    %slice3A_95 = vector.extract_strided_slice %lt3A_9 {offsets = [0, 0], sizes = [1, 512], strides = [1, 1]} : vector<16x2048xi1> to vector<1x512xi1>
    %tanh3A = math.tanh %add3A_94 : vector<32x512xf32>
    %broadcast_in_dim3A_96 = vector.shape_cast %slice3A_95 : vector<1x512xi1> to vector<1x512xi1>
    %broadcast_in_dim3A_97 = vector.broadcast %broadcast_in_dim3A_96 : vector<1x512xi1> to vector<32x512xi1>
    %select_n3A_98 = arith.select %broadcast_in_dim3A_97, %tanh3A, %broadcast_in_dim3A_68 : vector<32x512xi1>, vector<32x512xf32>
    %slice3A_99 = vector.extract_strided_slice %slice3A_88 {offsets = [0, 512], sizes = [32, 512], strides = [1, 1]} : vector<32x2048xf32> to vector<32x512xf32>
    %dot_general3A_100 = arith.constant dense<0.000000e+00> : vector<32x512xf32>
    %dot_general3A_101 = tpu.matmul %get3A_41, %select_n3A_98, %dot_general3A_100 {dimension_numbers = #tpu.dot_dimension_numbers<[1], [0], [0], [1], [0, 0, 1, 1], [], []>, transpose_lhs_hint = false} : vector<32x32xf32>, vector<32x512xf32>, vector<32x512xf32> -> vector<32x512xf32>
    %add3A_102 = arith.addf %slice3A_99, %dot_general3A_101 : vector<32x512xf32>
    %add3A_103 = vector.broadcast %add3A_48 : vector<32x1xf32> to vector<32x512xf32>
    %add3A_104 = arith.addf %add3A_102, %add3A_103 : vector<32x512xf32>
    %slice3A_105 = vector.extract_strided_slice %lt3A_9 {offsets = [0, 512], sizes = [1, 512], strides = [1, 1]} : vector<16x2048xi1> to vector<1x512xi1>
    %tanh3A_106 = math.tanh %add3A_104 : vector<32x512xf32>
    %broadcast_in_dim3A_107 = vector.shape_cast %slice3A_105 : vector<1x512xi1> to vector<1x512xi1>
    %broadcast_in_dim3A_108 = vector.broadcast %broadcast_in_dim3A_107 : vector<1x512xi1> to vector<32x512xi1>
    %select_n3A_109 = arith.select %broadcast_in_dim3A_108, %tanh3A_106, %select_n3A_98 : vector<32x512xi1>, vector<32x512xf32>
    %slice3A_110 = vector.extract_strided_slice %slice3A_88 {offsets = [0, 1024], sizes = [32, 512], strides = [1, 1]} : vector<32x2048xf32> to vector<32x512xf32>
    %dot_general3A_111 = arith.constant dense<0.000000e+00> : vector<32x512xf32>
    %dot_general3A_112 = tpu.matmul %get3A_41, %select_n3A_109, %dot_general3A_111 {dimension_numbers = #tpu.dot_dimension_numbers<[1], [0], [0], [1], [0, 0, 1, 1], [], []>, transpose_lhs_hint = false} : vector<32x32xf32>, vector<32x512xf32>, vector<32x512xf32> -> vector<32x512xf32>
    %add3A_113 = arith.addf %slice3A_110, %dot_general3A_112 : vector<32x512xf32>
    %add3A_114 = vector.broadcast %add3A_48 : vector<32x1xf32> to vector<32x512xf32>
    %add3A_115 = arith.addf %add3A_113, %add3A_114 : vector<32x512xf32>
    %slice3A_116 = vector.extract_strided_slice %lt3A_9 {offsets = [0, 1024], sizes = [1, 512], strides = [1, 1]} : vector<16x2048xi1> to vector<1x512xi1>
    %tanh3A_117 = math.tanh %add3A_115 : vector<32x512xf32>
    %broadcast_in_dim3A_118 = vector.shape_cast %slice3A_116 : vector<1x512xi1> to vector<1x512xi1>
    %broadcast_in_dim3A_119 = vector.broadcast %broadcast_in_dim3A_118 : vector<1x512xi1> to vector<32x512xi1>
    %select_n3A_120 = arith.select %broadcast_in_dim3A_119, %tanh3A_117, %select_n3A_109 : vector<32x512xi1>, vector<32x512xf32>
    %slice3A_121 = vector.extract_strided_slice %slice3A_88 {offsets = [0, 1536], sizes = [32, 512], strides = [1, 1]} : vector<32x2048xf32> to vector<32x512xf32>
    %dot_general3A_122 = arith.constant dense<0.000000e+00> : vector<32x512xf32>
    %dot_general3A_123 = tpu.matmul %get3A_41, %select_n3A_120, %dot_general3A_122 {dimension_numbers = #tpu.dot_dimension_numbers<[1], [0], [0], [1], [0, 0, 1, 1], [], []>, transpose_lhs_hint = false} : vector<32x32xf32>, vector<32x512xf32>, vector<32x512xf32> -> vector<32x512xf32>
    %add3A_124 = arith.addf %slice3A_121, %dot_general3A_123 : vector<32x512xf32>
    %add3A_125 = vector.broadcast %add3A_48 : vector<32x1xf32> to vector<32x512xf32>
    %add3A_126 = arith.addf %add3A_124, %add3A_125 : vector<32x512xf32>
    %slice3A_127 = vector.extract_strided_slice %lt3A_9 {offsets = [0, 1536], sizes = [1, 512], strides = [1, 1]} : vector<16x2048xi1> to vector<1x512xi1>
    %tanh3A_128 = math.tanh %add3A_126 : vector<32x512xf32>
    %broadcast_in_dim3A_129 = vector.shape_cast %slice3A_127 : vector<1x512xi1> to vector<1x512xi1>
    %broadcast_in_dim3A_130 = vector.broadcast %broadcast_in_dim3A_129 : vector<1x512xi1> to vector<32x512xi1>
    %select_n3A_131 = arith.select %broadcast_in_dim3A_130, %tanh3A_128, %select_n3A_120 : vector<32x512xi1>, vector<32x512xf32>
    %slice3A_132 = vector.extract_strided_slice %select_n3A_27 {offsets = [1, 0], sizes = [1, 2048], strides = [1, 1]} : vector<16x2048xi32> to vector<1x2048xi32>
    %eq3A_133 = vector.broadcast %slice3A_132 : vector<1x2048xi32> to vector<114x2048xi32>
    %eq3A_134 = vector.broadcast %iota3A : vector<114x1xi32> to vector<114x2048xi32>
    %eq3A_135 = arith.cmpi eq, %eq3A_133, %eq3A_134 : vector<114x2048xi32>
    %slice3A_136 = vector.extract_strided_slice %add3A_35 {offsets = [1, 0], sizes = [1, 2048], strides = [1, 1]} : vector<16x2048xi32> to vector<1x2048xi32>
    %eq3A_137 = vector.broadcast %slice3A_136 : vector<1x2048xi32> to vector<114x2048xi32>
    %eq3A_138 = vector.broadcast %iota3A : vector<114x1xi32> to vector<114x2048xi32>
    %eq3A_139 = arith.cmpi eq, %eq3A_137, %eq3A_138 : vector<114x2048xi32>
    %or3A_140 = arith.ori %eq3A_135, %eq3A_139 : vector<114x2048xi1>
    %convert_element_type3A_141 = arith.extui %or3A_140 : vector<114x2048xi1> to vector<114x2048xi32>
    %convert_element_type3A_142 = arith.sitofp %convert_element_type3A_141 : vector<114x2048xi32> to vector<114x2048xf32>
    %convert_element_type3A_143 = arith.truncf %convert_element_type3A_142 : vector<114x2048xf32> to vector<114x2048xbf16>
    %dot_general3A_144 = arith.constant dense<0.000000e+00> : vector<52x2048xf32>
    %dot_general3A_145 = tpu.matmul %convert_element_type3A_64, %convert_element_type3A_143, %dot_general3A_144 {dimension_numbers = #tpu.dot_dimension_numbers<[1], [0], [0], [1], [0, 0, 1, 1], [], []>, transpose_lhs_hint = false} : vector<52x114xbf16>, vector<114x2048xbf16>, vector<52x2048xf32> -> vector<52x2048xf32>
    %dot_general3A_146 = arith.constant dense<0.000000e+00> : vector<52x2048xf32>
    %dot_general3A_147 = tpu.matmul %convert_element_type3A_66, %convert_element_type3A_143, %dot_general3A_146 {dimension_numbers = #tpu.dot_dimension_numbers<[1], [0], [0], [1], [0, 0, 1, 1], [], []>, transpose_lhs_hint = false} : vector<52x114xbf16>, vector<114x2048xbf16>, vector<52x2048xf32> -> vector<52x2048xf32>
    %add3A_148 = arith.addf %dot_general3A_145, %dot_general3A_147 : vector<52x2048xf32>
    %slice3A_149 = vector.extract_strided_slice %add3A_148 {offsets = [0, 0], sizes = [20, 2048], strides = [1, 1]} : vector<52x2048xf32> to vector<20x2048xf32>
    %swap3A_150 = arith.constant 0 : index
    %swap3A_151 = arith.constant 2048 : index
    %swap3A_152 = vector.load %arg8[%swap3A_150, %swap3A_151] : memref<20x32768xf32, #tpu.memory_space<vmem>>, vector<20x2048xf32>
    tpu.vector_store %arg8[%swap3A_150, %swap3A_151], %slice3A_149 {strides = array<i32>} : memref<20x32768xf32, #tpu.memory_space<vmem>>, vector<20x2048xf32>,
    %slice3A_153 = vector.extract_strided_slice %add3A_148 {offsets = [20, 0], sizes = [32, 2048], strides = [1, 1]} : vector<52x2048xf32> to vector<32x2048xf32>
    %slice3A_154 = vector.extract_strided_slice %slice3A_153 {offsets = [0, 0], sizes = [32, 512], strides = [1, 1]} : vector<32x2048xf32> to vector<32x512xf32>
    %dot_general3A_155 = arith.constant dense<0.000000e+00> : vector<32x512xf32>
    %dot_general3A_156 = tpu.matmul %get3A_41, %select_n3A_131, %dot_general3A_155 {dimension_numbers = #tpu.dot_dimension_numbers<[1], [0], [0], [1], [0, 0, 1, 1], [], []>, transpose_lhs_hint = false} : vector<32x32xf32>, vector<32x512xf32>, vector<32x512xf32> -> vector<32x512xf32>
    %add3A_157 = arith.addf %slice3A_154, %dot_general3A_156 : vector<32x512xf32>
    %add3A_158 = vector.broadcast %add3A_48 : vector<32x1xf32> to vector<32x512xf32>
    %add3A_159 = arith.addf %add3A_157, %add3A_158 : vector<32x512xf32>
    %slice3A_160 = vector.extract_strided_slice %lt3A_9 {offsets = [1, 0], sizes = [1, 512], strides = [1, 1]} : vector<16x2048xi1> to vector<1x512xi1>
    %tanh3A_161 = math.tanh %add3A_159 : vector<32x512xf32>
    %broadcast_in_dim3A_162 = vector.shape_cast %slice3A_160 : vector<1x512xi1> to vector<1x512xi1>
    %broadcast_in_dim3A_163 = vector.broadcast %broadcast_in_dim3A_162 : vector<1x512xi1> to vector<32x512xi1>
    %select_n3A_164 = arith.select %broadcast_in_dim3A_163, %tanh3A_161, %select_n3A_131 : vector<32x512xi1>, vector<32x512xf32>
    %slice3A_165 = vector.extract_strided_slice %slice3A_153 {offsets = [0, 512], sizes = [32, 512], strides = [1, 1]} : vector<32x2048xf32> to vector<32x512xf32>
    %dot_general3A_166 = arith.constant dense<0.000000e+00> : vector<32x512xf32>
    %dot_general3A_167 = tpu.matmul %get3A_41, %select_n3A_164, %dot_general3A_166 {dimension_numbers = #tpu.dot_dimension_numbers<[1], [0], [0], [1], [0, 0, 1, 1], [], []>, transpose_lhs_hint = false} : vector<32x32xf32>, vector<32x512xf32>, vector<32x512xf32> -> vector<32x512xf32>
    %add3A_168 = arith.addf %slice3A_165, %dot_general3A_167 : vector<32x512xf32>
    %add3A_169 = vector.broadcast %add3A_48 : vector<32x1xf32> to vector<32x512xf32>
    %add3A_170 = arith.addf %add3A_168, %add3A_169 : vector<32x512xf32>
    %slice3A_171 = vector.extract_strided_slice %lt3A_9 {offsets = [1, 512], sizes = [1, 512], strides = [1, 1]} : vector<16x2048xi1> to vector<1x512xi1>
    %tanh3A_172 = math.tanh %add3A_170 : vector<32x512xf32>
    %broadcast_in_dim3A_173 = vector.shape_cast %slice3A_171 : vector<1x512xi1> to vector<1x512xi1>
    %broadcast_in_dim3A_174 = vector.broadcast %broadcast_in_dim3A_173 : vector<1x512xi1> to vector<32x512xi1>
    %select_n3A_175 = arith.select %broadcast_in_dim3A_174, %tanh3A_172, %select_n3A_164 : vector<32x512xi1>, vector<32x512xf32>
    %slice3A_176 = vector.extract_strided_slice %slice3A_153 {offsets = [0, 1024], sizes = [32, 512], strides = [1, 1]} : vector<32x2048xf32> to vector<32x512xf32>
    %dot_general3A_177 = arith.constant dense<0.000000e+00> : vector<32x512xf32>
    %dot_general3A_178 = tpu.matmul %get3A_41, %select_n3A_175, %dot_general3A_177 {dimension_numbers = #tpu.dot_dimension_numbers<[1], [0], [0], [1], [0, 0, 1, 1], [], []>, transpose_lhs_hint = false} : vector<32x32xf32>, vector<32x512xf32>, vector<32x512xf32> -> vector<32x512xf32>
    %add3A_179 = arith.addf %slice3A_176, %dot_general3A_178 : vector<32x512xf32>
    %add3A_180 = vector.broadcast %add3A_48 : vector<32x1xf32> to vector<32x512xf32>
    %add3A_181 = arith.addf %add3A_179, %add3A_180 : vector<32x512xf32>
    %slice3A_182 = vector.extract_strided_slice %lt3A_9 {offsets = [1, 1024], sizes = [1, 512], strides = [1, 1]} : vector<16x2048xi1> to vector<1x512xi1>
    %tanh3A_183 = math.tanh %add3A_181 : vector<32x512xf32>
    %broadcast_in_dim3A_184 = vector.shape_cast %slice3A_182 : vector<1x512xi1> to vector<1x512xi1>
    %broadcast_in_dim3A_185 = vector.broadcast %broadcast_in_dim3A_184 : vector<1x512xi1> to vector<32x512xi1>
    %select_n3A_186 = arith.select %broadcast_in_dim3A_185, %tanh3A_183, %select_n3A_175 : vector<32x512xi1>, vector<32x512xf32>
    %slice3A_187 = vector.extract_strided_slice %slice3A_153 {offsets = [0, 1536], sizes = [32, 512], strides = [1, 1]} : vector<32x2048xf32> to vector<32x512xf32>
    %dot_general3A_188 = arith.constant dense<0.000000e+00> : vector<32x512xf32>
    %dot_general3A_189 = tpu.matmul %get3A_41, %select_n3A_186, %dot_general3A_188 {dimension_numbers = #tpu.dot_dimension_numbers<[1], [0], [0], [1], [0, 0, 1, 1], [], []>, transpose_lhs_hint = false} : vector<32x32xf32>, vector<32x512xf32>, vector<32x512xf32> -> vector<32x512xf32>
    %add3A_190 = arith.addf %slice3A_187, %dot_general3A_189 : vector<32x512xf32>
    %add3A_191 = vector.broadcast %add3A_48 : vector<32x1xf32> to vector<32x512xf32>
    %add3A_192 = arith.addf %add3A_190, %add3A_191 : vector<32x512xf32>
    %slice3A_193 = vector.extract_strided_slice %lt3A_9 {offsets = [1, 1536], sizes = [1, 512], strides = [1, 1]} : vector<16x2048xi1> to vector<1x512xi1>
    %tanh3A_194 = math.tanh %add3A_192 : vector<32x512xf32>
    %broadcast_in_dim3A_195 = vector.shape_cast %slice3A_193 : vector<1x512xi1> to vector<1x512xi1>
    %broadcast_in_dim3A_196 = vector.broadcast %broadcast_in_dim3A_195 : vector<1x512xi1> to vector<32x512xi1>
    %select_n3A_197 = arith.select %broadcast_in_dim3A_196, %tanh3A_194, %select_n3A_186 : vector<32x512xi1>, vector<32x512xf32>
    %slice3A_198 = vector.extract_strided_slice %select_n3A_27 {offsets = [2, 0], sizes = [1, 2048], strides = [1, 1]} : vector<16x2048xi32> to vector<1x2048xi32>
    %eq3A_199 = vector.broadcast %slice3A_198 : vector<1x2048xi32> to vector<114x2048xi32>
    %eq3A_200 = vector.broadcast %iota3A : vector<114x1xi32> to vector<114x2048xi32>
    %eq3A_201 = arith.cmpi eq, %eq3A_199, %eq3A_200 : vector<114x2048xi32>
    %slice3A_202 = vector.extract_strided_slice %add3A_35 {offsets = [2, 0], sizes = [1, 2048], strides = [1, 1]} : vector<16x2048xi32> to vector<1x2048xi32>
    %eq3A_203 = vector.broadcast %slice3A_202 : vector<1x2048xi32> to vector<114x2048xi32>
    %eq3A_204 = vector.broadcast %iota3A : vector<114x1xi32> to vector<114x2048xi32>
    %eq3A_205 = arith.cmpi eq, %eq3A_203, %eq3A_204 : vector<114x2048xi32>
    %or3A_206 = arith.ori %eq3A_201, %eq3A_205 : vector<114x2048xi1>
    %convert_element_type3A_207 = arith.extui %or3A_206 : vector<114x2048xi1> to vector<114x2048xi32>
    %convert_element_type3A_208 = arith.sitofp %convert_element_type3A_207 : vector<114x2048xi32> to vector<114x2048xf32>
    %convert_element_type3A_209 = arith.truncf %convert_element_type3A_208 : vector<114x2048xf32> to vector<114x2048xbf16>
    %dot_general3A_210 = arith.constant dense<0.000000e+00> : vector<52x2048xf32>
    %dot_general3A_211 = tpu.matmul %convert_element_type3A_64, %convert_element_type3A_209, %dot_general3A_210 {dimension_numbers = #tpu.dot_dimension_numbers<[1], [0], [0], [1], [0, 0, 1, 1], [], []>, transpose_lhs_hint = false} : vector<52x114xbf16>, vector<114x2048xbf16>, vector<52x2048xf32> -> vector<52x2048xf32>
    %dot_general3A_212 = arith.constant dense<0.000000e+00> : vector<52x2048xf32>
    %dot_general3A_213 = tpu.matmul %convert_element_type3A_66, %convert_element_type3A_209, %dot_general3A_212 {dimension_numbers = #tpu.dot_dimension_numbers<[1], [0], [0], [1], [0, 0, 1, 1], [], []>, transpose_lhs_hint = false} : vector<52x114xbf16>, vector<114x2048xbf16>, vector<52x2048xf32> -> vector<52x2048xf32>
    %add3A_214 = arith.addf %dot_general3A_211, %dot_general3A_213 : vector<52x2048xf32>
    %slice3A_215 = vector.extract_strided_slice %add3A_214 {offsets = [0, 0], sizes = [20, 2048], strides = [1, 1]} : vector<52x2048xf32> to vector<20x2048xf32>
    %swap3A_216 = arith.constant 0 : index
    %swap3A_217 = arith.constant 4096 : index
    %swap3A_218 = vector.load %arg8[%swap3A_216, %swap3A_217] : memref<20x32768xf32, #tpu.memory_space<vmem>>, vector<20x2048xf32>
    tpu.vector_store %arg8[%swap3A_216, %swap3A_217], %slice3A_215 {strides = array<i32>} : memref<20x32768xf32, #tpu.memory_space<vmem>>, vector<20x2048xf32>,
    %slice3A_219 = vector.extract_strided_slice %add3A_214 {offsets = [20, 0], sizes = [32, 2048], strides = [1, 1]} : vector<52x2048xf32> to vector<32x2048xf32>
    %slice3A_220 = vector.extract_strided_slice %slice3A_219 {offsets = [0, 0], sizes = [32, 512], strides = [1, 1]} : vector<32x2048xf32> to vector<32x512xf32>
    %dot_general3A_221 = arith.constant dense<0.000000e+00> : vector<32x512xf32>
    %dot_general3A_222 = tpu.matmul %get3A_41, %select_n3A_197, %dot_general3A_221 {dimension_numbers = #tpu.dot_dimension_numbers<[1], [0], [0], [1], [0, 0, 1, 1], [], []>, transpose_lhs_hint = false} : vector<32x32xf32>, vector<32x512xf32>, vector<32x512xf32> -> vector<32x512xf32>
    %add3A_223 = arith.addf %slice3A_220, %dot_general3A_222 : vector<32x512xf32>
    %add3A_224 = vector.broadcast %add3A_48 : vector<32x1xf32> to vector<32x512xf32>
    %add3A_225 = arith.addf %add3A_223, %add3A_224 : vector<32x512xf32>
    %slice3A_226 = vector.extract_strided_slice %lt3A_9 {offsets = [2, 0], sizes = [1, 512], strides = [1, 1]} : vector<16x2048xi1> to vector<1x512xi1>
    %tanh3A_227 = math.tanh %add3A_225 : vector<32x512xf32>
    %broadcast_in_dim3A_228 = vector.shape_cast %slice3A_226 : vector<1x512xi1> to vector<1x512xi1>
    %broadcast_in_dim3A_229 = vector.broadcast %broadcast_in_dim3A_228 : vector<1x512xi1> to vector<32x512xi1>
    %select_n3A_230 = arith.select %broadcast_in_dim3A_229, %tanh3A_227, %select_n3A_197 : vector<32x512xi1>, vector<32x512xf32>
    %slice3A_231 = vector.extract_strided_slice %slice3A_219 {offsets = [0, 512], sizes = [32, 512], strides = [1, 1]} : vector<32x2048xf32> to vector<32x512xf32>
    %dot_general3A_232 = arith.constant dense<0.000000e+00> : vector<32x512xf32>
    %dot_general3A_233 = tpu.matmul %get3A_41, %select_n3A_230, %dot_general3A_232 {dimension_numbers = #tpu.dot_dimension_numbers<[1], [0], [0], [1], [0, 0, 1, 1], [], []>, transpose_lhs_hint = false} : vector<32x32xf32>, vector<32x512xf32>, vector<32x512xf32> -> vector<32x512xf32>
    %add3A_234 = arith.addf %slice3A_231, %dot_general3A_233 : vector<32x512xf32>
    %add3A_235 = vector.broadcast %add3A_48 : vector<32x1xf32> to vector<32x512xf32>
    %add3A_236 = arith.addf %add3A_234, %add3A_235 : vector<32x512xf32>
    %slice3A_237 = vector.extract_strided_slice %lt3A_9 {offsets = [2, 512], sizes = [1, 512], strides = [1, 1]} : vector<16x2048xi1> to vector<1x512xi1>
    %tanh3A_238 = math.tanh %add3A_236 : vector<32x512xf32>
    %broadcast_in_dim3A_239 = vector.shape_cast %slice3A_237 : vector<1x512xi1> to vector<1x512xi1>
    %broadcast_in_dim3A_240 = vector.broadcast %broadcast_in_dim3A_239 : vector<1x512xi1> to vector<32x512xi1>
    %select_n3A_241 = arith.select %broadcast_in_dim3A_240, %tanh3A_238, %select_n3A_230 : vector<32x512xi1>, vector<32x512xf32>
    %slice3A_242 = vector.extract_strided_slice %slice3A_219 {offsets = [0, 1024], sizes = [32, 512], strides = [1, 1]} : vector<32x2048xf32> to vector<32x512xf32>
    %dot_general3A_243 = arith.constant dense<0.000000e+00> : vector<32x512xf32>
    %dot_general3A_244 = tpu.matmul %get3A_41, %select_n3A_241, %dot_general3A_243 {dimension_numbers = #tpu.dot_dimension_numbers<[1], [0], [0], [1], [0, 0, 1, 1], [], []>, transpose_lhs_hint = false} : vector<32x32xf32>, vector<32x512xf32>, vector<32x512xf32> -> vector<32x512xf32>
    %add3A_245 = arith.addf %slice3A_242, %dot_general3A_244 : vector<32x512xf32>
    %add3A_246 = vector.broadcast %add3A_48 : vector<32x1xf32> to vector<32x512xf32>
    %add3A_247 = arith.addf %add3A_245, %add3A_246 : vector<32x512xf32>
    %slice3A_248 = vector.extract_strided_slice %lt3A_9 {offsets = [2, 1024], sizes = [1, 512], strides = [1, 1]} : vector<16x2048xi1> to vector<1x512xi1>
    %tanh3A_249 = math.tanh %add3A_247 : vector<32x512xf32>
    %broadcast_in_dim3A_250 = vector.shape_cast %slice3A_248 : vector<1x512xi1> to vector<1x512xi1>
    %broadcast_in_dim3A_251 = vector.broadcast %broadcast_in_dim3A_250 : vector<1x512xi1> to vector<32x512xi1>
    %select_n3A_252 = arith.select %broadcast_in_dim3A_251, %tanh3A_249, %select_n3A_241 : vector<32x512xi1>, vector<32x512xf32>
    %slice3A_253 = vector.extract_strided_slice %slice3A_219 {offsets = [0, 1536], sizes = [32, 512], strides = [1, 1]} : vector<32x2048xf32> to vector<32x512xf32>
    %dot_general3A_254 = arith.constant dense<0.000000e+00> : vector<32x512xf32>
    %dot_general3A_255 = tpu.matmul %get3A_41, %select_n3A_252, %dot_general3A_254 {dimension_numbers = #tpu.dot_dimension_numbers<[1], [0], [0], [1], [0, 0, 1, 1], [], []>, transpose_lhs_hint = false} : vector<32x32xf32>, vector<32x512xf32>, vector<32x512xf32> -> vector<32x512xf32>
    %add3A_256 = arith.addf %slice3A_253, %dot_general3A_255 : vector<32x512xf32>
    %add3A_257 = vector.broadcast %add3A_48 : vector<32x1xf32> to vector<32x512xf32>
    %add3A_258 = arith.addf %add3A_256, %add3A_257 : vector<32x512xf32>
    %slice3A_259 = vector.extract_strided_slice %lt3A_9 {offsets = [2, 1536], sizes = [1, 512], strides = [1, 1]} : vector<16x2048xi1> to vector<1x512xi1>
    %tanh3A_260 = math.tanh %add3A_258 : vector<32x512xf32>
    %broadcast_in_dim3A_261 = vector.shape_cast %slice3A_259 : vector<1x512xi1> to vector<1x512xi1>
    %broadcast_in_dim3A_262 = vector.broadcast %broadcast_in_dim3A_261 : vector<1x512xi1> to vector<32x512xi1>
    %select_n3A_263 = arith.select %broadcast_in_dim3A_262, %tanh3A_260, %select_n3A_252 : vector<32x512xi1>, vector<32x512xf32>
    %slice3A_264 = vector.extract_strided_slice %select_n3A_27 {offsets = [3, 0], sizes = [1, 2048], strides = [1, 1]} : vector<16x2048xi32> to vector<1x2048xi32>
    %eq3A_265 = vector.broadcast %slice3A_264 : vector<1x2048xi32> to vector<114x2048xi32>
    %eq3A_266 = vector.broadcast %iota3A : vector<114x1xi32> to vector<114x2048xi32>
    %eq3A_267 = arith.cmpi eq, %eq3A_265, %eq3A_266 : vector<114x2048xi32>
    %slice3A_268 = vector.extract_strided_slice %add3A_35 {offsets = [3, 0], sizes = [1, 2048], strides = [1, 1]} : vector<16x2048xi32> to vector<1x2048xi32>
    %eq3A_269 = vector.broadcast %slice3A_268 : vector<1x2048xi32> to vector<114x2048xi32>
    %eq3A_270 = vector.broadcast %iota3A : vector<114x1xi32> to vector<114x2048xi32>
    %eq3A_271 = arith.cmpi eq, %eq3A_269, %eq3A_270 : vector<114x2048xi32>
    %or3A_272 = arith.ori %eq3A_267, %eq3A_271 : vector<114x2048xi1>
    %convert_element_type3A_273 = arith.extui %or3A_272 : vector<114x2048xi1> to vector<114x2048xi32>
    %convert_element_type3A_274 = arith.sitofp %convert_element_type3A_273 : vector<114x2048xi32> to vector<114x2048xf32>
    %convert_element_type3A_275 = arith.truncf %convert_element_type3A_274 : vector<114x2048xf32> to vector<114x2048xbf16>
    %dot_general3A_276 = arith.constant dense<0.000000e+00> : vector<52x2048xf32>
    %dot_general3A_277 = tpu.matmul %convert_element_type3A_64, %convert_element_type3A_275, %dot_general3A_276 {dimension_numbers = #tpu.dot_dimension_numbers<[1], [0], [0], [1], [0, 0, 1, 1], [], []>, transpose_lhs_hint = false} : vector<52x114xbf16>, vector<114x2048xbf16>, vector<52x2048xf32> -> vector<52x2048xf32>
    %dot_general3A_278 = arith.constant dense<0.000000e+00> : vector<52x2048xf32>
    %dot_general3A_279 = tpu.matmul %convert_element_type3A_66, %convert_element_type3A_275, %dot_general3A_278 {dimension_numbers = #tpu.dot_dimension_numbers<[1], [0], [0], [1], [0, 0, 1, 1], [], []>, transpose_lhs_hint = false} : vector<52x114xbf16>, vector<114x2048xbf16>, vector<52x2048xf32> -> vector<52x2048xf32>
    %add3A_280 = arith.addf %dot_general3A_277, %dot_general3A_279 : vector<52x2048xf32>
    %slice3A_281 = vector.extract_strided_slice %add3A_280 {offsets = [0, 0], sizes = [20, 2048], strides = [1, 1]} : vector<52x2048xf32> to vector<20x2048xf32>
    %swap3A_282 = arith.constant 0 : index
    %swap3A_283 = arith.constant 6144 : index
    %swap3A_284 = vector.load %arg8[%swap3A_282, %swap3A_283] : memref<20x32768xf32, #tpu.memory_space<vmem>>, vector<20x2048xf32>
    tpu.vector_store %arg8[%swap3A_282, %swap3A_283], %slice3A_281 {strides = array<i32>} : memref<20x32768xf32, #tpu.memory_space<vmem>>, vector<20x2048xf32>,
    %slice3A_285 = vector.extract_strided_slice %add3A_280 {offsets = [20, 0], sizes = [32, 2048], strides = [1, 1]} : vector<52x2048xf32> to vector<32x2048xf32>
    %slice3A_286 = vector.extract_strided_slice %slice3A_285 {offsets = [0, 0], sizes = [32, 512], strides = [1, 1]} : vector<32x2048xf32> to vector<32x512xf32>
    %dot_general3A_287 = arith.constant dense<0.000000e+00> : vector<32x512xf32>
    %dot_general3A_288 = tpu.matmul %get3A_41, %select_n3A_263, %dot_general3A_287 {dimension_numbers = #tpu.dot_dimension_numbers<[1], [0], [0], [1], [0, 0, 1, 1], [], []>, transpose_lhs_hint = false} : vector<32x32xf32>, vector<32x512xf32>, vector<32x512xf32> -> vector<32x512xf32>
    %add3A_289 = arith.addf %slice3A_286, %dot_general3A_288 : vector<32x512xf32>
    %add3A_290 = vector.broadcast %add3A_48 : vector<32x1xf32> to vector<32x512xf32>
    %add3A_291 = arith.addf %add3A_289, %add3A_290 : vector<32x512xf32>
    %slice3A_292 = vector.extract_strided_slice %lt3A_9 {offsets = [3, 0], sizes = [1, 512], strides = [1, 1]} : vector<16x2048xi1> to vector<1x512xi1>
    %tanh3A_293 = math.tanh %add3A_291 : vector<32x512xf32>
    %broadcast_in_dim3A_294 = vector.shape_cast %slice3A_292 : vector<1x512xi1> to vector<1x512xi1>
    %broadcast_in_dim3A_295 = vector.broadcast %broadcast_in_dim3A_294 : vector<1x512xi1> to vector<32x512xi1>
    %select_n3A_296 = arith.select %broadcast_in_dim3A_295, %tanh3A_293, %select_n3A_263 : vector<32x512xi1>, vector<32x512xf32>
    %slice3A_297 = vector.extract_strided_slice %slice3A_285 {offsets = [0, 512], sizes = [32, 512], strides = [1, 1]} : vector<32x2048xf32> to vector<32x512xf32>
    %dot_general3A_298 = arith.constant dense<0.000000e+00> : vector<32x512xf32>
    %dot_general3A_299 = tpu.matmul %get3A_41, %select_n3A_296, %dot_general3A_298 {dimension_numbers = #tpu.dot_dimension_numbers<[1], [0], [0], [1], [0, 0, 1, 1], [], []>, transpose_lhs_hint = false} : vector<32x32xf32>, vector<32x512xf32>, vector<32x512xf32> -> vector<32x512xf32>
    %add3A_300 = arith.addf %slice3A_297, %dot_general3A_299 : vector<32x512xf32>
    %add3A_301 = vector.broadcast %add3A_48 : vector<32x1xf32> to vector<32x512xf32>
    %add3A_302 = arith.addf %add3A_300, %add3A_301 : vector<32x512xf32>
    %slice3A_303 = vector.extract_strided_slice %lt3A_9 {offsets = [3, 512], sizes = [1, 512], strides = [1, 1]} : vector<16x2048xi1> to vector<1x512xi1>
    %tanh3A_304 = math.tanh %add3A_302 : vector<32x512xf32>
    %broadcast_in_dim3A_305 = vector.shape_cast %slice3A_303 : vector<1x512xi1> to vector<1x512xi1>
    %broadcast_in_dim3A_306 = vector.broadcast %broadcast_in_dim3A_305 : vector<1x512xi1> to vector<32x512xi1>
    %select_n3A_307 = arith.select %broadcast_in_dim3A_306, %tanh3A_304, %select_n3A_296 : vector<32x512xi1>, vector<32x512xf32>
    %slice3A_308 = vector.extract_strided_slice %slice3A_285 {offsets = [0, 1024], sizes = [32, 512], strides = [1, 1]} : vector<32x2048xf32> to vector<32x512xf32>
    %dot_general3A_309 = arith.constant dense<0.000000e+00> : vector<32x512xf32>
    %dot_general3A_310 = tpu.matmul %get3A_41, %select_n3A_307, %dot_general3A_309 {dimension_numbers = #tpu.dot_dimension_numbers<[1], [0], [0], [1], [0, 0, 1, 1], [], []>, transpose_lhs_hint = false} : vector<32x32xf32>, vector<32x512xf32>, vector<32x512xf32> -> vector<32x512xf32>
    %add3A_311 = arith.addf %slice3A_308, %dot_general3A_310 : vector<32x512xf32>
    %add3A_312 = vector.broadcast %add3A_48 : vector<32x1xf32> to vector<32x512xf32>
    %add3A_313 = arith.addf %add3A_311, %add3A_312 : vector<32x512xf32>
    %slice3A_314 = vector.extract_strided_slice %lt3A_9 {offsets = [3, 1024], sizes = [1, 512], strides = [1, 1]} : vector<16x2048xi1> to vector<1x512xi1>
    %tanh3A_315 = math.tanh %add3A_313 : vector<32x512xf32>
    %broadcast_in_dim3A_316 = vector.shape_cast %slice3A_314 : vector<1x512xi1> to vector<1x512xi1>
    %broadcast_in_dim3A_317 = vector.broadcast %broadcast_in_dim3A_316 : vector<1x512xi1> to vector<32x512xi1>
    %select_n3A_318 = arith.select %broadcast_in_dim3A_317, %tanh3A_315, %select_n3A_307 : vector<32x512xi1>, vector<32x512xf32>
    %slice3A_319 = vector.extract_strided_slice %slice3A_285 {offsets = [0, 1536], sizes = [32, 512], strides = [1, 1]} : vector<32x2048xf32> to vector<32x512xf32>
    %dot_general3A_320 = arith.constant dense<0.000000e+00> : vector<32x512xf32>
    %dot_general3A_321 = tpu.matmul %get3A_41, %select_n3A_318, %dot_general3A_320 {dimension_numbers = #tpu.dot_dimension_numbers<[1], [0], [0], [1], [0, 0, 1, 1], [], []>, transpose_lhs_hint = false} : vector<32x32xf32>, vector<32x512xf32>, vector<32x512xf32> -> vector<32x512xf32>
    %add3A_322 = arith.addf %slice3A_319, %dot_general3A_321 : vector<32x512xf32>
    %add3A_323 = vector.broadcast %add3A_48 : vector<32x1xf32> to vector<32x512xf32>
    %add3A_324 = arith.addf %add3A_322, %add3A_323 : vector<32x512xf32>
    %slice3A_325 = vector.extract_strided_slice %lt3A_9 {offsets = [3, 1536], sizes = [1, 512], strides = [1, 1]} : vector<16x2048xi1> to vector<1x512xi1>
    %tanh3A_326 = math.tanh %add3A_324 : vector<32x512xf32>
    %broadcast_in_dim3A_327 = vector.shape_cast %slice3A_325 : vector<1x512xi1> to vector<1x512xi1>
    %broadcast_in_dim3A_328 = vector.broadcast %broadcast_in_dim3A_327 : vector<1x512xi1> to vector<32x512xi1>
    %select_n3A_329 = arith.select %broadcast_in_dim3A_328, %tanh3A_326, %select_n3A_318 : vector<32x512xi1>, vector<32x512xf32>
    %slice3A_330 = vector.extract_strided_slice %select_n3A_27 {offsets = [4, 0], sizes = [1, 2048], strides = [1, 1]} : vector<16x2048xi32> to vector<1x2048xi32>
    %eq3A_331 = vector.broadcast %slice3A_330 : vector<1x2048xi32> to vector<114x2048xi32>
    %eq3A_332 = vector.broadcast %iota3A : vector<114x1xi32> to vector<114x2048xi32>
    %eq3A_333 = arith.cmpi eq, %eq3A_331, %eq3A_332 : vector<114x2048xi32>
    %slice3A_334 = vector.extract_strided_slice %add3A_35 {offsets = [4, 0], sizes = [1, 2048], strides = [1, 1]} : vector<16x2048xi32> to vector<1x2048xi32>
    %eq3A_335 = vector.broadcast %slice3A_334 : vector<1x2048xi32> to vector<114x2048xi32>
    %eq3A_336 = vector.broadcast %iota3A : vector<114x1xi32> to vector<114x2048xi32>
    %eq3A_337 = arith.cmpi eq, %eq3A_335, %eq3A_336 : vector<114x2048xi32>
    %or3A_338 = arith.ori %eq3A_333, %eq3A_337 : vector<114x2048xi1>
    %convert_element_type3A_339 = arith.extui %or3A_338 : vector<114x2048xi1> to vector<114x2048xi32>
    %convert_element_type3A_340 = arith.sitofp %convert_element_type3A_339 : vector<114x2048xi32> to vector<114x2048xf32>
    %convert_element_type3A_341 = arith.truncf %convert_element_type3A_340 : vector<114x2048xf32> to vector<114x2048xbf16>
    %dot_general3A_342 = arith.constant dense<0.000000e+00> : vector<52x2048xf32>
    %dot_general3A_343 = tpu.matmul %convert_element_type3A_64, %convert_element_type3A_341, %dot_general3A_342 {dimension_numbers = #tpu.dot_dimension_numbers<[1], [0], [0], [1], [0, 0, 1, 1], [], []>, transpose_lhs_hint = false} : vector<52x114xbf16>, vector<114x2048xbf16>, vector<52x2048xf32> -> vector<52x2048xf32>
    %dot_general3A_344 = arith.constant dense<0.000000e+00> : vector<52x2048xf32>
    %dot_general3A_345 = tpu.matmul %convert_element_type3A_66, %convert_element_type3A_341, %dot_general3A_344 {dimension_numbers = #tpu.dot_dimension_numbers<[1], [0], [0], [1], [0, 0, 1, 1], [], []>, transpose_lhs_hint = false} : vector<52x114xbf16>, vector<114x2048xbf16>, vector<52x2048xf32> -> vector<52x2048xf32>
    %add3A_346 = arith.addf %dot_general3A_343, %dot_general3A_345 : vector<52x2048xf32>
    %slice3A_347 = vector.extract_strided_slice %add3A_346 {offsets = [0, 0], sizes = [20, 2048], strides = [1, 1]} : vector<52x2048xf32> to vector<20x2048xf32>
    %swap3A_348 = arith.constant 0 : index
    %swap3A_349 = arith.constant 8192 : index
    %swap3A_350 = vector.load %arg8[%swap3A_348, %swap3A_349] : memref<20x32768xf32, #tpu.memory_space<vmem>>, vector<20x2048xf32>
    tpu.vector_store %arg8[%swap3A_348, %swap3A_349], %slice3A_347 {strides = array<i32>} : memref<20x32768xf32, #tpu.memory_space<vmem>>, vector<20x2048xf32>,
    %slice3A_351 = vector.extract_strided_slice %add3A_346 {offsets = [20, 0], sizes = [32, 2048], strides = [1, 1]} : vector<52x2048xf32> to vector<32x2048xf32>
    %slice3A_352 = vector.extract_strided_slice %slice3A_351 {offsets = [0, 0], sizes = [32, 512], strides = [1, 1]} : vector<32x2048xf32> to vector<32x512xf32>
    %dot_general3A_353 = arith.constant dense<0.000000e+00> : vector<32x512xf32>
    %dot_general3A_354 = tpu.matmul %get3A_41, %select_n3A_329, %dot_general3A_353 {dimension_numbers = #tpu.dot_dimension_numbers<[1], [0], [0], [1], [0, 0, 1, 1], [], []>, transpose_lhs_hint = false} : vector<32x32xf32>, vector<32x512xf32>, vector<32x512xf32> -> vector<32x512xf32>
    %add3A_355 = arith.addf %slice3A_352, %dot_general3A_354 : vector<32x512xf32>
    %add3A_356 = vector.broadcast %add3A_48 : vector<32x1xf32> to vector<32x512xf32>
    %add3A_357 = arith.addf %add3A_355, %add3A_356 : vector<32x512xf32>
    %slice3A_358 = vector.extract_strided_slice %lt3A_9 {offsets = [4, 0], sizes = [1, 512], strides = [1, 1]} : vector<16x2048xi1> to vector<1x512xi1>
    %tanh3A_359 = math.tanh %add3A_357 : vector<32x512xf32>
    %broadcast_in_dim3A_360 = vector.shape_cast %slice3A_358 : vector<1x512xi1> to vector<1x512xi1>
    %broadcast_in_dim3A_361 = vector.broadcast %broadcast_in_dim3A_360 : vector<1x512xi1> to vector<32x512xi1>
    %select_n3A_362 = arith.select %broadcast_in_dim3A_361, %tanh3A_359, %select_n3A_329 : vector<32x512xi1>, vector<32x512xf32>
    %slice3A_363 = vector.extract_strided_slice %slice3A_351 {offsets = [0, 512], sizes = [32, 512], strides = [1, 1]} : vector<32x2048xf32> to vector<32x512xf32>
    %dot_general3A_364 = arith.constant dense<0.000000e+00> : vector<32x512xf32>
    %dot_general3A_365 = tpu.matmul %get3A_41, %select_n3A_362, %dot_general3A_364 {dimension_numbers = #tpu.dot_dimension_numbers<[1], [0], [0], [1], [0, 0, 1, 1], [], []>, transpose_lhs_hint = false} : vector<32x32xf32>, vector<32x512xf32>, vector<32x512xf32> -> vector<32x512xf32>
    %add3A_366 = arith.addf %slice3A_363, %dot_general3A_365 : vector<32x512xf32>
    %add3A_367 = vector.broadcast %add3A_48 : vector<32x1xf32> to vector<32x512xf32>
    %add3A_368 = arith.addf %add3A_366, %add3A_367 : vector<32x512xf32>
    %slice3A_369 = vector.extract_strided_slice %lt3A_9 {offsets = [4, 512], sizes = [1, 512], strides = [1, 1]} : vector<16x2048xi1> to vector<1x512xi1>
    %tanh3A_370 = math.tanh %add3A_368 : vector<32x512xf32>
    %broadcast_in_dim3A_371 = vector.shape_cast %slice3A_369 : vector<1x512xi1> to vector<1x512xi1>
    %broadcast_in_dim3A_372 = vector.broadcast %broadcast_in_dim3A_371 : vector<1x512xi1> to vector<32x512xi1>
    %select_n3A_373 = arith.select %broadcast_in_dim3A_372, %tanh3A_370, %select_n3A_362 : vector<32x512xi1>, vector<32x512xf32>
    %slice3A_374 = vector.extract_strided_slice %slice3A_351 {offsets = [0, 1024], sizes = [32, 512], strides = [1, 1]} : vector<32x2048xf32> to vector<32x512xf32>
    %dot_general3A_375 = arith.constant dense<0.000000e+00> : vector<32x512xf32>
    %dot_general3A_376 = tpu.matmul %get3A_41, %select_n3A_373, %dot_general3A_375 {dimension_numbers = #tpu.dot_dimension_numbers<[1], [0], [0], [1], [0, 0, 1, 1], [], []>, transpose_lhs_hint = false} : vector<32x32xf32>, vector<32x512xf32>, vector<32x512xf32> -> vector<32x512xf32>
    %add3A_377 = arith.addf %slice3A_374, %dot_general3A_376 : vector<32x512xf32>
    %add3A_378 = vector.broadcast %add3A_48 : vector<32x1xf32> to vector<32x512xf32>
    %add3A_379 = arith.addf %add3A_377, %add3A_378 : vector<32x512xf32>
    %slice3A_380 = vector.extract_strided_slice %lt3A_9 {offsets = [4, 1024], sizes = [1, 512], strides = [1, 1]} : vector<16x2048xi1> to vector<1x512xi1>
    %tanh3A_381 = math.tanh %add3A_379 : vector<32x512xf32>
    %broadcast_in_dim3A_382 = vector.shape_cast %slice3A_380 : vector<1x512xi1> to vector<1x512xi1>
    %broadcast_in_dim3A_383 = vector.broadcast %broadcast_in_dim3A_382 : vector<1x512xi1> to vector<32x512xi1>
    %select_n3A_384 = arith.select %broadcast_in_dim3A_383, %tanh3A_381, %select_n3A_373 : vector<32x512xi1>, vector<32x512xf32>
    %slice3A_385 = vector.extract_strided_slice %slice3A_351 {offsets = [0, 1536], sizes = [32, 512], strides = [1, 1]} : vector<32x2048xf32> to vector<32x512xf32>
    %dot_general3A_386 = arith.constant dense<0.000000e+00> : vector<32x512xf32>
    %dot_general3A_387 = tpu.matmul %get3A_41, %select_n3A_384, %dot_general3A_386 {dimension_numbers = #tpu.dot_dimension_numbers<[1], [0], [0], [1], [0, 0, 1, 1], [], []>, transpose_lhs_hint = false} : vector<32x32xf32>, vector<32x512xf32>, vector<32x512xf32> -> vector<32x512xf32>
    %add3A_388 = arith.addf %slice3A_385, %dot_general3A_387 : vector<32x512xf32>
    %add3A_389 = vector.broadcast %add3A_48 : vector<32x1xf32> to vector<32x512xf32>
    %add3A_390 = arith.addf %add3A_388, %add3A_389 : vector<32x512xf32>
    %slice3A_391 = vector.extract_strided_slice %lt3A_9 {offsets = [4, 1536], sizes = [1, 512], strides = [1, 1]} : vector<16x2048xi1> to vector<1x512xi1>
    %tanh3A_392 = math.tanh %add3A_390 : vector<32x512xf32>
    %broadcast_in_dim3A_393 = vector.shape_cast %slice3A_391 : vector<1x512xi1> to vector<1x512xi1>
    %broadcast_in_dim3A_394 = vector.broadcast %broadcast_in_dim3A_393 : vector<1x512xi1> to vector<32x512xi1>
    %select_n3A_395 = arith.select %broadcast_in_dim3A_394, %tanh3A_392, %select_n3A_384 : vector<32x512xi1>, vector<32x512xf32>
    %slice3A_396 = vector.extract_strided_slice %select_n3A_27 {offsets = [5, 0], sizes = [1, 2048], strides = [1, 1]} : vector<16x2048xi32> to vector<1x2048xi32>
    %eq3A_397 = vector.broadcast %slice3A_396 : vector<1x2048xi32> to vector<114x2048xi32>
    %eq3A_398 = vector.broadcast %iota3A : vector<114x1xi32> to vector<114x2048xi32>
    %eq3A_399 = arith.cmpi eq, %eq3A_397, %eq3A_398 : vector<114x2048xi32>
    %slice3A_400 = vector.extract_strided_slice %add3A_35 {offsets = [5, 0], sizes = [1, 2048], strides = [1, 1]} : vector<16x2048xi32> to vector<1x2048xi32>
    %eq3A_401 = vector.broadcast %slice3A_400 : vector<1x2048xi32> to vector<114x2048xi32>
    %eq3A_402 = vector.broadcast %iota3A : vector<114x1xi32> to vector<114x2048xi32>
    %eq3A_403 = arith.cmpi eq, %eq3A_401, %eq3A_402 : vector<114x2048xi32>
    %or3A_404 = arith.ori %eq3A_399, %eq3A_403 : vector<114x2048xi1>
    %convert_element_type3A_405 = arith.extui %or3A_404 : vector<114x2048xi1> to vector<114x2048xi32>
    %convert_element_type3A_406 = arith.sitofp %convert_element_type3A_405 : vector<114x2048xi32> to vector<114x2048xf32>
    %convert_element_type3A_407 = arith.truncf %convert_element_type3A_406 : vector<114x2048xf32> to vector<114x2048xbf16>
    %dot_general3A_408 = arith.constant dense<0.000000e+00> : vector<52x2048xf32>
    %dot_general3A_409 = tpu.matmul %convert_element_type3A_64, %convert_element_type3A_407, %dot_general3A_408 {dimension_numbers = #tpu.dot_dimension_numbers<[1], [0], [0], [1], [0, 0, 1, 1], [], []>, transpose_lhs_hint = false} : vector<52x114xbf16>, vector<114x2048xbf16>, vector<52x2048xf32> -> vector<52x2048xf32>
    %dot_general3A_410 = arith.constant dense<0.000000e+00> : vector<52x2048xf32>
    %dot_general3A_411 = tpu.matmul %convert_element_type3A_66, %convert_element_type3A_407, %dot_general3A_410 {dimension_numbers = #tpu.dot_dimension_numbers<[1], [0], [0], [1], [0, 0, 1, 1], [], []>, transpose_lhs_hint = false} : vector<52x114xbf16>, vector<114x2048xbf16>, vector<52x2048xf32> -> vector<52x2048xf32>
    %add3A_412 = arith.addf %dot_general3A_409, %dot_general3A_411 : vector<52x2048xf32>
    %slice3A_413 = vector.extract_strided_slice %add3A_412 {offsets = [0, 0], sizes = [20, 2048], strides = [1, 1]} : vector<52x2048xf32> to vector<20x2048xf32>
    %swap3A_414 = arith.constant 0 : index
    %swap3A_415 = arith.constant 10240 : index
    %swap3A_416 = vector.load %arg8[%swap3A_414, %swap3A_415] : memref<20x32768xf32, #tpu.memory_space<vmem>>, vector<20x2048xf32>
    tpu.vector_store %arg8[%swap3A_414, %swap3A_415], %slice3A_413 {strides = array<i32>} : memref<20x32768xf32, #tpu.memory_space<vmem>>, vector<20x2048xf32>,
    %slice3A_417 = vector.extract_strided_slice %add3A_412 {offsets = [20, 0], sizes = [32, 2048], strides = [1, 1]} : vector<52x2048xf32> to vector<32x2048xf32>
    %slice3A_418 = vector.extract_strided_slice %slice3A_417 {offsets = [0, 0], sizes = [32, 512], strides = [1, 1]} : vector<32x2048xf32> to vector<32x512xf32>
    %dot_general3A_419 = arith.constant dense<0.000000e+00> : vector<32x512xf32>
    %dot_general3A_420 = tpu.matmul %get3A_41, %select_n3A_395, %dot_general3A_419 {dimension_numbers = #tpu.dot_dimension_numbers<[1], [0], [0], [1], [0, 0, 1, 1], [], []>, transpose_lhs_hint = false} : vector<32x32xf32>, vector<32x512xf32>, vector<32x512xf32> -> vector<32x512xf32>
    %add3A_421 = arith.addf %slice3A_418, %dot_general3A_420 : vector<32x512xf32>
    %add3A_422 = vector.broadcast %add3A_48 : vector<32x1xf32> to vector<32x512xf32>
    %add3A_423 = arith.addf %add3A_421, %add3A_422 : vector<32x512xf32>
    %slice3A_424 = vector.extract_strided_slice %lt3A_9 {offsets = [5, 0], sizes = [1, 512], strides = [1, 1]} : vector<16x2048xi1> to vector<1x512xi1>
    %tanh3A_425 = math.tanh %add3A_423 : vector<32x512xf32>
    %broadcast_in_dim3A_426 = vector.shape_cast %slice3A_424 : vector<1x512xi1> to vector<1x512xi1>
    %broadcast_in_dim3A_427 = vector.broadcast %broadcast_in_dim3A_426 : vector<1x512xi1> to vector<32x512xi1>
    %select_n3A_428 = arith.select %broadcast_in_dim3A_427, %tanh3A_425, %select_n3A_395 : vector<32x512xi1>, vector<32x512xf32>
    %slice3A_429 = vector.extract_strided_slice %slice3A_417 {offsets = [0, 512], sizes = [32, 512], strides = [1, 1]} : vector<32x2048xf32> to vector<32x512xf32>
    %dot_general3A_430 = arith.constant dense<0.000000e+00> : vector<32x512xf32>
    %dot_general3A_431 = tpu.matmul %get3A_41, %select_n3A_428, %dot_general3A_430 {dimension_numbers = #tpu.dot_dimension_numbers<[1], [0], [0], [1], [0, 0, 1, 1], [], []>, transpose_lhs_hint = false} : vector<32x32xf32>, vector<32x512xf32>, vector<32x512xf32> -> vector<32x512xf32>
    %add3A_432 = arith.addf %slice3A_429, %dot_general3A_431 : vector<32x512xf32>
    %add3A_433 = vector.broadcast %add3A_48 : vector<32x1xf32> to vector<32x512xf32>
    %add3A_434 = arith.addf %add3A_432, %add3A_433 : vector<32x512xf32>
    %slice3A_435 = vector.extract_strided_slice %lt3A_9 {offsets = [5, 512], sizes = [1, 512], strides = [1, 1]} : vector<16x2048xi1> to vector<1x512xi1>
    %tanh3A_436 = math.tanh %add3A_434 : vector<32x512xf32>
    %broadcast_in_dim3A_437 = vector.shape_cast %slice3A_435 : vector<1x512xi1> to vector<1x512xi1>
    %broadcast_in_dim3A_438 = vector.broadcast %broadcast_in_dim3A_437 : vector<1x512xi1> to vector<32x512xi1>
    %select_n3A_439 = arith.select %broadcast_in_dim3A_438, %tanh3A_436, %select_n3A_428 : vector<32x512xi1>, vector<32x512xf32>
    %slice3A_440 = vector.extract_strided_slice %slice3A_417 {offsets = [0, 1024], sizes = [32, 512], strides = [1, 1]} : vector<32x2048xf32> to vector<32x512xf32>
    %dot_general3A_441 = arith.constant dense<0.000000e+00> : vector<32x512xf32>
    %dot_general3A_442 = tpu.matmul %get3A_41, %select_n3A_439, %dot_general3A_441 {dimension_numbers = #tpu.dot_dimension_numbers<[1], [0], [0], [1], [0, 0, 1, 1], [], []>, transpose_lhs_hint = false} : vector<32x32xf32>, vector<32x512xf32>, vector<32x512xf32> -> vector<32x512xf32>
    %add3A_443 = arith.addf %slice3A_440, %dot_general3A_442 : vector<32x512xf32>
    %add3A_444 = vector.broadcast %add3A_48 : vector<32x1xf32> to vector<32x512xf32>
    %add3A_445 = arith.addf %add3A_443, %add3A_444 : vector<32x512xf32>
    %slice3A_446 = vector.extract_strided_slice %lt3A_9 {offsets = [5, 1024], sizes = [1, 512], strides = [1, 1]} : vector<16x2048xi1> to vector<1x512xi1>
    %tanh3A_447 = math.tanh %add3A_445 : vector<32x512xf32>
    %broadcast_in_dim3A_448 = vector.shape_cast %slice3A_446 : vector<1x512xi1> to vector<1x512xi1>
    %broadcast_in_dim3A_449 = vector.broadcast %broadcast_in_dim3A_448 : vector<1x512xi1> to vector<32x512xi1>
    %select_n3A_450 = arith.select %broadcast_in_dim3A_449, %tanh3A_447, %select_n3A_439 : vector<32x512xi1>, vector<32x512xf32>
    %slice3A_451 = vector.extract_strided_slice %slice3A_417 {offsets = [0, 1536], sizes = [32, 512], strides = [1, 1]} : vector<32x2048xf32> to vector<32x512xf32>
    %dot_general3A_452 = arith.constant dense<0.000000e+00> : vector<32x512xf32>
    %dot_general3A_453 = tpu.matmul %get3A_41, %select_n3A_450, %dot_general3A_452 {dimension_numbers = #tpu.dot_dimension_numbers<[1], [0], [0], [1], [0, 0, 1, 1], [], []>, transpose_lhs_hint = false} : vector<32x32xf32>, vector<32x512xf32>, vector<32x512xf32> -> vector<32x512xf32>
    %add3A_454 = arith.addf %slice3A_451, %dot_general3A_453 : vector<32x512xf32>
    %add3A_455 = vector.broadcast %add3A_48 : vector<32x1xf32> to vector<32x512xf32>
    %add3A_456 = arith.addf %add3A_454, %add3A_455 : vector<32x512xf32>
    %slice3A_457 = vector.extract_strided_slice %lt3A_9 {offsets = [5, 1536], sizes = [1, 512], strides = [1, 1]} : vector<16x2048xi1> to vector<1x512xi1>
    %tanh3A_458 = math.tanh %add3A_456 : vector<32x512xf32>
    %broadcast_in_dim3A_459 = vector.shape_cast %slice3A_457 : vector<1x512xi1> to vector<1x512xi1>
    %broadcast_in_dim3A_460 = vector.broadcast %broadcast_in_dim3A_459 : vector<1x512xi1> to vector<32x512xi1>
    %select_n3A_461 = arith.select %broadcast_in_dim3A_460, %tanh3A_458, %select_n3A_450 : vector<32x512xi1>, vector<32x512xf32>
    %slice3A_462 = vector.extract_strided_slice %select_n3A_27 {offsets = [6, 0], sizes = [1, 2048], strides = [1, 1]} : vector<16x2048xi32> to vector<1x2048xi32>
    %eq3A_463 = vector.broadcast %slice3A_462 : vector<1x2048xi32> to vector<114x2048xi32>
    %eq3A_464 = vector.broadcast %iota3A : vector<114x1xi32> to vector<114x2048xi32>
    %eq3A_465 = arith.cmpi eq, %eq3A_463, %eq3A_464 : vector<114x2048xi32>
    %slice3A_466 = vector.extract_strided_slice %add3A_35 {offsets = [6, 0], sizes = [1, 2048], strides = [1, 1]} : vector<16x2048xi32> to vector<1x2048xi32>
    %eq3A_467 = vector.broadcast %slice3A_466 : vector<1x2048xi32> to vector<114x2048xi32>
    %eq3A_468 = vector.broadcast %iota3A : vector<114x1xi32> to vector<114x2048xi32>
    %eq3A_469 = arith.cmpi eq, %eq3A_467, %eq3A_468 : vector<114x2048xi32>
    %or3A_470 = arith.ori %eq3A_465, %eq3A_469 : vector<114x2048xi1>
    %convert_element_type3A_471 = arith.extui %or3A_470 : vector<114x2048xi1> to vector<114x2048xi32>
    %convert_element_type3A_472 = arith.sitofp %convert_element_type3A_471 : vector<114x2048xi32> to vector<114x2048xf32>
    %convert_element_type3A_473 = arith.truncf %convert_element_type3A_472 : vector<114x2048xf32> to vector<114x2048xbf16>
    %dot_general3A_474 = arith.constant dense<0.000000e+00> : vector<52x2048xf32>
    %dot_general3A_475 = tpu.matmul %convert_element_type3A_64, %convert_element_type3A_473, %dot_general3A_474 {dimension_numbers = #tpu.dot_dimension_numbers<[1], [0], [0], [1], [0, 0, 1, 1], [], []>, transpose_lhs_hint = false} : vector<52x114xbf16>, vector<114x2048xbf16>, vector<52x2048xf32> -> vector<52x2048xf32>
    %dot_general3A_476 = arith.constant dense<0.000000e+00> : vector<52x2048xf32>
    %dot_general3A_477 = tpu.matmul %convert_element_type3A_66, %convert_element_type3A_473, %dot_general3A_476 {dimension_numbers = #tpu.dot_dimension_numbers<[1], [0], [0], [1], [0, 0, 1, 1], [], []>, transpose_lhs_hint = false} : vector<52x114xbf16>, vector<114x2048xbf16>, vector<52x2048xf32> -> vector<52x2048xf32>
    %add3A_478 = arith.addf %dot_general3A_475, %dot_general3A_477 : vector<52x2048xf32>
    %slice3A_479 = vector.extract_strided_slice %add3A_478 {offsets = [0, 0], sizes = [20, 2048], strides = [1, 1]} : vector<52x2048xf32> to vector<20x2048xf32>
    %swap3A_480 = arith.constant 0 : index
    %swap3A_481 = arith.constant 12288 : index
    %swap3A_482 = vector.load %arg8[%swap3A_480, %swap3A_481] : memref<20x32768xf32, #tpu.memory_space<vmem>>, vector<20x2048xf32>
    tpu.vector_store %arg8[%swap3A_480, %swap3A_481], %slice3A_479 {strides = array<i32>} : memref<20x32768xf32, #tpu.memory_space<vmem>>, vector<20x2048xf32>,
    %slice3A_483 = vector.extract_strided_slice %add3A_478 {offsets = [20, 0], sizes = [32, 2048], strides = [1, 1]} : vector<52x2048xf32> to vector<32x2048xf32>
    %slice3A_484 = vector.extract_strided_slice %slice3A_483 {offsets = [0, 0], sizes = [32, 512], strides = [1, 1]} : vector<32x2048xf32> to vector<32x512xf32>
    %dot_general3A_485 = arith.constant dense<0.000000e+00> : vector<32x512xf32>
    %dot_general3A_486 = tpu.matmul %get3A_41, %select_n3A_461, %dot_general3A_485 {dimension_numbers = #tpu.dot_dimension_numbers<[1], [0], [0], [1], [0, 0, 1, 1], [], []>, transpose_lhs_hint = false} : vector<32x32xf32>, vector<32x512xf32>, vector<32x512xf32> -> vector<32x512xf32>
    %add3A_487 = arith.addf %slice3A_484, %dot_general3A_486 : vector<32x512xf32>
    %add3A_488 = vector.broadcast %add3A_48 : vector<32x1xf32> to vector<32x512xf32>
    %add3A_489 = arith.addf %add3A_487, %add3A_488 : vector<32x512xf32>
    %slice3A_490 = vector.extract_strided_slice %lt3A_9 {offsets = [6, 0], sizes = [1, 512], strides = [1, 1]} : vector<16x2048xi1> to vector<1x512xi1>
    %tanh3A_491 = math.tanh %add3A_489 : vector<32x512xf32>
    %broadcast_in_dim3A_492 = vector.shape_cast %slice3A_490 : vector<1x512xi1> to vector<1x512xi1>
    %broadcast_in_dim3A_493 = vector.broadcast %broadcast_in_dim3A_492 : vector<1x512xi1> to vector<32x512xi1>
    %select_n3A_494 = arith.select %broadcast_in_dim3A_493, %tanh3A_491, %select_n3A_461 : vector<32x512xi1>, vector<32x512xf32>
    %slice3A_495 = vector.extract_strided_slice %slice3A_483 {offsets = [0, 512], sizes = [32, 512], strides = [1, 1]} : vector<32x2048xf32> to vector<32x512xf32>
    %dot_general3A_496 = arith.constant dense<0.000000e+00> : vector<32x512xf32>
    %dot_general3A_497 = tpu.matmul %get3A_41, %select_n3A_494, %dot_general3A_496 {dimension_numbers = #tpu.dot_dimension_numbers<[1], [0], [0], [1], [0, 0, 1, 1], [], []>, transpose_lhs_hint = false} : vector<32x32xf32>, vector<32x512xf32>, vector<32x512xf32> -> vector<32x512xf32>
    %add3A_498 = arith.addf %slice3A_495, %dot_general3A_497 : vector<32x512xf32>
    %add3A_499 = vector.broadcast %add3A_48 : vector<32x1xf32> to vector<32x512xf32>
    %add3A_500 = arith.addf %add3A_498, %add3A_499 : vector<32x512xf32>
    %slice3A_501 = vector.extract_strided_slice %lt3A_9 {offsets = [6, 512], sizes = [1, 512], strides = [1, 1]} : vector<16x2048xi1> to vector<1x512xi1>
    %tanh3A_502 = math.tanh %add3A_500 : vector<32x512xf32>
    %broadcast_in_dim3A_503 = vector.shape_cast %slice3A_501 : vector<1x512xi1> to vector<1x512xi1>
    %broadcast_in_dim3A_504 = vector.broadcast %broadcast_in_dim3A_503 : vector<1x512xi1> to vector<32x512xi1>
    %select_n3A_505 = arith.select %broadcast_in_dim3A_504, %tanh3A_502, %select_n3A_494 : vector<32x512xi1>, vector<32x512xf32>
    %slice3A_506 = vector.extract_strided_slice %slice3A_483 {offsets = [0, 1024], sizes = [32, 512], strides = [1, 1]} : vector<32x2048xf32> to vector<32x512xf32>
    %dot_general3A_507 = arith.constant dense<0.000000e+00> : vector<32x512xf32>
    %dot_general3A_508 = tpu.matmul %get3A_41, %select_n3A_505, %dot_general3A_507 {dimension_numbers = #tpu.dot_dimension_numbers<[1], [0], [0], [1], [0, 0, 1, 1], [], []>, transpose_lhs_hint = false} : vector<32x32xf32>, vector<32x512xf32>, vector<32x512xf32> -> vector<32x512xf32>
    %add3A_509 = arith.addf %slice3A_506, %dot_general3A_508 : vector<32x512xf32>
    %add3A_510 = vector.broadcast %add3A_48 : vector<32x1xf32> to vector<32x512xf32>
    %add3A_511 = arith.addf %add3A_509, %add3A_510 : vector<32x512xf32>
    %slice3A_512 = vector.extract_strided_slice %lt3A_9 {offsets = [6, 1024], sizes = [1, 512], strides = [1, 1]} : vector<16x2048xi1> to vector<1x512xi1>
    %tanh3A_513 = math.tanh %add3A_511 : vector<32x512xf32>
    %broadcast_in_dim3A_514 = vector.shape_cast %slice3A_512 : vector<1x512xi1> to vector<1x512xi1>
    %broadcast_in_dim3A_515 = vector.broadcast %broadcast_in_dim3A_514 : vector<1x512xi1> to vector<32x512xi1>
    %select_n3A_516 = arith.select %broadcast_in_dim3A_515, %tanh3A_513, %select_n3A_505 : vector<32x512xi1>, vector<32x512xf32>
    %slice3A_517 = vector.extract_strided_slice %slice3A_483 {offsets = [0, 1536], sizes = [32, 512], strides = [1, 1]} : vector<32x2048xf32> to vector<32x512xf32>
    %dot_general3A_518 = arith.constant dense<0.000000e+00> : vector<32x512xf32>
    %dot_general3A_519 = tpu.matmul %get3A_41, %select_n3A_516, %dot_general3A_518 {dimension_numbers = #tpu.dot_dimension_numbers<[1], [0], [0], [1], [0, 0, 1, 1], [], []>, transpose_lhs_hint = false} : vector<32x32xf32>, vector<32x512xf32>, vector<32x512xf32> -> vector<32x512xf32>
    %add3A_520 = arith.addf %slice3A_517, %dot_general3A_519 : vector<32x512xf32>
    %add3A_521 = vector.broadcast %add3A_48 : vector<32x1xf32> to vector<32x512xf32>
    %add3A_522 = arith.addf %add3A_520, %add3A_521 : vector<32x512xf32>
    %slice3A_523 = vector.extract_strided_slice %lt3A_9 {offsets = [6, 1536], sizes = [1, 512], strides = [1, 1]} : vector<16x2048xi1> to vector<1x512xi1>
    %tanh3A_524 = math.tanh %add3A_522 : vector<32x512xf32>
    %broadcast_in_dim3A_525 = vector.shape_cast %slice3A_523 : vector<1x512xi1> to vector<1x512xi1>
    %broadcast_in_dim3A_526 = vector.broadcast %broadcast_in_dim3A_525 : vector<1x512xi1> to vector<32x512xi1>
    %select_n3A_527 = arith.select %broadcast_in_dim3A_526, %tanh3A_524, %select_n3A_516 : vector<32x512xi1>, vector<32x512xf32>
    %slice3A_528 = vector.extract_strided_slice %select_n3A_27 {offsets = [7, 0], sizes = [1, 2048], strides = [1, 1]} : vector<16x2048xi32> to vector<1x2048xi32>
    %eq3A_529 = vector.broadcast %slice3A_528 : vector<1x2048xi32> to vector<114x2048xi32>
    %eq3A_530 = vector.broadcast %iota3A : vector<114x1xi32> to vector<114x2048xi32>
    %eq3A_531 = arith.cmpi eq, %eq3A_529, %eq3A_530 : vector<114x2048xi32>
    %slice3A_532 = vector.extract_strided_slice %add3A_35 {offsets = [7, 0], sizes = [1, 2048], strides = [1, 1]} : vector<16x2048xi32> to vector<1x2048xi32>
    %eq3A_533 = vector.broadcast %slice3A_532 : vector<1x2048xi32> to vector<114x2048xi32>
    %eq3A_534 = vector.broadcast %iota3A : vector<114x1xi32> to vector<114x2048xi32>
    %eq3A_535 = arith.cmpi eq, %eq3A_533, %eq3A_534 : vector<114x2048xi32>
    %or3A_536 = arith.ori %eq3A_531, %eq3A_535 : vector<114x2048xi1>
    %convert_element_type3A_537 = arith.extui %or3A_536 : vector<114x2048xi1> to vector<114x2048xi32>
    %convert_element_type3A_538 = arith.sitofp %convert_element_type3A_537 : vector<114x2048xi32> to vector<114x2048xf32>
    %convert_element_type3A_539 = arith.truncf %convert_element_type3A_538 : vector<114x2048xf32> to vector<114x2048xbf16>
    %dot_general3A_540 = arith.constant dense<0.000000e+00> : vector<52x2048xf32>
    %dot_general3A_541 = tpu.matmul %convert_element_type3A_64, %convert_element_type3A_539, %dot_general3A_540 {dimension_numbers = #tpu.dot_dimension_numbers<[1], [0], [0], [1], [0, 0, 1, 1], [], []>, transpose_lhs_hint = false} : vector<52x114xbf16>, vector<114x2048xbf16>, vector<52x2048xf32> -> vector<52x2048xf32>
    %dot_general3A_542 = arith.constant dense<0.000000e+00> : vector<52x2048xf32>
    %dot_general3A_543 = tpu.matmul %convert_element_type3A_66, %convert_element_type3A_539, %dot_general3A_542 {dimension_numbers = #tpu.dot_dimension_numbers<[1], [0], [0], [1], [0, 0, 1, 1], [], []>, transpose_lhs_hint = false} : vector<52x114xbf16>, vector<114x2048xbf16>, vector<52x2048xf32> -> vector<52x2048xf32>
    %add3A_544 = arith.addf %dot_general3A_541, %dot_general3A_543 : vector<52x2048xf32>
    %slice3A_545 = vector.extract_strided_slice %add3A_544 {offsets = [0, 0], sizes = [20, 2048], strides = [1, 1]} : vector<52x2048xf32> to vector<20x2048xf32>
    %swap3A_546 = arith.constant 0 : index
    %swap3A_547 = arith.constant 14336 : index
    %swap3A_548 = vector.load %arg8[%swap3A_546, %swap3A_547] : memref<20x32768xf32, #tpu.memory_space<vmem>>, vector<20x2048xf32>
    tpu.vector_store %arg8[%swap3A_546, %swap3A_547], %slice3A_545 {strides = array<i32>} : memref<20x32768xf32, #tpu.memory_space<vmem>>, vector<20x2048xf32>,
    %slice3A_549 = vector.extract_strided_slice %add3A_544 {offsets = [20, 0], sizes = [32, 2048], strides = [1, 1]} : vector<52x2048xf32> to vector<32x2048xf32>
    %slice3A_550 = vector.extract_strided_slice %slice3A_549 {offsets = [0, 0], sizes = [32, 512], strides = [1, 1]} : vector<32x2048xf32> to vector<32x512xf32>
    %dot_general3A_551 = arith.constant dense<0.000000e+00> : vector<32x512xf32>
    %dot_general3A_552 = tpu.matmul %get3A_41, %select_n3A_527, %dot_general3A_551 {dimension_numbers = #tpu.dot_dimension_numbers<[1], [0], [0], [1], [0, 0, 1, 1], [], []>, transpose_lhs_hint = false} : vector<32x32xf32>, vector<32x512xf32>, vector<32x512xf32> -> vector<32x512xf32>
    %add3A_553 = arith.addf %slice3A_550, %dot_general3A_552 : vector<32x512xf32>
    %add3A_554 = vector.broadcast %add3A_48 : vector<32x1xf32> to vector<32x512xf32>
    %add3A_555 = arith.addf %add3A_553, %add3A_554 : vector<32x512xf32>
    %slice3A_556 = vector.extract_strided_slice %lt3A_9 {offsets = [7, 0], sizes = [1, 512], strides = [1, 1]} : vector<16x2048xi1> to vector<1x512xi1>
    %tanh3A_557 = math.tanh %add3A_555 : vector<32x512xf32>
    %broadcast_in_dim3A_558 = vector.shape_cast %slice3A_556 : vector<1x512xi1> to vector<1x512xi1>
    %broadcast_in_dim3A_559 = vector.broadcast %broadcast_in_dim3A_558 : vector<1x512xi1> to vector<32x512xi1>
    %select_n3A_560 = arith.select %broadcast_in_dim3A_559, %tanh3A_557, %select_n3A_527 : vector<32x512xi1>, vector<32x512xf32>
    %slice3A_561 = vector.extract_strided_slice %slice3A_549 {offsets = [0, 512], sizes = [32, 512], strides = [1, 1]} : vector<32x2048xf32> to vector<32x512xf32>
    %dot_general3A_562 = arith.constant dense<0.000000e+00> : vector<32x512xf32>
    %dot_general3A_563 = tpu.matmul %get3A_41, %select_n3A_560, %dot_general3A_562 {dimension_numbers = #tpu.dot_dimension_numbers<[1], [0], [0], [1], [0, 0, 1, 1], [], []>, transpose_lhs_hint = false} : vector<32x32xf32>, vector<32x512xf32>, vector<32x512xf32> -> vector<32x512xf32>
    %add3A_564 = arith.addf %slice3A_561, %dot_general3A_563 : vector<32x512xf32>
    %add3A_565 = vector.broadcast %add3A_48 : vector<32x1xf32> to vector<32x512xf32>
    %add3A_566 = arith.addf %add3A_564, %add3A_565 : vector<32x512xf32>
    %slice3A_567 = vector.extract_strided_slice %lt3A_9 {offsets = [7, 512], sizes = [1, 512], strides = [1, 1]} : vector<16x2048xi1> to vector<1x512xi1>
    %tanh3A_568 = math.tanh %add3A_566 : vector<32x512xf32>
    %broadcast_in_dim3A_569 = vector.shape_cast %slice3A_567 : vector<1x512xi1> to vector<1x512xi1>
    %broadcast_in_dim3A_570 = vector.broadcast %broadcast_in_dim3A_569 : vector<1x512xi1> to vector<32x512xi1>
    %select_n3A_571 = arith.select %broadcast_in_dim3A_570, %tanh3A_568, %select_n3A_560 : vector<32x512xi1>, vector<32x512xf32>
    %slice3A_572 = vector.extract_strided_slice %slice3A_549 {offsets = [0, 1024], sizes = [32, 512], strides = [1, 1]} : vector<32x2048xf32> to vector<32x512xf32>
    %dot_general3A_573 = arith.constant dense<0.000000e+00> : vector<32x512xf32>
    %dot_general3A_574 = tpu.matmul %get3A_41, %select_n3A_571, %dot_general3A_573 {dimension_numbers = #tpu.dot_dimension_numbers<[1], [0], [0], [1], [0, 0, 1, 1], [], []>, transpose_lhs_hint = false} : vector<32x32xf32>, vector<32x512xf32>, vector<32x512xf32> -> vector<32x512xf32>
    %add3A_575 = arith.addf %slice3A_572, %dot_general3A_574 : vector<32x512xf32>
    %add3A_576 = vector.broadcast %add3A_48 : vector<32x1xf32> to vector<32x512xf32>
    %add3A_577 = arith.addf %add3A_575, %add3A_576 : vector<32x512xf32>
    %slice3A_578 = vector.extract_strided_slice %lt3A_9 {offsets = [7, 1024], sizes = [1, 512], strides = [1, 1]} : vector<16x2048xi1> to vector<1x512xi1>
    %tanh3A_579 = math.tanh %add3A_577 : vector<32x512xf32>
    %broadcast_in_dim3A_580 = vector.shape_cast %slice3A_578 : vector<1x512xi1> to vector<1x512xi1>
    %broadcast_in_dim3A_581 = vector.broadcast %broadcast_in_dim3A_580 : vector<1x512xi1> to vector<32x512xi1>
    %select_n3A_582 = arith.select %broadcast_in_dim3A_581, %tanh3A_579, %select_n3A_571 : vector<32x512xi1>, vector<32x512xf32>
    %slice3A_583 = vector.extract_strided_slice %slice3A_549 {offsets = [0, 1536], sizes = [32, 512], strides = [1, 1]} : vector<32x2048xf32> to vector<32x512xf32>
    %dot_general3A_584 = arith.constant dense<0.000000e+00> : vector<32x512xf32>
    %dot_general3A_585 = tpu.matmul %get3A_41, %select_n3A_582, %dot_general3A_584 {dimension_numbers = #tpu.dot_dimension_numbers<[1], [0], [0], [1], [0, 0, 1, 1], [], []>, transpose_lhs_hint = false} : vector<32x32xf32>, vector<32x512xf32>, vector<32x512xf32> -> vector<32x512xf32>
    %add3A_586 = arith.addf %slice3A_583, %dot_general3A_585 : vector<32x512xf32>
    %add3A_587 = vector.broadcast %add3A_48 : vector<32x1xf32> to vector<32x512xf32>
    %add3A_588 = arith.addf %add3A_586, %add3A_587 : vector<32x512xf32>
    %slice3A_589 = vector.extract_strided_slice %lt3A_9 {offsets = [7, 1536], sizes = [1, 512], strides = [1, 1]} : vector<16x2048xi1> to vector<1x512xi1>
    %tanh3A_590 = math.tanh %add3A_588 : vector<32x512xf32>
    %broadcast_in_dim3A_591 = vector.shape_cast %slice3A_589 : vector<1x512xi1> to vector<1x512xi1>
    %broadcast_in_dim3A_592 = vector.broadcast %broadcast_in_dim3A_591 : vector<1x512xi1> to vector<32x512xi1>
    %select_n3A_593 = arith.select %broadcast_in_dim3A_592, %tanh3A_590, %select_n3A_582 : vector<32x512xi1>, vector<32x512xf32>
    %slice3A_594 = vector.extract_strided_slice %select_n3A_27 {offsets = [8, 0], sizes = [1, 2048], strides = [1, 1]} : vector<16x2048xi32> to vector<1x2048xi32>
    %eq3A_595 = vector.broadcast %slice3A_594 : vector<1x2048xi32> to vector<114x2048xi32>
    %eq3A_596 = vector.broadcast %iota3A : vector<114x1xi32> to vector<114x2048xi32>
    %eq3A_597 = arith.cmpi eq, %eq3A_595, %eq3A_596 : vector<114x2048xi32>
    %slice3A_598 = vector.extract_strided_slice %add3A_35 {offsets = [8, 0], sizes = [1, 2048], strides = [1, 1]} : vector<16x2048xi32> to vector<1x2048xi32>
    %eq3A_599 = vector.broadcast %slice3A_598 : vector<1x2048xi32> to vector<114x2048xi32>
    %eq3A_600 = vector.broadcast %iota3A : vector<114x1xi32> to vector<114x2048xi32>
    %eq3A_601 = arith.cmpi eq, %eq3A_599, %eq3A_600 : vector<114x2048xi32>
    %or3A_602 = arith.ori %eq3A_597, %eq3A_601 : vector<114x2048xi1>
    %convert_element_type3A_603 = arith.extui %or3A_602 : vector<114x2048xi1> to vector<114x2048xi32>
    %convert_element_type3A_604 = arith.sitofp %convert_element_type3A_603 : vector<114x2048xi32> to vector<114x2048xf32>
    %convert_element_type3A_605 = arith.truncf %convert_element_type3A_604 : vector<114x2048xf32> to vector<114x2048xbf16>
    %dot_general3A_606 = arith.constant dense<0.000000e+00> : vector<52x2048xf32>
    %dot_general3A_607 = tpu.matmul %convert_element_type3A_64, %convert_element_type3A_605, %dot_general3A_606 {dimension_numbers = #tpu.dot_dimension_numbers<[1], [0], [0], [1], [0, 0, 1, 1], [], []>, transpose_lhs_hint = false} : vector<52x114xbf16>, vector<114x2048xbf16>, vector<52x2048xf32> -> vector<52x2048xf32>
    %dot_general3A_608 = arith.constant dense<0.000000e+00> : vector<52x2048xf32>
    %dot_general3A_609 = tpu.matmul %convert_element_type3A_66, %convert_element_type3A_605, %dot_general3A_608 {dimension_numbers = #tpu.dot_dimension_numbers<[1], [0], [0], [1], [0, 0, 1, 1], [], []>, transpose_lhs_hint = false} : vector<52x114xbf16>, vector<114x2048xbf16>, vector<52x2048xf32> -> vector<52x2048xf32>
    %add3A_610 = arith.addf %dot_general3A_607, %dot_general3A_609 : vector<52x2048xf32>
    %slice3A_611 = vector.extract_strided_slice %add3A_610 {offsets = [0, 0], sizes = [20, 2048], strides = [1, 1]} : vector<52x2048xf32> to vector<20x2048xf32>
    %swap3A_612 = arith.constant 0 : index
    %swap3A_613 = arith.constant 16384 : index
    %swap3A_614 = vector.load %arg8[%swap3A_612, %swap3A_613] : memref<20x32768xf32, #tpu.memory_space<vmem>>, vector<20x2048xf32>
    tpu.vector_store %arg8[%swap3A_612, %swap3A_613], %slice3A_611 {strides = array<i32>} : memref<20x32768xf32, #tpu.memory_space<vmem>>, vector<20x2048xf32>,
    %slice3A_615 = vector.extract_strided_slice %add3A_610 {offsets = [20, 0], sizes = [32, 2048], strides = [1, 1]} : vector<52x2048xf32> to vector<32x2048xf32>
    %slice3A_616 = vector.extract_strided_slice %slice3A_615 {offsets = [0, 0], sizes = [32, 512], strides = [1, 1]} : vector<32x2048xf32> to vector<32x512xf32>
    %dot_general3A_617 = arith.constant dense<0.000000e+00> : vector<32x512xf32>
    %dot_general3A_618 = tpu.matmul %get3A_41, %select_n3A_593, %dot_general3A_617 {dimension_numbers = #tpu.dot_dimension_numbers<[1], [0], [0], [1], [0, 0, 1, 1], [], []>, transpose_lhs_hint = false} : vector<32x32xf32>, vector<32x512xf32>, vector<32x512xf32> -> vector<32x512xf32>
    %add3A_619 = arith.addf %slice3A_616, %dot_general3A_618 : vector<32x512xf32>
    %add3A_620 = vector.broadcast %add3A_48 : vector<32x1xf32> to vector<32x512xf32>
    %add3A_621 = arith.addf %add3A_619, %add3A_620 : vector<32x512xf32>
    %slice3A_622 = vector.extract_strided_slice %lt3A_9 {offsets = [8, 0], sizes = [1, 512], strides = [1, 1]} : vector<16x2048xi1> to vector<1x512xi1>
    %tanh3A_623 = math.tanh %add3A_621 : vector<32x512xf32>
    %broadcast_in_dim3A_624 = vector.shape_cast %slice3A_622 : vector<1x512xi1> to vector<1x512xi1>
    %broadcast_in_dim3A_625 = vector.broadcast %broadcast_in_dim3A_624 : vector<1x512xi1> to vector<32x512xi1>
    %select_n3A_626 = arith.select %broadcast_in_dim3A_625, %tanh3A_623, %select_n3A_593 : vector<32x512xi1>, vector<32x512xf32>
    %slice3A_627 = vector.extract_strided_slice %slice3A_615 {offsets = [0, 512], sizes = [32, 512], strides = [1, 1]} : vector<32x2048xf32> to vector<32x512xf32>
    %dot_general3A_628 = arith.constant dense<0.000000e+00> : vector<32x512xf32>
    %dot_general3A_629 = tpu.matmul %get3A_41, %select_n3A_626, %dot_general3A_628 {dimension_numbers = #tpu.dot_dimension_numbers<[1], [0], [0], [1], [0, 0, 1, 1], [], []>, transpose_lhs_hint = false} : vector<32x32xf32>, vector<32x512xf32>, vector<32x512xf32> -> vector<32x512xf32>
    %add3A_630 = arith.addf %slice3A_627, %dot_general3A_629 : vector<32x512xf32>
    %add3A_631 = vector.broadcast %add3A_48 : vector<32x1xf32> to vector<32x512xf32>
    %add3A_632 = arith.addf %add3A_630, %add3A_631 : vector<32x512xf32>
    %slice3A_633 = vector.extract_strided_slice %lt3A_9 {offsets = [8, 512], sizes = [1, 512], strides = [1, 1]} : vector<16x2048xi1> to vector<1x512xi1>
    %tanh3A_634 = math.tanh %add3A_632 : vector<32x512xf32>
    %broadcast_in_dim3A_635 = vector.shape_cast %slice3A_633 : vector<1x512xi1> to vector<1x512xi1>
    %broadcast_in_dim3A_636 = vector.broadcast %broadcast_in_dim3A_635 : vector<1x512xi1> to vector<32x512xi1>
    %select_n3A_637 = arith.select %broadcast_in_dim3A_636, %tanh3A_634, %select_n3A_626 : vector<32x512xi1>, vector<32x512xf32>
    %slice3A_638 = vector.extract_strided_slice %slice3A_615 {offsets = [0, 1024], sizes = [32, 512], strides = [1, 1]} : vector<32x2048xf32> to vector<32x512xf32>
    %dot_general3A_639 = arith.constant dense<0.000000e+00> : vector<32x512xf32>
    %dot_general3A_640 = tpu.matmul %get3A_41, %select_n3A_637, %dot_general3A_639 {dimension_numbers = #tpu.dot_dimension_numbers<[1], [0], [0], [1], [0, 0, 1, 1], [], []>, transpose_lhs_hint = false} : vector<32x32xf32>, vector<32x512xf32>, vector<32x512xf32> -> vector<32x512xf32>
    %add3A_641 = arith.addf %slice3A_638, %dot_general3A_640 : vector<32x512xf32>
    %add3A_642 = vector.broadcast %add3A_48 : vector<32x1xf32> to vector<32x512xf32>
    %add3A_643 = arith.addf %add3A_641, %add3A_642 : vector<32x512xf32>
    %slice3A_644 = vector.extract_strided_slice %lt3A_9 {offsets = [8, 1024], sizes = [1, 512], strides = [1, 1]} : vector<16x2048xi1> to vector<1x512xi1>
    %tanh3A_645 = math.tanh %add3A_643 : vector<32x512xf32>
    %broadcast_in_dim3A_646 = vector.shape_cast %slice3A_644 : vector<1x512xi1> to vector<1x512xi1>
    %broadcast_in_dim3A_647 = vector.broadcast %broadcast_in_dim3A_646 : vector<1x512xi1> to vector<32x512xi1>
    %select_n3A_648 = arith.select %broadcast_in_dim3A_647, %tanh3A_645, %select_n3A_637 : vector<32x512xi1>, vector<32x512xf32>
    %slice3A_649 = vector.extract_strided_slice %slice3A_615 {offsets = [0, 1536], sizes = [32, 512], strides = [1, 1]} : vector<32x2048xf32> to vector<32x512xf32>
    %dot_general3A_650 = arith.constant dense<0.000000e+00> : vector<32x512xf32>
    %dot_general3A_651 = tpu.matmul %get3A_41, %select_n3A_648, %dot_general3A_650 {dimension_numbers = #tpu.dot_dimension_numbers<[1], [0], [0], [1], [0, 0, 1, 1], [], []>, transpose_lhs_hint = false} : vector<32x32xf32>, vector<32x512xf32>, vector<32x512xf32> -> vector<32x512xf32>
    %add3A_652 = arith.addf %slice3A_649, %dot_general3A_651 : vector<32x512xf32>
    %add3A_653 = vector.broadcast %add3A_48 : vector<32x1xf32> to vector<32x512xf32>
    %add3A_654 = arith.addf %add3A_652, %add3A_653 : vector<32x512xf32>
    %slice3A_655 = vector.extract_strided_slice %lt3A_9 {offsets = [8, 1536], sizes = [1, 512], strides = [1, 1]} : vector<16x2048xi1> to vector<1x512xi1>
    %tanh3A_656 = math.tanh %add3A_654 : vector<32x512xf32>
    %broadcast_in_dim3A_657 = vector.shape_cast %slice3A_655 : vector<1x512xi1> to vector<1x512xi1>
    %broadcast_in_dim3A_658 = vector.broadcast %broadcast_in_dim3A_657 : vector<1x512xi1> to vector<32x512xi1>
    %select_n3A_659 = arith.select %broadcast_in_dim3A_658, %tanh3A_656, %select_n3A_648 : vector<32x512xi1>, vector<32x512xf32>
    %slice3A_660 = vector.extract_strided_slice %select_n3A_27 {offsets = [9, 0], sizes = [1, 2048], strides = [1, 1]} : vector<16x2048xi32> to vector<1x2048xi32>
    %eq3A_661 = vector.broadcast %slice3A_660 : vector<1x2048xi32> to vector<114x2048xi32>
    %eq3A_662 = vector.broadcast %iota3A : vector<114x1xi32> to vector<114x2048xi32>
    %eq3A_663 = arith.cmpi eq, %eq3A_661, %eq3A_662 : vector<114x2048xi32>
    %slice3A_664 = vector.extract_strided_slice %add3A_35 {offsets = [9, 0], sizes = [1, 2048], strides = [1, 1]} : vector<16x2048xi32> to vector<1x2048xi32>
    %eq3A_665 = vector.broadcast %slice3A_664 : vector<1x2048xi32> to vector<114x2048xi32>
    %eq3A_666 = vector.broadcast %iota3A : vector<114x1xi32> to vector<114x2048xi32>
    %eq3A_667 = arith.cmpi eq, %eq3A_665, %eq3A_666 : vector<114x2048xi32>
    %or3A_668 = arith.ori %eq3A_663, %eq3A_667 : vector<114x2048xi1>
    %convert_element_type3A_669 = arith.extui %or3A_668 : vector<114x2048xi1> to vector<114x2048xi32>
    %convert_element_type3A_670 = arith.sitofp %convert_element_type3A_669 : vector<114x2048xi32> to vector<114x2048xf32>
    %convert_element_type3A_671 = arith.truncf %convert_element_type3A_670 : vector<114x2048xf32> to vector<114x2048xbf16>
    %dot_general3A_672 = arith.constant dense<0.000000e+00> : vector<52x2048xf32>
    %dot_general3A_673 = tpu.matmul %convert_element_type3A_64, %convert_element_type3A_671, %dot_general3A_672 {dimension_numbers = #tpu.dot_dimension_numbers<[1], [0], [0], [1], [0, 0, 1, 1], [], []>, transpose_lhs_hint = false} : vector<52x114xbf16>, vector<114x2048xbf16>, vector<52x2048xf32> -> vector<52x2048xf32>
    %dot_general3A_674 = arith.constant dense<0.000000e+00> : vector<52x2048xf32>
    %dot_general3A_675 = tpu.matmul %convert_element_type3A_66, %convert_element_type3A_671, %dot_general3A_674 {dimension_numbers = #tpu.dot_dimension_numbers<[1], [0], [0], [1], [0, 0, 1, 1], [], []>, transpose_lhs_hint = false} : vector<52x114xbf16>, vector<114x2048xbf16>, vector<52x2048xf32> -> vector<52x2048xf32>
    %add3A_676 = arith.addf %dot_general3A_673, %dot_general3A_675 : vector<52x2048xf32>
    %slice3A_677 = vector.extract_strided_slice %add3A_676 {offsets = [0, 0], sizes = [20, 2048], strides = [1, 1]} : vector<52x2048xf32> to vector<20x2048xf32>
    %swap3A_678 = arith.constant 0 : index
    %swap3A_679 = arith.constant 18432 : index
    %swap3A_680 = vector.load %arg8[%swap3A_678, %swap3A_679] : memref<20x32768xf32, #tpu.memory_space<vmem>>, vector<20x2048xf32>
    tpu.vector_store %arg8[%swap3A_678, %swap3A_679], %slice3A_677 {strides = array<i32>} : memref<20x32768xf32, #tpu.memory_space<vmem>>, vector<20x2048xf32>,
    %slice3A_681 = vector.extract_strided_slice %add3A_676 {offsets = [20, 0], sizes = [32, 2048], strides = [1, 1]} : vector<52x2048xf32> to vector<32x2048xf32>
    %slice3A_682 = vector.extract_strided_slice %slice3A_681 {offsets = [0, 0], sizes = [32, 512], strides = [1, 1]} : vector<32x2048xf32> to vector<32x512xf32>
    %dot_general3A_683 = arith.constant dense<0.000000e+00> : vector<32x512xf32>
    %dot_general3A_684 = tpu.matmul %get3A_41, %select_n3A_659, %dot_general3A_683 {dimension_numbers = #tpu.dot_dimension_numbers<[1], [0], [0], [1], [0, 0, 1, 1], [], []>, transpose_lhs_hint = false} : vector<32x32xf32>, vector<32x512xf32>, vector<32x512xf32> -> vector<32x512xf32>
    %add3A_685 = arith.addf %slice3A_682, %dot_general3A_684 : vector<32x512xf32>
    %add3A_686 = vector.broadcast %add3A_48 : vector<32x1xf32> to vector<32x512xf32>
    %add3A_687 = arith.addf %add3A_685, %add3A_686 : vector<32x512xf32>
    %slice3A_688 = vector.extract_strided_slice %lt3A_9 {offsets = [9, 0], sizes = [1, 512], strides = [1, 1]} : vector<16x2048xi1> to vector<1x512xi1>
    %tanh3A_689 = math.tanh %add3A_687 : vector<32x512xf32>
    %broadcast_in_dim3A_690 = vector.shape_cast %slice3A_688 : vector<1x512xi1> to vector<1x512xi1>
    %broadcast_in_dim3A_691 = vector.broadcast %broadcast_in_dim3A_690 : vector<1x512xi1> to vector<32x512xi1>
    %select_n3A_692 = arith.select %broadcast_in_dim3A_691, %tanh3A_689, %select_n3A_659 : vector<32x512xi1>, vector<32x512xf32>
    %slice3A_693 = vector.extract_strided_slice %slice3A_681 {offsets = [0, 512], sizes = [32, 512], strides = [1, 1]} : vector<32x2048xf32> to vector<32x512xf32>
    %dot_general3A_694 = arith.constant dense<0.000000e+00> : vector<32x512xf32>
    %dot_general3A_695 = tpu.matmul %get3A_41, %select_n3A_692, %dot_general3A_694 {dimension_numbers = #tpu.dot_dimension_numbers<[1], [0], [0], [1], [0, 0, 1, 1], [], []>, transpose_lhs_hint = false} : vector<32x32xf32>, vector<32x512xf32>, vector<32x512xf32> -> vector<32x512xf32>
    %add3A_696 = arith.addf %slice3A_693, %dot_general3A_695 : vector<32x512xf32>
    %add3A_697 = vector.broadcast %add3A_48 : vector<32x1xf32> to vector<32x512xf32>
    %add3A_698 = arith.addf %add3A_696, %add3A_697 : vector<32x512xf32>
    %slice3A_699 = vector.extract_strided_slice %lt3A_9 {offsets = [9, 512], sizes = [1, 512], strides = [1, 1]} : vector<16x2048xi1> to vector<1x512xi1>
    %tanh3A_700 = math.tanh %add3A_698 : vector<32x512xf32>
    %broadcast_in_dim3A_701 = vector.shape_cast %slice3A_699 : vector<1x512xi1> to vector<1x512xi1>
    %broadcast_in_dim3A_702 = vector.broadcast %broadcast_in_dim3A_701 : vector<1x512xi1> to vector<32x512xi1>
    %select_n3A_703 = arith.select %broadcast_in_dim3A_702, %tanh3A_700, %select_n3A_692 : vector<32x512xi1>, vector<32x512xf32>
    %slice3A_704 = vector.extract_strided_slice %slice3A_681 {offsets = [0, 1024], sizes = [32, 512], strides = [1, 1]} : vector<32x2048xf32> to vector<32x512xf32>
    %dot_general3A_705 = arith.constant dense<0.000000e+00> : vector<32x512xf32>
    %dot_general3A_706 = tpu.matmul %get3A_41, %select_n3A_703, %dot_general3A_705 {dimension_numbers = #tpu.dot_dimension_numbers<[1], [0], [0], [1], [0, 0, 1, 1], [], []>, transpose_lhs_hint = false} : vector<32x32xf32>, vector<32x512xf32>, vector<32x512xf32> -> vector<32x512xf32>
    %add3A_707 = arith.addf %slice3A_704, %dot_general3A_706 : vector<32x512xf32>
    %add3A_708 = vector.broadcast %add3A_48 : vector<32x1xf32> to vector<32x512xf32>
    %add3A_709 = arith.addf %add3A_707, %add3A_708 : vector<32x512xf32>
    %slice3A_710 = vector.extract_strided_slice %lt3A_9 {offsets = [9, 1024], sizes = [1, 512], strides = [1, 1]} : vector<16x2048xi1> to vector<1x512xi1>
    %tanh3A_711 = math.tanh %add3A_709 : vector<32x512xf32>
    %broadcast_in_dim3A_712 = vector.shape_cast %slice3A_710 : vector<1x512xi1> to vector<1x512xi1>
    %broadcast_in_dim3A_713 = vector.broadcast %broadcast_in_dim3A_712 : vector<1x512xi1> to vector<32x512xi1>
    %select_n3A_714 = arith.select %broadcast_in_dim3A_713, %tanh3A_711, %select_n3A_703 : vector<32x512xi1>, vector<32x512xf32>
    %slice3A_715 = vector.extract_strided_slice %slice3A_681 {offsets = [0, 1536], sizes = [32, 512], strides = [1, 1]} : vector<32x2048xf32> to vector<32x512xf32>
    %dot_general3A_716 = arith.constant dense<0.000000e+00> : vector<32x512xf32>
    %dot_general3A_717 = tpu.matmul %get3A_41, %select_n3A_714, %dot_general3A_716 {dimension_numbers = #tpu.dot_dimension_numbers<[1], [0], [0], [1], [0, 0, 1, 1], [], []>, transpose_lhs_hint = false} : vector<32x32xf32>, vector<32x512xf32>, vector<32x512xf32> -> vector<32x512xf32>
    %add3A_718 = arith.addf %slice3A_715, %dot_general3A_717 : vector<32x512xf32>
    %add3A_719 = vector.broadcast %add3A_48 : vector<32x1xf32> to vector<32x512xf32>
    %add3A_720 = arith.addf %add3A_718, %add3A_719 : vector<32x512xf32>
    %slice3A_721 = vector.extract_strided_slice %lt3A_9 {offsets = [9, 1536], sizes = [1, 512], strides = [1, 1]} : vector<16x2048xi1> to vector<1x512xi1>
    %tanh3A_722 = math.tanh %add3A_720 : vector<32x512xf32>
    %broadcast_in_dim3A_723 = vector.shape_cast %slice3A_721 : vector<1x512xi1> to vector<1x512xi1>
    %broadcast_in_dim3A_724 = vector.broadcast %broadcast_in_dim3A_723 : vector<1x512xi1> to vector<32x512xi1>
    %select_n3A_725 = arith.select %broadcast_in_dim3A_724, %tanh3A_722, %select_n3A_714 : vector<32x512xi1>, vector<32x512xf32>
    %slice3A_726 = vector.extract_strided_slice %select_n3A_27 {offsets = [10, 0], sizes = [1, 2048], strides = [1, 1]} : vector<16x2048xi32> to vector<1x2048xi32>
    %eq3A_727 = vector.broadcast %slice3A_726 : vector<1x2048xi32> to vector<114x2048xi32>
    %eq3A_728 = vector.broadcast %iota3A : vector<114x1xi32> to vector<114x2048xi32>
    %eq3A_729 = arith.cmpi eq, %eq3A_727, %eq3A_728 : vector<114x2048xi32>
    %slice3A_730 = vector.extract_strided_slice %add3A_35 {offsets = [10, 0], sizes = [1, 2048], strides = [1, 1]} : vector<16x2048xi32> to vector<1x2048xi32>
    %eq3A_731 = vector.broadcast %slice3A_730 : vector<1x2048xi32> to vector<114x2048xi32>
    %eq3A_732 = vector.broadcast %iota3A : vector<114x1xi32> to vector<114x2048xi32>
    %eq3A_733 = arith.cmpi eq, %eq3A_731, %eq3A_732 : vector<114x2048xi32>
    %or3A_734 = arith.ori %eq3A_729, %eq3A_733 : vector<114x2048xi1>
    %convert_element_type3A_735 = arith.extui %or3A_734 : vector<114x2048xi1> to vector<114x2048xi32>
    %convert_element_type3A_736 = arith.sitofp %convert_element_type3A_735 : vector<114x2048xi32> to vector<114x2048xf32>
    %convert_element_type3A_737 = arith.truncf %convert_element_type3A_736 : vector<114x2048xf32> to vector<114x2048xbf16>
    %dot_general3A_738 = arith.constant dense<0.000000e+00> : vector<52x2048xf32>
    %dot_general3A_739 = tpu.matmul %convert_element_type3A_64, %convert_element_type3A_737, %dot_general3A_738 {dimension_numbers = #tpu.dot_dimension_numbers<[1], [0], [0], [1], [0, 0, 1, 1], [], []>, transpose_lhs_hint = false} : vector<52x114xbf16>, vector<114x2048xbf16>, vector<52x2048xf32> -> vector<52x2048xf32>
    %dot_general3A_740 = arith.constant dense<0.000000e+00> : vector<52x2048xf32>
    %dot_general3A_741 = tpu.matmul %convert_element_type3A_66, %convert_element_type3A_737, %dot_general3A_740 {dimension_numbers = #tpu.dot_dimension_numbers<[1], [0], [0], [1], [0, 0, 1, 1], [], []>, transpose_lhs_hint = false} : vector<52x114xbf16>, vector<114x2048xbf16>, vector<52x2048xf32> -> vector<52x2048xf32>
    %add3A_742 = arith.addf %dot_general3A_739, %dot_general3A_741 : vector<52x2048xf32>
    %slice3A_743 = vector.extract_strided_slice %add3A_742 {offsets = [0, 0], sizes = [20, 2048], strides = [1, 1]} : vector<52x2048xf32> to vector<20x2048xf32>
    %swap3A_744 = arith.constant 0 : index
    %swap3A_745 = arith.constant 20480 : index
    %swap3A_746 = vector.load %arg8[%swap3A_744, %swap3A_745] : memref<20x32768xf32, #tpu.memory_space<vmem>>, vector<20x2048xf32>
    tpu.vector_store %arg8[%swap3A_744, %swap3A_745], %slice3A_743 {strides = array<i32>} : memref<20x32768xf32, #tpu.memory_space<vmem>>, vector<20x2048xf32>,
    %slice3A_747 = vector.extract_strided_slice %add3A_742 {offsets = [20, 0], sizes = [32, 2048], strides = [1, 1]} : vector<52x2048xf32> to vector<32x2048xf32>
    %slice3A_748 = vector.extract_strided_slice %slice3A_747 {offsets = [0, 0], sizes = [32, 512], strides = [1, 1]} : vector<32x2048xf32> to vector<32x512xf32>
    %dot_general3A_749 = arith.constant dense<0.000000e+00> : vector<32x512xf32>
    %dot_general3A_750 = tpu.matmul %get3A_41, %select_n3A_725, %dot_general3A_749 {dimension_numbers = #tpu.dot_dimension_numbers<[1], [0], [0], [1], [0, 0, 1, 1], [], []>, transpose_lhs_hint = false} : vector<32x32xf32>, vector<32x512xf32>, vector<32x512xf32> -> vector<32x512xf32>
    %add3A_751 = arith.addf %slice3A_748, %dot_general3A_750 : vector<32x512xf32>
    %add3A_752 = vector.broadcast %add3A_48 : vector<32x1xf32> to vector<32x512xf32>
    %add3A_753 = arith.addf %add3A_751, %add3A_752 : vector<32x512xf32>
    %slice3A_754 = vector.extract_strided_slice %lt3A_9 {offsets = [10, 0], sizes = [1, 512], strides = [1, 1]} : vector<16x2048xi1> to vector<1x512xi1>
    %tanh3A_755 = math.tanh %add3A_753 : vector<32x512xf32>
    %broadcast_in_dim3A_756 = vector.shape_cast %slice3A_754 : vector<1x512xi1> to vector<1x512xi1>
    %broadcast_in_dim3A_757 = vector.broadcast %broadcast_in_dim3A_756 : vector<1x512xi1> to vector<32x512xi1>
    %select_n3A_758 = arith.select %broadcast_in_dim3A_757, %tanh3A_755, %select_n3A_725 : vector<32x512xi1>, vector<32x512xf32>
    %slice3A_759 = vector.extract_strided_slice %slice3A_747 {offsets = [0, 512], sizes = [32, 512], strides = [1, 1]} : vector<32x2048xf32> to vector<32x512xf32>
    %dot_general3A_760 = arith.constant dense<0.000000e+00> : vector<32x512xf32>
    %dot_general3A_761 = tpu.matmul %get3A_41, %select_n3A_758, %dot_general3A_760 {dimension_numbers = #tpu.dot_dimension_numbers<[1], [0], [0], [1], [0, 0, 1, 1], [], []>, transpose_lhs_hint = false} : vector<32x32xf32>, vector<32x512xf32>, vector<32x512xf32> -> vector<32x512xf32>
    %add3A_762 = arith.addf %slice3A_759, %dot_general3A_761 : vector<32x512xf32>
    %add3A_763 = vector.broadcast %add3A_48 : vector<32x1xf32> to vector<32x512xf32>
    %add3A_764 = arith.addf %add3A_762, %add3A_763 : vector<32x512xf32>
    %slice3A_765 = vector.extract_strided_slice %lt3A_9 {offsets = [10, 512], sizes = [1, 512], strides = [1, 1]} : vector<16x2048xi1> to vector<1x512xi1>
    %tanh3A_766 = math.tanh %add3A_764 : vector<32x512xf32>
    %broadcast_in_dim3A_767 = vector.shape_cast %slice3A_765 : vector<1x512xi1> to vector<1x512xi1>
    %broadcast_in_dim3A_768 = vector.broadcast %broadcast_in_dim3A_767 : vector<1x512xi1> to vector<32x512xi1>
    %select_n3A_769 = arith.select %broadcast_in_dim3A_768, %tanh3A_766, %select_n3A_758 : vector<32x512xi1>, vector<32x512xf32>
    %slice3A_770 = vector.extract_strided_slice %slice3A_747 {offsets = [0, 1024], sizes = [32, 512], strides = [1, 1]} : vector<32x2048xf32> to vector<32x512xf32>
    %dot_general3A_771 = arith.constant dense<0.000000e+00> : vector<32x512xf32>
    %dot_general3A_772 = tpu.matmul %get3A_41, %select_n3A_769, %dot_general3A_771 {dimension_numbers = #tpu.dot_dimension_numbers<[1], [0], [0], [1], [0, 0, 1, 1], [], []>, transpose_lhs_hint = false} : vector<32x32xf32>, vector<32x512xf32>, vector<32x512xf32> -> vector<32x512xf32>
    %add3A_773 = arith.addf %slice3A_770, %dot_general3A_772 : vector<32x512xf32>
    %add3A_774 = vector.broadcast %add3A_48 : vector<32x1xf32> to vector<32x512xf32>
    %add3A_775 = arith.addf %add3A_773, %add3A_774 : vector<32x512xf32>
    %slice3A_776 = vector.extract_strided_slice %lt3A_9 {offsets = [10, 1024], sizes = [1, 512], strides = [1, 1]} : vector<16x2048xi1> to vector<1x512xi1>
    %tanh3A_777 = math.tanh %add3A_775 : vector<32x512xf32>
    %broadcast_in_dim3A_778 = vector.shape_cast %slice3A_776 : vector<1x512xi1> to vector<1x512xi1>
    %broadcast_in_dim3A_779 = vector.broadcast %broadcast_in_dim3A_778 : vector<1x512xi1> to vector<32x512xi1>
    %select_n3A_780 = arith.select %broadcast_in_dim3A_779, %tanh3A_777, %select_n3A_769 : vector<32x512xi1>, vector<32x512xf32>
    %slice3A_781 = vector.extract_strided_slice %slice3A_747 {offsets = [0, 1536], sizes = [32, 512], strides = [1, 1]} : vector<32x2048xf32> to vector<32x512xf32>
    %dot_general3A_782 = arith.constant dense<0.000000e+00> : vector<32x512xf32>
    %dot_general3A_783 = tpu.matmul %get3A_41, %select_n3A_780, %dot_general3A_782 {dimension_numbers = #tpu.dot_dimension_numbers<[1], [0], [0], [1], [0, 0, 1, 1], [], []>, transpose_lhs_hint = false} : vector<32x32xf32>, vector<32x512xf32>, vector<32x512xf32> -> vector<32x512xf32>
    %add3A_784 = arith.addf %slice3A_781, %dot_general3A_783 : vector<32x512xf32>
    %add3A_785 = vector.broadcast %add3A_48 : vector<32x1xf32> to vector<32x512xf32>
    %add3A_786 = arith.addf %add3A_784, %add3A_785 : vector<32x512xf32>
    %slice3A_787 = vector.extract_strided_slice %lt3A_9 {offsets = [10, 1536], sizes = [1, 512], strides = [1, 1]} : vector<16x2048xi1> to vector<1x512xi1>
    %tanh3A_788 = math.tanh %add3A_786 : vector<32x512xf32>
    %broadcast_in_dim3A_789 = vector.shape_cast %slice3A_787 : vector<1x512xi1> to vector<1x512xi1>
    %broadcast_in_dim3A_790 = vector.broadcast %broadcast_in_dim3A_789 : vector<1x512xi1> to vector<32x512xi1>
    %select_n3A_791 = arith.select %broadcast_in_dim3A_790, %tanh3A_788, %select_n3A_780 : vector<32x512xi1>, vector<32x512xf32>
    %slice3A_792 = vector.extract_strided_slice %select_n3A_27 {offsets = [11, 0], sizes = [1, 2048], strides = [1, 1]} : vector<16x2048xi32> to vector<1x2048xi32>
    %eq3A_793 = vector.broadcast %slice3A_792 : vector<1x2048xi32> to vector<114x2048xi32>
    %eq3A_794 = vector.broadcast %iota3A : vector<114x1xi32> to vector<114x2048xi32>
    %eq3A_795 = arith.cmpi eq, %eq3A_793, %eq3A_794 : vector<114x2048xi32>
    %slice3A_796 = vector.extract_strided_slice %add3A_35 {offsets = [11, 0], sizes = [1, 2048], strides = [1, 1]} : vector<16x2048xi32> to vector<1x2048xi32>
    %eq3A_797 = vector.broadcast %slice3A_796 : vector<1x2048xi32> to vector<114x2048xi32>
    %eq3A_798 = vector.broadcast %iota3A : vector<114x1xi32> to vector<114x2048xi32>
    %eq3A_799 = arith.cmpi eq, %eq3A_797, %eq3A_798 : vector<114x2048xi32>
    %or3A_800 = arith.ori %eq3A_795, %eq3A_799 : vector<114x2048xi1>
    %convert_element_type3A_801 = arith.extui %or3A_800 : vector<114x2048xi1> to vector<114x2048xi32>
    %convert_element_type3A_802 = arith.sitofp %convert_element_type3A_801 : vector<114x2048xi32> to vector<114x2048xf32>
    %convert_element_type3A_803 = arith.truncf %convert_element_type3A_802 : vector<114x2048xf32> to vector<114x2048xbf16>
    %dot_general3A_804 = arith.constant dense<0.000000e+00> : vector<52x2048xf32>
    %dot_general3A_805 = tpu.matmul %convert_element_type3A_64, %convert_element_type3A_803, %dot_general3A_804 {dimension_numbers = #tpu.dot_dimension_numbers<[1], [0], [0], [1], [0, 0, 1, 1], [], []>, transpose_lhs_hint = false} : vector<52x114xbf16>, vector<114x2048xbf16>, vector<52x2048xf32> -> vector<52x2048xf32>
    %dot_general3A_806 = arith.constant dense<0.000000e+00> : vector<52x2048xf32>
    %dot_general3A_807 = tpu.matmul %convert_element_type3A_66, %convert_element_type3A_803, %dot_general3A_806 {dimension_numbers = #tpu.dot_dimension_numbers<[1], [0], [0], [1], [0, 0, 1, 1], [], []>, transpose_lhs_hint = false} : vector<52x114xbf16>, vector<114x2048xbf16>, vector<52x2048xf32> -> vector<52x2048xf32>
    %add3A_808 = arith.addf %dot_general3A_805, %dot_general3A_807 : vector<52x2048xf32>
    %slice3A_809 = vector.extract_strided_slice %add3A_808 {offsets = [0, 0], sizes = [20, 2048], strides = [1, 1]} : vector<52x2048xf32> to vector<20x2048xf32>
    %swap3A_810 = arith.constant 0 : index
    %swap3A_811 = arith.constant 22528 : index
    %swap3A_812 = vector.load %arg8[%swap3A_810, %swap3A_811] : memref<20x32768xf32, #tpu.memory_space<vmem>>, vector<20x2048xf32>
    tpu.vector_store %arg8[%swap3A_810, %swap3A_811], %slice3A_809 {strides = array<i32>} : memref<20x32768xf32, #tpu.memory_space<vmem>>, vector<20x2048xf32>,
    %slice3A_813 = vector.extract_strided_slice %add3A_808 {offsets = [20, 0], sizes = [32, 2048], strides = [1, 1]} : vector<52x2048xf32> to vector<32x2048xf32>
    %slice3A_814 = vector.extract_strided_slice %slice3A_813 {offsets = [0, 0], sizes = [32, 512], strides = [1, 1]} : vector<32x2048xf32> to vector<32x512xf32>
    %dot_general3A_815 = arith.constant dense<0.000000e+00> : vector<32x512xf32>
    %dot_general3A_816 = tpu.matmul %get3A_41, %select_n3A_791, %dot_general3A_815 {dimension_numbers = #tpu.dot_dimension_numbers<[1], [0], [0], [1], [0, 0, 1, 1], [], []>, transpose_lhs_hint = false} : vector<32x32xf32>, vector<32x512xf32>, vector<32x512xf32> -> vector<32x512xf32>
    %add3A_817 = arith.addf %slice3A_814, %dot_general3A_816 : vector<32x512xf32>
    %add3A_818 = vector.broadcast %add3A_48 : vector<32x1xf32> to vector<32x512xf32>
    %add3A_819 = arith.addf %add3A_817, %add3A_818 : vector<32x512xf32>
    %slice3A_820 = vector.extract_strided_slice %lt3A_9 {offsets = [11, 0], sizes = [1, 512], strides = [1, 1]} : vector<16x2048xi1> to vector<1x512xi1>
    %tanh3A_821 = math.tanh %add3A_819 : vector<32x512xf32>
    %broadcast_in_dim3A_822 = vector.shape_cast %slice3A_820 : vector<1x512xi1> to vector<1x512xi1>
    %broadcast_in_dim3A_823 = vector.broadcast %broadcast_in_dim3A_822 : vector<1x512xi1> to vector<32x512xi1>
    %select_n3A_824 = arith.select %broadcast_in_dim3A_823, %tanh3A_821, %select_n3A_791 : vector<32x512xi1>, vector<32x512xf32>
    %slice3A_825 = vector.extract_strided_slice %slice3A_813 {offsets = [0, 512], sizes = [32, 512], strides = [1, 1]} : vector<32x2048xf32> to vector<32x512xf32>
    %dot_general3A_826 = arith.constant dense<0.000000e+00> : vector<32x512xf32>
    %dot_general3A_827 = tpu.matmul %get3A_41, %select_n3A_824, %dot_general3A_826 {dimension_numbers = #tpu.dot_dimension_numbers<[1], [0], [0], [1], [0, 0, 1, 1], [], []>, transpose_lhs_hint = false} : vector<32x32xf32>, vector<32x512xf32>, vector<32x512xf32> -> vector<32x512xf32>
    %add3A_828 = arith.addf %slice3A_825, %dot_general3A_827 : vector<32x512xf32>
    %add3A_829 = vector.broadcast %add3A_48 : vector<32x1xf32> to vector<32x512xf32>
    %add3A_830 = arith.addf %add3A_828, %add3A_829 : vector<32x512xf32>
    %slice3A_831 = vector.extract_strided_slice %lt3A_9 {offsets = [11, 512], sizes = [1, 512], strides = [1, 1]} : vector<16x2048xi1> to vector<1x512xi1>
    %tanh3A_832 = math.tanh %add3A_830 : vector<32x512xf32>
    %broadcast_in_dim3A_833 = vector.shape_cast %slice3A_831 : vector<1x512xi1> to vector<1x512xi1>
    %broadcast_in_dim3A_834 = vector.broadcast %broadcast_in_dim3A_833 : vector<1x512xi1> to vector<32x512xi1>
    %select_n3A_835 = arith.select %broadcast_in_dim3A_834, %tanh3A_832, %select_n3A_824 : vector<32x512xi1>, vector<32x512xf32>
    %slice3A_836 = vector.extract_strided_slice %slice3A_813 {offsets = [0, 1024], sizes = [32, 512], strides = [1, 1]} : vector<32x2048xf32> to vector<32x512xf32>
    %dot_general3A_837 = arith.constant dense<0.000000e+00> : vector<32x512xf32>
    %dot_general3A_838 = tpu.matmul %get3A_41, %select_n3A_835, %dot_general3A_837 {dimension_numbers = #tpu.dot_dimension_numbers<[1], [0], [0], [1], [0, 0, 1, 1], [], []>, transpose_lhs_hint = false} : vector<32x32xf32>, vector<32x512xf32>, vector<32x512xf32> -> vector<32x512xf32>
    %add3A_839 = arith.addf %slice3A_836, %dot_general3A_838 : vector<32x512xf32>
    %add3A_840 = vector.broadcast %add3A_48 : vector<32x1xf32> to vector<32x512xf32>
    %add3A_841 = arith.addf %add3A_839, %add3A_840 : vector<32x512xf32>
    %slice3A_842 = vector.extract_strided_slice %lt3A_9 {offsets = [11, 1024], sizes = [1, 512], strides = [1, 1]} : vector<16x2048xi1> to vector<1x512xi1>
    %tanh3A_843 = math.tanh %add3A_841 : vector<32x512xf32>
    %broadcast_in_dim3A_844 = vector.shape_cast %slice3A_842 : vector<1x512xi1> to vector<1x512xi1>
    %broadcast_in_dim3A_845 = vector.broadcast %broadcast_in_dim3A_844 : vector<1x512xi1> to vector<32x512xi1>
    %select_n3A_846 = arith.select %broadcast_in_dim3A_845, %tanh3A_843, %select_n3A_835 : vector<32x512xi1>, vector<32x512xf32>
    %slice3A_847 = vector.extract_strided_slice %slice3A_813 {offsets = [0, 1536], sizes = [32, 512], strides = [1, 1]} : vector<32x2048xf32> to vector<32x512xf32>
    %dot_general3A_848 = arith.constant dense<0.000000e+00> : vector<32x512xf32>
    %dot_general3A_849 = tpu.matmul %get3A_41, %select_n3A_846, %dot_general3A_848 {dimension_numbers = #tpu.dot_dimension_numbers<[1], [0], [0], [1], [0, 0, 1, 1], [], []>, transpose_lhs_hint = false} : vector<32x32xf32>, vector<32x512xf32>, vector<32x512xf32> -> vector<32x512xf32>
    %add3A_850 = arith.addf %slice3A_847, %dot_general3A_849 : vector<32x512xf32>
    %add3A_851 = vector.broadcast %add3A_48 : vector<32x1xf32> to vector<32x512xf32>
    %add3A_852 = arith.addf %add3A_850, %add3A_851 : vector<32x512xf32>
    %slice3A_853 = vector.extract_strided_slice %lt3A_9 {offsets = [11, 1536], sizes = [1, 512], strides = [1, 1]} : vector<16x2048xi1> to vector<1x512xi1>
    %tanh3A_854 = math.tanh %add3A_852 : vector<32x512xf32>
    %broadcast_in_dim3A_855 = vector.shape_cast %slice3A_853 : vector<1x512xi1> to vector<1x512xi1>
    %broadcast_in_dim3A_856 = vector.broadcast %broadcast_in_dim3A_855 : vector<1x512xi1> to vector<32x512xi1>
    %select_n3A_857 = arith.select %broadcast_in_dim3A_856, %tanh3A_854, %select_n3A_846 : vector<32x512xi1>, vector<32x512xf32>
    %slice3A_858 = vector.extract_strided_slice %select_n3A_27 {offsets = [12, 0], sizes = [1, 2048], strides = [1, 1]} : vector<16x2048xi32> to vector<1x2048xi32>
    %eq3A_859 = vector.broadcast %slice3A_858 : vector<1x2048xi32> to vector<114x2048xi32>
    %eq3A_860 = vector.broadcast %iota3A : vector<114x1xi32> to vector<114x2048xi32>
    %eq3A_861 = arith.cmpi eq, %eq3A_859, %eq3A_860 : vector<114x2048xi32>
    %slice3A_862 = vector.extract_strided_slice %add3A_35 {offsets = [12, 0], sizes = [1, 2048], strides = [1, 1]} : vector<16x2048xi32> to vector<1x2048xi32>
    %eq3A_863 = vector.broadcast %slice3A_862 : vector<1x2048xi32> to vector<114x2048xi32>
    %eq3A_864 = vector.broadcast %iota3A : vector<114x1xi32> to vector<114x2048xi32>
    %eq3A_865 = arith.cmpi eq, %eq3A_863, %eq3A_864 : vector<114x2048xi32>
    %or3A_866 = arith.ori %eq3A_861, %eq3A_865 : vector<114x2048xi1>
    %convert_element_type3A_867 = arith.extui %or3A_866 : vector<114x2048xi1> to vector<114x2048xi32>
    %convert_element_type3A_868 = arith.sitofp %convert_element_type3A_867 : vector<114x2048xi32> to vector<114x2048xf32>
    %convert_element_type3A_869 = arith.truncf %convert_element_type3A_868 : vector<114x2048xf32> to vector<114x2048xbf16>
    %dot_general3A_870 = arith.constant dense<0.000000e+00> : vector<52x2048xf32>
    %dot_general3A_871 = tpu.matmul %convert_element_type3A_64, %convert_element_type3A_869, %dot_general3A_870 {dimension_numbers = #tpu.dot_dimension_numbers<[1], [0], [0], [1], [0, 0, 1, 1], [], []>, transpose_lhs_hint = false} : vector<52x114xbf16>, vector<114x2048xbf16>, vector<52x2048xf32> -> vector<52x2048xf32>
    %dot_general3A_872 = arith.constant dense<0.000000e+00> : vector<52x2048xf32>
    %dot_general3A_873 = tpu.matmul %convert_element_type3A_66, %convert_element_type3A_869, %dot_general3A_872 {dimension_numbers = #tpu.dot_dimension_numbers<[1], [0], [0], [1], [0, 0, 1, 1], [], []>, transpose_lhs_hint = false} : vector<52x114xbf16>, vector<114x2048xbf16>, vector<52x2048xf32> -> vector<52x2048xf32>
    %add3A_874 = arith.addf %dot_general3A_871, %dot_general3A_873 : vector<52x2048xf32>
    %slice3A_875 = vector.extract_strided_slice %add3A_874 {offsets = [0, 0], sizes = [20, 2048], strides = [1, 1]} : vector<52x2048xf32> to vector<20x2048xf32>
    %swap3A_876 = arith.constant 0 : index
    %swap3A_877 = arith.constant 24576 : index
    %swap3A_878 = vector.load %arg8[%swap3A_876, %swap3A_877] : memref<20x32768xf32, #tpu.memory_space<vmem>>, vector<20x2048xf32>
    tpu.vector_store %arg8[%swap3A_876, %swap3A_877], %slice3A_875 {strides = array<i32>} : memref<20x32768xf32, #tpu.memory_space<vmem>>, vector<20x2048xf32>,
    %slice3A_879 = vector.extract_strided_slice %add3A_874 {offsets = [20, 0], sizes = [32, 2048], strides = [1, 1]} : vector<52x2048xf32> to vector<32x2048xf32>
    %slice3A_880 = vector.extract_strided_slice %slice3A_879 {offsets = [0, 0], sizes = [32, 512], strides = [1, 1]} : vector<32x2048xf32> to vector<32x512xf32>
    %dot_general3A_881 = arith.constant dense<0.000000e+00> : vector<32x512xf32>
    %dot_general3A_882 = tpu.matmul %get3A_41, %select_n3A_857, %dot_general3A_881 {dimension_numbers = #tpu.dot_dimension_numbers<[1], [0], [0], [1], [0, 0, 1, 1], [], []>, transpose_lhs_hint = false} : vector<32x32xf32>, vector<32x512xf32>, vector<32x512xf32> -> vector<32x512xf32>
    %add3A_883 = arith.addf %slice3A_880, %dot_general3A_882 : vector<32x512xf32>
    %add3A_884 = vector.broadcast %add3A_48 : vector<32x1xf32> to vector<32x512xf32>
    %add3A_885 = arith.addf %add3A_883, %add3A_884 : vector<32x512xf32>
    %slice3A_886 = vector.extract_strided_slice %lt3A_9 {offsets = [12, 0], sizes = [1, 512], strides = [1, 1]} : vector<16x2048xi1> to vector<1x512xi1>
    %tanh3A_887 = math.tanh %add3A_885 : vector<32x512xf32>
    %broadcast_in_dim3A_888 = vector.shape_cast %slice3A_886 : vector<1x512xi1> to vector<1x512xi1>
    %broadcast_in_dim3A_889 = vector.broadcast %broadcast_in_dim3A_888 : vector<1x512xi1> to vector<32x512xi1>
    %select_n3A_890 = arith.select %broadcast_in_dim3A_889, %tanh3A_887, %select_n3A_857 : vector<32x512xi1>, vector<32x512xf32>
    %slice3A_891 = vector.extract_strided_slice %slice3A_879 {offsets = [0, 512], sizes = [32, 512], strides = [1, 1]} : vector<32x2048xf32> to vector<32x512xf32>
    %dot_general3A_892 = arith.constant dense<0.000000e+00> : vector<32x512xf32>
    %dot_general3A_893 = tpu.matmul %get3A_41, %select_n3A_890, %dot_general3A_892 {dimension_numbers = #tpu.dot_dimension_numbers<[1], [0], [0], [1], [0, 0, 1, 1], [], []>, transpose_lhs_hint = false} : vector<32x32xf32>, vector<32x512xf32>, vector<32x512xf32> -> vector<32x512xf32>
    %add3A_894 = arith.addf %slice3A_891, %dot_general3A_893 : vector<32x512xf32>
    %add3A_895 = vector.broadcast %add3A_48 : vector<32x1xf32> to vector<32x512xf32>
    %add3A_896 = arith.addf %add3A_894, %add3A_895 : vector<32x512xf32>
    %slice3A_897 = vector.extract_strided_slice %lt3A_9 {offsets = [12, 512], sizes = [1, 512], strides = [1, 1]} : vector<16x2048xi1> to vector<1x512xi1>
    %tanh3A_898 = math.tanh %add3A_896 : vector<32x512xf32>
    %broadcast_in_dim3A_899 = vector.shape_cast %slice3A_897 : vector<1x512xi1> to vector<1x512xi1>
    %broadcast_in_dim3A_900 = vector.broadcast %broadcast_in_dim3A_899 : vector<1x512xi1> to vector<32x512xi1>
    %select_n3A_901 = arith.select %broadcast_in_dim3A_900, %tanh3A_898, %select_n3A_890 : vector<32x512xi1>, vector<32x512xf32>
    %slice3A_902 = vector.extract_strided_slice %slice3A_879 {offsets = [0, 1024], sizes = [32, 512], strides = [1, 1]} : vector<32x2048xf32> to vector<32x512xf32>
    %dot_general3A_903 = arith.constant dense<0.000000e+00> : vector<32x512xf32>
    %dot_general3A_904 = tpu.matmul %get3A_41, %select_n3A_901, %dot_general3A_903 {dimension_numbers = #tpu.dot_dimension_numbers<[1], [0], [0], [1], [0, 0, 1, 1], [], []>, transpose_lhs_hint = false} : vector<32x32xf32>, vector<32x512xf32>, vector<32x512xf32> -> vector<32x512xf32>
    %add3A_905 = arith.addf %slice3A_902, %dot_general3A_904 : vector<32x512xf32>
    %add3A_906 = vector.broadcast %add3A_48 : vector<32x1xf32> to vector<32x512xf32>
    %add3A_907 = arith.addf %add3A_905, %add3A_906 : vector<32x512xf32>
    %slice3A_908 = vector.extract_strided_slice %lt3A_9 {offsets = [12, 1024], sizes = [1, 512], strides = [1, 1]} : vector<16x2048xi1> to vector<1x512xi1>
    %tanh3A_909 = math.tanh %add3A_907 : vector<32x512xf32>
    %broadcast_in_dim3A_910 = vector.shape_cast %slice3A_908 : vector<1x512xi1> to vector<1x512xi1>
    %broadcast_in_dim3A_911 = vector.broadcast %broadcast_in_dim3A_910 : vector<1x512xi1> to vector<32x512xi1>
    %select_n3A_912 = arith.select %broadcast_in_dim3A_911, %tanh3A_909, %select_n3A_901 : vector<32x512xi1>, vector<32x512xf32>
    %slice3A_913 = vector.extract_strided_slice %slice3A_879 {offsets = [0, 1536], sizes = [32, 512], strides = [1, 1]} : vector<32x2048xf32> to vector<32x512xf32>
    %dot_general3A_914 = arith.constant dense<0.000000e+00> : vector<32x512xf32>
    %dot_general3A_915 = tpu.matmul %get3A_41, %select_n3A_912, %dot_general3A_914 {dimension_numbers = #tpu.dot_dimension_numbers<[1], [0], [0], [1], [0, 0, 1, 1], [], []>, transpose_lhs_hint = false} : vector<32x32xf32>, vector<32x512xf32>, vector<32x512xf32> -> vector<32x512xf32>
    %add3A_916 = arith.addf %slice3A_913, %dot_general3A_915 : vector<32x512xf32>
    %add3A_917 = vector.broadcast %add3A_48 : vector<32x1xf32> to vector<32x512xf32>
    %add3A_918 = arith.addf %add3A_916, %add3A_917 : vector<32x512xf32>
    %slice3A_919 = vector.extract_strided_slice %lt3A_9 {offsets = [12, 1536], sizes = [1, 512], strides = [1, 1]} : vector<16x2048xi1> to vector<1x512xi1>
    %tanh3A_920 = math.tanh %add3A_918 : vector<32x512xf32>
    %broadcast_in_dim3A_921 = vector.shape_cast %slice3A_919 : vector<1x512xi1> to vector<1x512xi1>
    %broadcast_in_dim3A_922 = vector.broadcast %broadcast_in_dim3A_921 : vector<1x512xi1> to vector<32x512xi1>
    %select_n3A_923 = arith.select %broadcast_in_dim3A_922, %tanh3A_920, %select_n3A_912 : vector<32x512xi1>, vector<32x512xf32>
    %slice3A_924 = vector.extract_strided_slice %select_n3A_27 {offsets = [13, 0], sizes = [1, 2048], strides = [1, 1]} : vector<16x2048xi32> to vector<1x2048xi32>
    %eq3A_925 = vector.broadcast %slice3A_924 : vector<1x2048xi32> to vector<114x2048xi32>
    %eq3A_926 = vector.broadcast %iota3A : vector<114x1xi32> to vector<114x2048xi32>
    %eq3A_927 = arith.cmpi eq, %eq3A_925, %eq3A_926 : vector<114x2048xi32>
    %slice3A_928 = vector.extract_strided_slice %add3A_35 {offsets = [13, 0], sizes = [1, 2048], strides = [1, 1]} : vector<16x2048xi32> to vector<1x2048xi32>
    %eq3A_929 = vector.broadcast %slice3A_928 : vector<1x2048xi32> to vector<114x2048xi32>
    %eq3A_930 = vector.broadcast %iota3A : vector<114x1xi32> to vector<114x2048xi32>
    %eq3A_931 = arith.cmpi eq, %eq3A_929, %eq3A_930 : vector<114x2048xi32>
    %or3A_932 = arith.ori %eq3A_927, %eq3A_931 : vector<114x2048xi1>
    %convert_element_type3A_933 = arith.extui %or3A_932 : vector<114x2048xi1> to vector<114x2048xi32>
    %convert_element_type3A_934 = arith.sitofp %convert_element_type3A_933 : vector<114x2048xi32> to vector<114x2048xf32>
    %convert_element_type3A_935 = arith.truncf %convert_element_type3A_934 : vector<114x2048xf32> to vector<114x2048xbf16>
    %dot_general3A_936 = arith.constant dense<0.000000e+00> : vector<52x2048xf32>
    %dot_general3A_937 = tpu.matmul %convert_element_type3A_64, %convert_element_type3A_935, %dot_general3A_936 {dimension_numbers = #tpu.dot_dimension_numbers<[1], [0], [0], [1], [0, 0, 1, 1], [], []>, transpose_lhs_hint = false} : vector<52x114xbf16>, vector<114x2048xbf16>, vector<52x2048xf32> -> vector<52x2048xf32>
    %dot_general3A_938 = arith.constant dense<0.000000e+00> : vector<52x2048xf32>
    %dot_general3A_939 = tpu.matmul %convert_element_type3A_66, %convert_element_type3A_935, %dot_general3A_938 {dimension_numbers = #tpu.dot_dimension_numbers<[1], [0], [0], [1], [0, 0, 1, 1], [], []>, transpose_lhs_hint = false} : vector<52x114xbf16>, vector<114x2048xbf16>, vector<52x2048xf32> -> vector<52x2048xf32>
    %add3A_940 = arith.addf %dot_general3A_937, %dot_general3A_939 : vector<52x2048xf32>
    %slice3A_941 = vector.extract_strided_slice %add3A_940 {offsets = [0, 0], sizes = [20, 2048], strides = [1, 1]} : vector<52x2048xf32> to vector<20x2048xf32>
    %swap3A_942 = arith.constant 0 : index
    %swap3A_943 = arith.constant 26624 : index
    %swap3A_944 = vector.load %arg8[%swap3A_942, %swap3A_943] : memref<20x32768xf32, #tpu.memory_space<vmem>>, vector<20x2048xf32>
    tpu.vector_store %arg8[%swap3A_942, %swap3A_943], %slice3A_941 {strides = array<i32>} : memref<20x32768xf32, #tpu.memory_space<vmem>>, vector<20x2048xf32>,
    %slice3A_945 = vector.extract_strided_slice %add3A_940 {offsets = [20, 0], sizes = [32, 2048], strides = [1, 1]} : vector<52x2048xf32> to vector<32x2048xf32>
    %slice3A_946 = vector.extract_strided_slice %slice3A_945 {offsets = [0, 0], sizes = [32, 512], strides = [1, 1]} : vector<32x2048xf32> to vector<32x512xf32>
    %dot_general3A_947 = arith.constant dense<0.000000e+00> : vector<32x512xf32>
    %dot_general3A_948 = tpu.matmul %get3A_41, %select_n3A_923, %dot_general3A_947 {dimension_numbers = #tpu.dot_dimension_numbers<[1], [0], [0], [1], [0, 0, 1, 1], [], []>, transpose_lhs_hint = false} : vector<32x32xf32>, vector<32x512xf32>, vector<32x512xf32> -> vector<32x512xf32>
    %add3A_949 = arith.addf %slice3A_946, %dot_general3A_948 : vector<32x512xf32>
    %add3A_950 = vector.broadcast %add3A_48 : vector<32x1xf32> to vector<32x512xf32>
    %add3A_951 = arith.addf %add3A_949, %add3A_950 : vector<32x512xf32>
    %slice3A_952 = vector.extract_strided_slice %lt3A_9 {offsets = [13, 0], sizes = [1, 512], strides = [1, 1]} : vector<16x2048xi1> to vector<1x512xi1>
    %tanh3A_953 = math.tanh %add3A_951 : vector<32x512xf32>
    %broadcast_in_dim3A_954 = vector.shape_cast %slice3A_952 : vector<1x512xi1> to vector<1x512xi1>
    %broadcast_in_dim3A_955 = vector.broadcast %broadcast_in_dim3A_954 : vector<1x512xi1> to vector<32x512xi1>
    %select_n3A_956 = arith.select %broadcast_in_dim3A_955, %tanh3A_953, %select_n3A_923 : vector<32x512xi1>, vector<32x512xf32>
    %slice3A_957 = vector.extract_strided_slice %slice3A_945 {offsets = [0, 512], sizes = [32, 512], strides = [1, 1]} : vector<32x2048xf32> to vector<32x512xf32>
    %dot_general3A_958 = arith.constant dense<0.000000e+00> : vector<32x512xf32>
    %dot_general3A_959 = tpu.matmul %get3A_41, %select_n3A_956, %dot_general3A_958 {dimension_numbers = #tpu.dot_dimension_numbers<[1], [0], [0], [1], [0, 0, 1, 1], [], []>, transpose_lhs_hint = false} : vector<32x32xf32>, vector<32x512xf32>, vector<32x512xf32> -> vector<32x512xf32>
    %add3A_960 = arith.addf %slice3A_957, %dot_general3A_959 : vector<32x512xf32>
    %add3A_961 = vector.broadcast %add3A_48 : vector<32x1xf32> to vector<32x512xf32>
    %add3A_962 = arith.addf %add3A_960, %add3A_961 : vector<32x512xf32>
    %slice3A_963 = vector.extract_strided_slice %lt3A_9 {offsets = [13, 512], sizes = [1, 512], strides = [1, 1]} : vector<16x2048xi1> to vector<1x512xi1>
    %tanh3A_964 = math.tanh %add3A_962 : vector<32x512xf32>
    %broadcast_in_dim3A_965 = vector.shape_cast %slice3A_963 : vector<1x512xi1> to vector<1x512xi1>
    %broadcast_in_dim3A_966 = vector.broadcast %broadcast_in_dim3A_965 : vector<1x512xi1> to vector<32x512xi1>
    %select_n3A_967 = arith.select %broadcast_in_dim3A_966, %tanh3A_964, %select_n3A_956 : vector<32x512xi1>, vector<32x512xf32>
    %slice3A_968 = vector.extract_strided_slice %slice3A_945 {offsets = [0, 1024], sizes = [32, 512], strides = [1, 1]} : vector<32x2048xf32> to vector<32x512xf32>
    %dot_general3A_969 = arith.constant dense<0.000000e+00> : vector<32x512xf32>
    %dot_general3A_970 = tpu.matmul %get3A_41, %select_n3A_967, %dot_general3A_969 {dimension_numbers = #tpu.dot_dimension_numbers<[1], [0], [0], [1], [0, 0, 1, 1], [], []>, transpose_lhs_hint = false} : vector<32x32xf32>, vector<32x512xf32>, vector<32x512xf32> -> vector<32x512xf32>
    %add3A_971 = arith.addf %slice3A_968, %dot_general3A_970 : vector<32x512xf32>
    %add3A_972 = vector.broadcast %add3A_48 : vector<32x1xf32> to vector<32x512xf32>
    %add3A_973 = arith.addf %add3A_971, %add3A_972 : vector<32x512xf32>
    %slice3A_974 = vector.extract_strided_slice %lt3A_9 {offsets = [13, 1024], sizes = [1, 512], strides = [1, 1]} : vector<16x2048xi1> to vector<1x512xi1>
    %tanh3A_975 = math.tanh %add3A_973 : vector<32x512xf32>
    %broadcast_in_dim3A_976 = vector.shape_cast %slice3A_974 : vector<1x512xi1> to vector<1x512xi1>
    %broadcast_in_dim3A_977 = vector.broadcast %broadcast_in_dim3A_976 : vector<1x512xi1> to vector<32x512xi1>
    %select_n3A_978 = arith.select %broadcast_in_dim3A_977, %tanh3A_975, %select_n3A_967 : vector<32x512xi1>, vector<32x512xf32>
    %slice3A_979 = vector.extract_strided_slice %slice3A_945 {offsets = [0, 1536], sizes = [32, 512], strides = [1, 1]} : vector<32x2048xf32> to vector<32x512xf32>
    %dot_general3A_980 = arith.constant dense<0.000000e+00> : vector<32x512xf32>
    %dot_general3A_981 = tpu.matmul %get3A_41, %select_n3A_978, %dot_general3A_980 {dimension_numbers = #tpu.dot_dimension_numbers<[1], [0], [0], [1], [0, 0, 1, 1], [], []>, transpose_lhs_hint = false} : vector<32x32xf32>, vector<32x512xf32>, vector<32x512xf32> -> vector<32x512xf32>
    %add3A_982 = arith.addf %slice3A_979, %dot_general3A_981 : vector<32x512xf32>
    %add3A_983 = vector.broadcast %add3A_48 : vector<32x1xf32> to vector<32x512xf32>
    %add3A_984 = arith.addf %add3A_982, %add3A_983 : vector<32x512xf32>
    %slice3A_985 = vector.extract_strided_slice %lt3A_9 {offsets = [13, 1536], sizes = [1, 512], strides = [1, 1]} : vector<16x2048xi1> to vector<1x512xi1>
    %tanh3A_986 = math.tanh %add3A_984 : vector<32x512xf32>
    %broadcast_in_dim3A_987 = vector.shape_cast %slice3A_985 : vector<1x512xi1> to vector<1x512xi1>
    %broadcast_in_dim3A_988 = vector.broadcast %broadcast_in_dim3A_987 : vector<1x512xi1> to vector<32x512xi1>
    %select_n3A_989 = arith.select %broadcast_in_dim3A_988, %tanh3A_986, %select_n3A_978 : vector<32x512xi1>, vector<32x512xf32>
    %slice3A_990 = vector.extract_strided_slice %select_n3A_27 {offsets = [14, 0], sizes = [1, 2048], strides = [1, 1]} : vector<16x2048xi32> to vector<1x2048xi32>
    %eq3A_991 = vector.broadcast %slice3A_990 : vector<1x2048xi32> to vector<114x2048xi32>
    %eq3A_992 = vector.broadcast %iota3A : vector<114x1xi32> to vector<114x2048xi32>
    %eq3A_993 = arith.cmpi eq, %eq3A_991, %eq3A_992 : vector<114x2048xi32>
    %slice3A_994 = vector.extract_strided_slice %add3A_35 {offsets = [14, 0], sizes = [1, 2048], strides = [1, 1]} : vector<16x2048xi32> to vector<1x2048xi32>
    %eq3A_995 = vector.broadcast %slice3A_994 : vector<1x2048xi32> to vector<114x2048xi32>
    %eq3A_996 = vector.broadcast %iota3A : vector<114x1xi32> to vector<114x2048xi32>
    %eq3A_997 = arith.cmpi eq, %eq3A_995, %eq3A_996 : vector<114x2048xi32>
    %or3A_998 = arith.ori %eq3A_993, %eq3A_997 : vector<114x2048xi1>
    %convert_element_type3A_999 = arith.extui %or3A_998 : vector<114x2048xi1> to vector<114x2048xi32>
    %convert_element_type3A_1000 = arith.sitofp %convert_element_type3A_999 : vector<114x2048xi32> to vector<114x2048xf32>
    %convert_element_type3A_1001 = arith.truncf %convert_element_type3A_1000 : vector<114x2048xf32> to vector<114x2048xbf16>
    %dot_general3A_1002 = arith.constant dense<0.000000e+00> : vector<52x2048xf32>
    %dot_general3A_1003 = tpu.matmul %convert_element_type3A_64, %convert_element_type3A_1001, %dot_general3A_1002 {dimension_numbers = #tpu.dot_dimension_numbers<[1], [0], [0], [1], [0, 0, 1, 1], [], []>, transpose_lhs_hint = false} : vector<52x114xbf16>, vector<114x2048xbf16>, vector<52x2048xf32> -> vector<52x2048xf32>
    %dot_general3A_1004 = arith.constant dense<0.000000e+00> : vector<52x2048xf32>
    %dot_general3A_1005 = tpu.matmul %convert_element_type3A_66, %convert_element_type3A_1001, %dot_general3A_1004 {dimension_numbers = #tpu.dot_dimension_numbers<[1], [0], [0], [1], [0, 0, 1, 1], [], []>, transpose_lhs_hint = false} : vector<52x114xbf16>, vector<114x2048xbf16>, vector<52x2048xf32> -> vector<52x2048xf32>
    %add3A_1006 = arith.addf %dot_general3A_1003, %dot_general3A_1005 : vector<52x2048xf32>
    %slice3A_1007 = vector.extract_strided_slice %add3A_1006 {offsets = [0, 0], sizes = [20, 2048], strides = [1, 1]} : vector<52x2048xf32> to vector<20x2048xf32>
    %swap3A_1008 = arith.constant 0 : index
    %swap3A_1009 = arith.constant 28672 : index
    %swap3A_1010 = vector.load %arg8[%swap3A_1008, %swap3A_1009] : memref<20x32768xf32, #tpu.memory_space<vmem>>, vector<20x2048xf32>
    tpu.vector_store %arg8[%swap3A_1008, %swap3A_1009], %slice3A_1007 {strides = array<i32>} : memref<20x32768xf32, #tpu.memory_space<vmem>>, vector<20x2048xf32>,
    %slice3A_1011 = vector.extract_strided_slice %add3A_1006 {offsets = [20, 0], sizes = [32, 2048], strides = [1, 1]} : vector<52x2048xf32> to vector<32x2048xf32>
    %slice3A_1012 = vector.extract_strided_slice %slice3A_1011 {offsets = [0, 0], sizes = [32, 512], strides = [1, 1]} : vector<32x2048xf32> to vector<32x512xf32>
    %dot_general3A_1013 = arith.constant dense<0.000000e+00> : vector<32x512xf32>
    %dot_general3A_1014 = tpu.matmul %get3A_41, %select_n3A_989, %dot_general3A_1013 {dimension_numbers = #tpu.dot_dimension_numbers<[1], [0], [0], [1], [0, 0, 1, 1], [], []>, transpose_lhs_hint = false} : vector<32x32xf32>, vector<32x512xf32>, vector<32x512xf32> -> vector<32x512xf32>
    %add3A_1015 = arith.addf %slice3A_1012, %dot_general3A_1014 : vector<32x512xf32>
    %add3A_1016 = vector.broadcast %add3A_48 : vector<32x1xf32> to vector<32x512xf32>
    %add3A_1017 = arith.addf %add3A_1015, %add3A_1016 : vector<32x512xf32>
    %slice3A_1018 = vector.extract_strided_slice %lt3A_9 {offsets = [14, 0], sizes = [1, 512], strides = [1, 1]} : vector<16x2048xi1> to vector<1x512xi1>
    %tanh3A_1019 = math.tanh %add3A_1017 : vector<32x512xf32>
    %broadcast_in_dim3A_1020 = vector.shape_cast %slice3A_1018 : vector<1x512xi1> to vector<1x512xi1>
    %broadcast_in_dim3A_1021 = vector.broadcast %broadcast_in_dim3A_1020 : vector<1x512xi1> to vector<32x512xi1>
    %select_n3A_1022 = arith.select %broadcast_in_dim3A_1021, %tanh3A_1019, %select_n3A_989 : vector<32x512xi1>, vector<32x512xf32>
    %slice3A_1023 = vector.extract_strided_slice %slice3A_1011 {offsets = [0, 512], sizes = [32, 512], strides = [1, 1]} : vector<32x2048xf32> to vector<32x512xf32>
    %dot_general3A_1024 = arith.constant dense<0.000000e+00> : vector<32x512xf32>
    %dot_general3A_1025 = tpu.matmul %get3A_41, %select_n3A_1022, %dot_general3A_1024 {dimension_numbers = #tpu.dot_dimension_numbers<[1], [0], [0], [1], [0, 0, 1, 1], [], []>, transpose_lhs_hint = false} : vector<32x32xf32>, vector<32x512xf32>, vector<32x512xf32> -> vector<32x512xf32>
    %add3A_1026 = arith.addf %slice3A_1023, %dot_general3A_1025 : vector<32x512xf32>
    %add3A_1027 = vector.broadcast %add3A_48 : vector<32x1xf32> to vector<32x512xf32>
    %add3A_1028 = arith.addf %add3A_1026, %add3A_1027 : vector<32x512xf32>
    %slice3A_1029 = vector.extract_strided_slice %lt3A_9 {offsets = [14, 512], sizes = [1, 512], strides = [1, 1]} : vector<16x2048xi1> to vector<1x512xi1>
    %tanh3A_1030 = math.tanh %add3A_1028 : vector<32x512xf32>
    %broadcast_in_dim3A_1031 = vector.shape_cast %slice3A_1029 : vector<1x512xi1> to vector<1x512xi1>
    %broadcast_in_dim3A_1032 = vector.broadcast %broadcast_in_dim3A_1031 : vector<1x512xi1> to vector<32x512xi1>
    %select_n3A_1033 = arith.select %broadcast_in_dim3A_1032, %tanh3A_1030, %select_n3A_1022 : vector<32x512xi1>, vector<32x512xf32>
    %slice3A_1034 = vector.extract_strided_slice %slice3A_1011 {offsets = [0, 1024], sizes = [32, 512], strides = [1, 1]} : vector<32x2048xf32> to vector<32x512xf32>
    %dot_general3A_1035 = arith.constant dense<0.000000e+00> : vector<32x512xf32>
    %dot_general3A_1036 = tpu.matmul %get3A_41, %select_n3A_1033, %dot_general3A_1035 {dimension_numbers = #tpu.dot_dimension_numbers<[1], [0], [0], [1], [0, 0, 1, 1], [], []>, transpose_lhs_hint = false} : vector<32x32xf32>, vector<32x512xf32>, vector<32x512xf32> -> vector<32x512xf32>
    %add3A_1037 = arith.addf %slice3A_1034, %dot_general3A_1036 : vector<32x512xf32>
    %add3A_1038 = vector.broadcast %add3A_48 : vector<32x1xf32> to vector<32x512xf32>
    %add3A_1039 = arith.addf %add3A_1037, %add3A_1038 : vector<32x512xf32>
    %slice3A_1040 = vector.extract_strided_slice %lt3A_9 {offsets = [14, 1024], sizes = [1, 512], strides = [1, 1]} : vector<16x2048xi1> to vector<1x512xi1>
    %tanh3A_1041 = math.tanh %add3A_1039 : vector<32x512xf32>
    %broadcast_in_dim3A_1042 = vector.shape_cast %slice3A_1040 : vector<1x512xi1> to vector<1x512xi1>
    %broadcast_in_dim3A_1043 = vector.broadcast %broadcast_in_dim3A_1042 : vector<1x512xi1> to vector<32x512xi1>
    %select_n3A_1044 = arith.select %broadcast_in_dim3A_1043, %tanh3A_1041, %select_n3A_1033 : vector<32x512xi1>, vector<32x512xf32>
    %slice3A_1045 = vector.extract_strided_slice %slice3A_1011 {offsets = [0, 1536], sizes = [32, 512], strides = [1, 1]} : vector<32x2048xf32> to vector<32x512xf32>
    %dot_general3A_1046 = arith.constant dense<0.000000e+00> : vector<32x512xf32>
    %dot_general3A_1047 = tpu.matmul %get3A_41, %select_n3A_1044, %dot_general3A_1046 {dimension_numbers = #tpu.dot_dimension_numbers<[1], [0], [0], [1], [0, 0, 1, 1], [], []>, transpose_lhs_hint = false} : vector<32x32xf32>, vector<32x512xf32>, vector<32x512xf32> -> vector<32x512xf32>
    %add3A_1048 = arith.addf %slice3A_1045, %dot_general3A_1047 : vector<32x512xf32>
    %add3A_1049 = vector.broadcast %add3A_48 : vector<32x1xf32> to vector<32x512xf32>
    %add3A_1050 = arith.addf %add3A_1048, %add3A_1049 : vector<32x512xf32>
    %slice3A_1051 = vector.extract_strided_slice %lt3A_9 {offsets = [14, 1536], sizes = [1, 512], strides = [1, 1]} : vector<16x2048xi1> to vector<1x512xi1>
    %tanh3A_1052 = math.tanh %add3A_1050 : vector<32x512xf32>
    %broadcast_in_dim3A_1053 = vector.shape_cast %slice3A_1051 : vector<1x512xi1> to vector<1x512xi1>
    %broadcast_in_dim3A_1054 = vector.broadcast %broadcast_in_dim3A_1053 : vector<1x512xi1> to vector<32x512xi1>
    %select_n3A_1055 = arith.select %broadcast_in_dim3A_1054, %tanh3A_1052, %select_n3A_1044 : vector<32x512xi1>, vector<32x512xf32>
    %slice3A_1056 = vector.extract_strided_slice %select_n3A_27 {offsets = [15, 0], sizes = [1, 2048], strides = [1, 1]} : vector<16x2048xi32> to vector<1x2048xi32>
    %eq3A_1057 = vector.broadcast %slice3A_1056 : vector<1x2048xi32> to vector<114x2048xi32>
    %eq3A_1058 = vector.broadcast %iota3A : vector<114x1xi32> to vector<114x2048xi32>
    %eq3A_1059 = arith.cmpi eq, %eq3A_1057, %eq3A_1058 : vector<114x2048xi32>
    %slice3A_1060 = vector.extract_strided_slice %add3A_35 {offsets = [15, 0], sizes = [1, 2048], strides = [1, 1]} : vector<16x2048xi32> to vector<1x2048xi32>
    %eq3A_1061 = vector.broadcast %slice3A_1060 : vector<1x2048xi32> to vector<114x2048xi32>
    %eq3A_1062 = vector.broadcast %iota3A : vector<114x1xi32> to vector<114x2048xi32>
    %eq3A_1063 = arith.cmpi eq, %eq3A_1061, %eq3A_1062 : vector<114x2048xi32>
    %or3A_1064 = arith.ori %eq3A_1059, %eq3A_1063 : vector<114x2048xi1>
    %convert_element_type3A_1065 = arith.extui %or3A_1064 : vector<114x2048xi1> to vector<114x2048xi32>
    %convert_element_type3A_1066 = arith.sitofp %convert_element_type3A_1065 : vector<114x2048xi32> to vector<114x2048xf32>
    %convert_element_type3A_1067 = arith.truncf %convert_element_type3A_1066 : vector<114x2048xf32> to vector<114x2048xbf16>
    %dot_general3A_1068 = arith.constant dense<0.000000e+00> : vector<52x2048xf32>
    %dot_general3A_1069 = tpu.matmul %convert_element_type3A_64, %convert_element_type3A_1067, %dot_general3A_1068 {dimension_numbers = #tpu.dot_dimension_numbers<[1], [0], [0], [1], [0, 0, 1, 1], [], []>, transpose_lhs_hint = false} : vector<52x114xbf16>, vector<114x2048xbf16>, vector<52x2048xf32> -> vector<52x2048xf32>
    %dot_general3A_1070 = arith.constant dense<0.000000e+00> : vector<52x2048xf32>
    %dot_general3A_1071 = tpu.matmul %convert_element_type3A_66, %convert_element_type3A_1067, %dot_general3A_1070 {dimension_numbers = #tpu.dot_dimension_numbers<[1], [0], [0], [1], [0, 0, 1, 1], [], []>, transpose_lhs_hint = false} : vector<52x114xbf16>, vector<114x2048xbf16>, vector<52x2048xf32> -> vector<52x2048xf32>
    %add3A_1072 = arith.addf %dot_general3A_1069, %dot_general3A_1071 : vector<52x2048xf32>
    %slice3A_1073 = vector.extract_strided_slice %add3A_1072 {offsets = [0, 0], sizes = [20, 2048], strides = [1, 1]} : vector<52x2048xf32> to vector<20x2048xf32>
    %swap3A_1074 = arith.constant 0 : index
    %swap3A_1075 = arith.constant 30720 : index
    %swap3A_1076 = vector.load %arg8[%swap3A_1074, %swap3A_1075] : memref<20x32768xf32, #tpu.memory_space<vmem>>, vector<20x2048xf32>
    tpu.vector_store %arg8[%swap3A_1074, %swap3A_1075], %slice3A_1073 {strides = array<i32>} : memref<20x32768xf32, #tpu.memory_space<vmem>>, vector<20x2048xf32>,
    %slice3A_1077 = vector.extract_strided_slice %add3A_1072 {offsets = [20, 0], sizes = [32, 2048], strides = [1, 1]} : vector<52x2048xf32> to vector<32x2048xf32>
    %slice3A_1078 = vector.extract_strided_slice %slice3A_1077 {offsets = [0, 0], sizes = [32, 512], strides = [1, 1]} : vector<32x2048xf32> to vector<32x512xf32>
    %dot_general3A_1079 = arith.constant dense<0.000000e+00> : vector<32x512xf32>
    %dot_general3A_1080 = tpu.matmul %get3A_41, %select_n3A_1055, %dot_general3A_1079 {dimension_numbers = #tpu.dot_dimension_numbers<[1], [0], [0], [1], [0, 0, 1, 1], [], []>, transpose_lhs_hint = false} : vector<32x32xf32>, vector<32x512xf32>, vector<32x512xf32> -> vector<32x512xf32>
    %add3A_1081 = arith.addf %slice3A_1078, %dot_general3A_1080 : vector<32x512xf32>
    %add3A_1082 = vector.broadcast %add3A_48 : vector<32x1xf32> to vector<32x512xf32>
    %add3A_1083 = arith.addf %add3A_1081, %add3A_1082 : vector<32x512xf32>
    %slice3A_1084 = vector.extract_strided_slice %lt3A_9 {offsets = [15, 0], sizes = [1, 512], strides = [1, 1]} : vector<16x2048xi1> to vector<1x512xi1>
    %tanh3A_1085 = math.tanh %add3A_1083 : vector<32x512xf32>
    %broadcast_in_dim3A_1086 = vector.shape_cast %slice3A_1084 : vector<1x512xi1> to vector<1x512xi1>
    %broadcast_in_dim3A_1087 = vector.broadcast %broadcast_in_dim3A_1086 : vector<1x512xi1> to vector<32x512xi1>
    %select_n3A_1088 = arith.select %broadcast_in_dim3A_1087, %tanh3A_1085, %select_n3A_1055 : vector<32x512xi1>, vector<32x512xf32>
    %slice3A_1089 = vector.extract_strided_slice %slice3A_1077 {offsets = [0, 512], sizes = [32, 512], strides = [1, 1]} : vector<32x2048xf32> to vector<32x512xf32>
    %dot_general3A_1090 = arith.constant dense<0.000000e+00> : vector<32x512xf32>
    %dot_general3A_1091 = tpu.matmul %get3A_41, %select_n3A_1088, %dot_general3A_1090 {dimension_numbers = #tpu.dot_dimension_numbers<[1], [0], [0], [1], [0, 0, 1, 1], [], []>, transpose_lhs_hint = false} : vector<32x32xf32>, vector<32x512xf32>, vector<32x512xf32> -> vector<32x512xf32>
    %add3A_1092 = arith.addf %slice3A_1089, %dot_general3A_1091 : vector<32x512xf32>
    %add3A_1093 = vector.broadcast %add3A_48 : vector<32x1xf32> to vector<32x512xf32>
    %add3A_1094 = arith.addf %add3A_1092, %add3A_1093 : vector<32x512xf32>
    %slice3A_1095 = vector.extract_strided_slice %lt3A_9 {offsets = [15, 512], sizes = [1, 512], strides = [1, 1]} : vector<16x2048xi1> to vector<1x512xi1>
    %tanh3A_1096 = math.tanh %add3A_1094 : vector<32x512xf32>
    %broadcast_in_dim3A_1097 = vector.shape_cast %slice3A_1095 : vector<1x512xi1> to vector<1x512xi1>
    %broadcast_in_dim3A_1098 = vector.broadcast %broadcast_in_dim3A_1097 : vector<1x512xi1> to vector<32x512xi1>
    %select_n3A_1099 = arith.select %broadcast_in_dim3A_1098, %tanh3A_1096, %select_n3A_1088 : vector<32x512xi1>, vector<32x512xf32>
    %slice3A_1100 = vector.extract_strided_slice %slice3A_1077 {offsets = [0, 1024], sizes = [32, 512], strides = [1, 1]} : vector<32x2048xf32> to vector<32x512xf32>
    %dot_general3A_1101 = arith.constant dense<0.000000e+00> : vector<32x512xf32>
    %dot_general3A_1102 = tpu.matmul %get3A_41, %select_n3A_1099, %dot_general3A_1101 {dimension_numbers = #tpu.dot_dimension_numbers<[1], [0], [0], [1], [0, 0, 1, 1], [], []>, transpose_lhs_hint = false} : vector<32x32xf32>, vector<32x512xf32>, vector<32x512xf32> -> vector<32x512xf32>
    %add3A_1103 = arith.addf %slice3A_1100, %dot_general3A_1102 : vector<32x512xf32>
    %add3A_1104 = vector.broadcast %add3A_48 : vector<32x1xf32> to vector<32x512xf32>
    %add3A_1105 = arith.addf %add3A_1103, %add3A_1104 : vector<32x512xf32>
    %slice3A_1106 = vector.extract_strided_slice %lt3A_9 {offsets = [15, 1024], sizes = [1, 512], strides = [1, 1]} : vector<16x2048xi1> to vector<1x512xi1>
    %tanh3A_1107 = math.tanh %add3A_1105 : vector<32x512xf32>
    %broadcast_in_dim3A_1108 = vector.shape_cast %slice3A_1106 : vector<1x512xi1> to vector<1x512xi1>
    %broadcast_in_dim3A_1109 = vector.broadcast %broadcast_in_dim3A_1108 : vector<1x512xi1> to vector<32x512xi1>
    %select_n3A_1110 = arith.select %broadcast_in_dim3A_1109, %tanh3A_1107, %select_n3A_1099 : vector<32x512xi1>, vector<32x512xf32>
    %slice3A_1111 = vector.extract_strided_slice %slice3A_1077 {offsets = [0, 1536], sizes = [32, 512], strides = [1, 1]} : vector<32x2048xf32> to vector<32x512xf32>
    %dot_general3A_1112 = arith.constant dense<0.000000e+00> : vector<32x512xf32>
    %dot_general3A_1113 = tpu.matmul %get3A_41, %select_n3A_1110, %dot_general3A_1112 {dimension_numbers = #tpu.dot_dimension_numbers<[1], [0], [0], [1], [0, 0, 1, 1], [], []>, transpose_lhs_hint = false} : vector<32x32xf32>, vector<32x512xf32>, vector<32x512xf32> -> vector<32x512xf32>
    %add3A_1114 = arith.addf %slice3A_1111, %dot_general3A_1113 : vector<32x512xf32>
    %add3A_1115 = vector.broadcast %add3A_48 : vector<32x1xf32> to vector<32x512xf32>
    %add3A_1116 = arith.addf %add3A_1114, %add3A_1115 : vector<32x512xf32>
    %slice3A_1117 = vector.extract_strided_slice %lt3A_9 {offsets = [15, 1536], sizes = [1, 512], strides = [1, 1]} : vector<16x2048xi1> to vector<1x512xi1>
    %tanh3A_1118 = math.tanh %add3A_1116 : vector<32x512xf32>
    %broadcast_in_dim3A_1119 = vector.shape_cast %slice3A_1117 : vector<1x512xi1> to vector<1x512xi1>
    %broadcast_in_dim3A_1120 = vector.broadcast %broadcast_in_dim3A_1119 : vector<1x512xi1> to vector<32x512xi1>
    %select_n3A_1121 = arith.select %broadcast_in_dim3A_1120, %tanh3A_1118, %select_n3A_1110 : vector<32x512xi1>, vector<32x512xf32>
    %swap3A_1122 = arith.constant 0 : index
    %swap3A_1123 = arith.constant 0 : index
    %swap3A_1124 = vector.load %arg7[%swap3A_1122, %swap3A_1123] : memref<32x512xf32, #tpu.memory_space<vmem>>, vector<32x512xf32>
    tpu.vector_store %arg7[%swap3A_1122, %swap3A_1123], %select_n3A_1121 {strides = array<i32>} : memref<32x512xf32, #tpu.memory_space<vmem>>, vector<32x512xf32>,
    return
  }
}

</mosaic_0001>

<sc_bundles>
// kernel: kernel.6.cloned.1.call-start
scs
__scs_entry_jumppad:
0x0: {  	(pc) =	sbr.rel $0x88, $3  }
0x1: {  	(tag) =	ssettag $0x0;
	lr =	simm.s32 $0x1  }
0x2: {  	[smem:$0x3F99] =	sst lr;
	_ =	strace $0xD0000000  }
0x3: {  	_ = 	snop  }
0x4: {  	_ = 	snop  }
0x5: {  	_ = 	snop  }
0x6: {  	_ = 	snop  }
0x7: {  	_ = 	snop  }
__scs_overlays_trampoline_lowered:
0x8: {  	[smem:$0x3FA8] =	sst s0  }
0x9: {  	[smem:$0x3FA9] =	sst s1  }
0xa: {  	[smem:$0x3FAA] =	sst s2  }
0xb: {  	[smem:$0x3FAB] =	sst s3  }
0xc: {  	[smem:$0x3FAC] =	sst s4  }
0xd: {  	[smem:$0x3FAD] =	sst s5  }
0xe: {  	[smem:$0x3FAE] =	sst s6  }
0xf: {  	[smem:$0x3FAF] =	sst s7  }
0x10: {  	[smem:$0x3FB0] =	sst s8  }
0x11: {  	[smem:$0x3FB1] =	sst s9;
	s0 =	simm.s32 @!p0 $0x0  }
0x12: {  	s1 =	sld [smem:$0x3F97];
	s0 =	simm.s32 @p0 $0x1  }
0x13: {  	[smem:$0x3FB2] =	sst s0;
	s0 =	simm.s32 @!p1 $0x0  }
0x14: {  	s2 =	sld [smem:$0x3F96];
	s0 =	simm.s32 @p1 $0x1  }
0x15: {  	[smem:$0x3FB3] =	sst s0;
	s0 =	simm.s32 @!p2 $0x0  }
0x16: {  	s3 =	sld [smem:$0x3FDB];
	s0 =	simm.s32 @p2 $0x1  }
0x17: {  	s4 =	simm.s32 $0x1BF5;
	[smem:$0x3FB5] =	sst s0  }
0x18: {  	s0 =	sld [smem:$0x3F98];
	_ =	swait.ge [sflag:s4], $0x0  }
0x19: {  	s7 =	sld [smem:$0x3F99]  }
0x1a: {  	s8 =	sadd.s32 $0xFFFFE003, lr  }
0x1b: {  	s9 =	sadd.s32 $0xFFFFFEF7, lr;
	s5 =	simm.s32 $0xFFFFFFFF;
	p2 =	slt.u32 s8, $0xFFFFF086  }
0x1c: {  	p1 =	slt.u32 s9, $0xF7A;
	s5 =	simm.s32 @!p2 $0x0  }
0x1d: {  	s5 =	simm.s32 @p1 $0x1;
	p0 =	seq.s32 s7, s2  }
0x1e: {  	s7 =	smul.u32 @!p0 $0xF7A, s2;
	p2 =	seq.s32 @!p0 s5, $0x0  }
0x1f: {  	s9 =	smul.u32 $0xF7A, s1;
	s8 =	simm.s32 @!p0 $0x1BF5;
	p2 =	por !p2, p0  }
0x20: {  	[sflag:s8] =	ssyncset.s32 @!p0 $0xFFFFF086;
	s6 =	sadd.s32 @!p0 s3, s7;
	s7 =	simm.s32 @!p0 $0x108  }
0x21: {  	s3 =	sadd.s32 s3, s9;
	s6 =	sadd.s32 @!p0 $0x88, s6;
	s7 =	simm.s32 @p2 $0x1082  }
0x22: {  	[simem:s7], [sflag:s8] =	dma.local @!p0 [hbm:s6], $0xF7A  }
0x23: {  	s9 =	sor.u32 $0xD0000000, s2;
	s6 =	simm.s32 $0x108;
	_ =	swait.ge @!p0 [sflag:s8], $0x0  }
0x24: {  	s3 =	sadd.s32 $0x88, s3;
	s6 =	simm.s32 @!p1 $0x1082;
	[sflag:s4] =	ssyncset.s32 $0xFFFFF086  }
0x25: {  	[simem:s6], [sflag:s4] =	dma.local [hbm:s3], $0xF7A  }
0x26: {  	[smem:$0x3F99] =	sst s1;
	(tag) =	ssettag s2;
	_ =	strace s9  }
0x27: {  	s1 =	sld [smem:$0x3FA9]  }
0x28: {  	s2 =	sld [smem:$0x3FAA]  }
0x29: {  	s4 =	sld [smem:$0x3FAC]  }
0x2a: {  	p0 =	seq.s32 s5, $0x0;
	s5 =	sld [smem:$0x3FAD]  }
0x2b: {  	s6 =	sld [smem:$0x3FAE]  }
0x2c: {  	s7 =	sld [smem:$0x3FAF]  }
0x2d: {  	s3 =	simm.s32 $0x108;
	s8 =	sld [smem:$0x3FB0]  }
0x2e: {  	s3 =	simm.s32 @!p0 $0x1082;
	s9 =	sld [smem:$0x3FB1]  }
0x2f: {  	lr =	sadd.s32 s0, s3;
	s0 =	sld [smem:$0x3FA8]  }
0x30: {  	s3 =	sld [smem:$0x3FAB]  }
0x31: {  	[smem:$0x3FB4] =	sst s10  }
0x32: {  	s10 =	sld [smem:$0x3FB2];
	_ =	sdelay $0x3  }
0x33: {  	p0 =	seq.s32 s10, $0x1;
	s10 =	sld [smem:$0x3FB4];
	_ =	sdelay $0x3  }
0x34: {  	[smem:$0x3FB4] =	sst s10  }
0x35: {  	s10 =	sld [smem:$0x3FB3];
	_ =	sdelay $0x3  }
0x36: {  	p1 =	seq.s32 s10, $0x1;
	s10 =	sld [smem:$0x3FB4];
	_ =	sdelay $0x3  }
0x37: {  	[smem:$0x3FB4] =	sst s10  }
0x38: {  	s10 =	sld [smem:$0x3FB5]  }
0x39: {  	_ = 	snop;
	(pc) =	sbr.ind lr, $3  }
0x3a: {  	_ = 	snop  }
0x3b: {  	_ = 	snop  }
0x3c: {  	p2 =	seq.s32 s10, $0x1;
	s10 =	sld [smem:$0x3FB4]  }
0x3d: {  	_ =	shalt  }
0x3e: {  	_ =	shalt  }
0x3f: {  	_ =	shalt  }
0x40: {  	_ =	shalt  }
0x41: {  	_ =	shalt  }
0x42: {  	_ =	shalt  }
0x43: {  	_ =	shalt  }
0x44: {  	_ =	shalt  }
0x45: {  	_ =	shalt  }
0x46: {  	_ =	shalt  }
0x47: {  	_ =	shalt  }
0x48: {  	_ =	shalt  }
0x49: {  	_ =	shalt  }
0x4a: {  	_ =	shalt  }
0x4b: {  	_ =	shalt  }
0x4c: {  	_ =	shalt  }
0x4d: {  	_ =	shalt  }
0x4e: {  	_ =	shalt  }
0x4f: {  	_ =	shalt  }
0x50: {  	_ =	shalt  }
0x51: {  	_ =	shalt  }
0x52: {  	_ =	shalt  }
0x53: {  	_ =	shalt  }
0x54: {  	_ =	shalt  }
0x55: {  	_ =	shalt  }
0x56: {  	_ =	shalt  }
0x57: {  	_ =	shalt  }
0x58: {  	_ =	shalt  }
0x59: {  	_ =	shalt  }
0x5a: {  	_ =	shalt  }
0x5b: {  	_ =	shalt  }
0x5c: {  	_ =	shalt  }
0x5d: {  	_ =	shalt  }
0x5e: {  	_ =	shalt  }
0x5f: {  	_ =	shalt  }
0x60: {  	_ =	shalt  }
0x61: {  	_ =	shalt  }
0x62: {  	_ =	shalt  }
0x63: {  	_ =	shalt  }
0x64: {  	_ =	shalt  }
0x65: {  	_ =	shalt  }
0x66: {  	_ =	shalt  }
0x67: {  	_ =	shalt  }
0x68: {  	_ =	shalt  }
0x69: {  	_ =	shalt  }
0x6a: {  	_ =	shalt  }
0x6b: {  	_ =	shalt  }
0x6c: {  	_ =	shalt  }
0x6d: {  	_ =	shalt  }
0x6e: {  	_ =	shalt  }
0x6f: {  	_ =	shalt  }
0x70: {  	_ =	shalt  }
0x71: {  	_ =	shalt  }
0x72: {  	_ =	shalt  }
0x73: {  	_ =	shalt  }
0x74: {  	_ =	shalt  }
0x75: {  	_ =	shalt  }
0x76: {  	_ =	shalt  }
0x77: {  	_ =	shalt  }
0x78: {  	_ =	shalt  }
0x79: {  	_ =	shalt  }
0x7a: {  	_ =	shalt  }
0x7b: {  	_ =	shalt  }
0x7c: {  	_ =	shalt  }
0x7d: {  	_ =	shalt  }
0x7e: {  	_ =	shalt  }
0x7f: {  	_ =	shalt  }
0x80: {  	_ =	shalt  }
0x81: {  	_ =	shalt  }
0x82: {  	_ =	shalt  }
0x83: {  	_ =	shalt  }
0x84: {  	_ =	shalt  }
0x85: {  	_ =	shalt  }
0x86: {  	_ =	shalt  }
0x87: {  	_ =	shalt  }
.Lfunc_end0:
.L_simem_size_0:
called_computation_lowered:
.L_overlay_start_0:
0x88: {  	s2 =	sld [smem:$0x3FD9]  }
0x89: {  	s3 =	sld [smem:$0x3FFE];
	_ =	sdelay $0x1  }
0x8a: {  	s1 =	srdreg.scid  }
0x8b: {  	s0 =	sand.u32 $0x1, s1  }
0x8c: {  	s14 =	sshll.u32 s0, $0xA;
	s2 =	sadd.s32 s3, s2  }
0x8d: {  	s2 =	sadd.s32 s2, s14  }
0x8e: {  	[smem:$0x3FC0] =	sst s2  }
0x8f: {  	_ = 	snop  }
0x90: {  	s2 =	sld [smem:$0x3FD0];
	_ =	sdelay $0x2  }
0x91: {  	s15 =	simm.s32 $0xB;
	s4 =	simm.s32 $0x10  }
0x92: {  	[smem:s4], [sflag:s15] =	dma.local [hbm:s2], $0x1  }
0x93: {  	_ =	swait.eq [sflag:s15], $0x1  }
0x94: {  	[sflag:s15] =	ssyncset.done $0x0  }
0x95: {  	[sflag:s15] =	ssyncadd.s32 $0xFFFFFFFF  }
0x96: {  	s16 =	sld [smem:$0x12];
	(tm) =	ssettm $0x1  }
0x97: {  	s17 =	sld [smem:$0x3FFB];
	_ =	sdelay $0x3  }
0x98: {  	_ =	strace s17  }
0x99: {  	s3 =	sld [smem:$0x3FFC];
	_ =	sdelay $0x3  }
0x9a: {  	_ =	strace s3  }
0x9b: {  	s3 =	sld [smem:$0x3FFD];
	_ =	sdelay $0x3  }
0x9c: {  	_ =	strace s3  }
0x9d: {  	_ =	strace $0x8FFFFFFF  }
0x9e: {  	s18 =	sld [smem:$0x3FDB];
	_ =	sdelay $0x1  }
0x9f: {  	s19 =	simm.s32 $_scs_section_size  }
0xa0: {  	s5 =	simm.s32 $_size__tile_overlayer_lowered;
	s6 =	simm.s32 $_tile_overlayer_lowered  }
0xa1: {  	s22 =	simm.s32 $0x1BFF;
	s21 =	sshll.u32 s6, $0x1;
	s3 =	sadd.s32 s19, s18  }
0xa2: {  	s7 =	simm.s32 $0x0;
	s20 =	sshll.u32 s5, $0x1;
	s5 =	sadd.s32 s21, s3  }
0xa3: {  	[timem:s7], [sflag:s22] =	dma.local [hbm:s5], s20  }
0xa4: {  	_ =	swait.ge [sflag:s22], s20  }
0xa5: {  	s4 =	ssub.s32 $0x0, s20;
	[sflag:s22] =	ssyncset.done $0x0  }
0xa6: {  	[sflag:s22] =	ssyncadd.s32 s4;
	_ =	sdelay $0x1  }
0xa7: {  	s23 =	simm.s32 $0x1B8B  }
0xa8: {  	_ =	swait.ge [sflag:s23], $0x1  }
0xa9: {  	[sflag:s23] =	ssyncset.done $0x0  }
0xaa: {  	s25 =	simm.s32 $0x1B8E;
	s24 =	sld [smem:$0x3FFE];
	[sflag:s23] =	ssyncadd.s32 $0xFFFFFFFF  }
0xab: {  	s26 =	simm.s32 $execute0_lowered;
	[smem:$0x3FD2] =	sst s25  }
0xac: {  	s5 =	sshll.u32 s26, $0x1;
	_ =	strace $0x80000046;
	[dreg:$0x1] =	wrdreg $0xFFFFFFFF  }
0xad: {  	s28 =	simm.s32 $_size_execute0_lowered;
	s3 =	sadd.s32 s3, s5;
	[dreg:$0x0] =	wrdreg $0x0  }
0xae: {  	s5 =	sshll.u32 s28, $0x1;
	[dreg:$0x2] =	wrdreg s3  }
0xaf: {  	[dreg:$0x3] =	wrdreg s5  }
0xb0: {  	[dreg:$0x4] =	wrdreg $0xC0  }
0xb1: {  	_ =	task [dreg:s7], $0x5FFFF  }
0xb2: {  	[dreg:$0x1] =	wrdreg $0xFFFFFFFF  }
0xb3: {  	[dreg:$0x0] =	wrdreg $0x60  }
0xb4: {  	[dreg:$0x2] =	wrdreg s24  }
0xb5: {  	[dreg:$0x3] =	wrdreg s16  }
0xb6: {  	[dreg:$0x4] =	wrdreg $0x9  }
0xb7: {  	_ =	task.clear_ibuf [dreg:s7], $0x5FFFF;
	_ =	strace $0x90000046  }
0xb8: {  	s29 =	simm.s32 $0x9;
	_ =	strace $0x80000048  }
0xb9: {  	_ =	swait.ge [sflag:s29], $0x1  }
0xba: {  	[sflag:s29] =	ssyncadd.s32 $0xFFFFFFFF  }
0xbb: {  	_ =	strace $0x90000048  }
0xbc: {  	_ =	sfence  }
0xbd: {  	s30 =	sld [smem:$0x0];
	_ =	sdelay $0x2  }
0xbe: {  	s31 =	sshll.u32 s1, $0xD;
	s1 =	sshrl.u32 s1, $0x2  }
0xbf: {  	s3 =	sand.u32 $0x4000, s31;
	s1 =	sadd.s32 s1, s30  }
0xc0: {  	s0 =	sor.u32 s3, s0;
	s1 =	sshll.u32 s1, $0x11  }
0xc1: {  	s0 =	sor.u32 s1, s0  }
0xc2: {  	s0 =	sadd.s32 $0x8F2B, s0  }
0xc3: {  	[sflag:s0] =	ssyncadd.remote.s32 $0x1  }
0xc4: {  	_ =	sfence.sel $0xFFFF  }
0xc5: {  	[dreg:$0x0] =	wrdreg $0xFFFFFFFF;
	(pc) =	sbr.abs _section_cstart, $3  }
0xc6: {  	[dreg:$0x1] =	wrdreg $0xFFFFFFFF  }
0xc7: {  	_ =	task.clear_ibuf [dreg:s7], $0x2FFFF;
	_ =	strace $0x9FFFFFFF  }
0xc8: {  	(tm) =	ssettm $0x7FFFFFFF  }
0xc9: {  	_ =	shalt  }
tec
execute0_lowered:
.L_overlay_start_1:
0x0: {  	(tag) =	ssettag $0x1  }
0x1: {  	s3 =	rddreg [dreg:$0x0]  }
0x2: {  	s1 =	rddreg [dreg:$0x1]  }
0x3: {  	s0 =	rddreg [dreg:$0x2]  }
0x4: {  	s2 =	simm.s32 $0x0;
	s4 =	srdreg.scid;
	s8 =	simm.s32 $0x3400  }
0x5: {  	s9 =	simm.s32 $0x3A80;
	s10 =	simm.s32 $0x0;
	s5 =	sand.u32 $0x1, s4  }
0x6: {  	[smem:$0x7FF] =	sst s2;
	s4 =	sadd.s32 $0x1C00, s3;
	s6 =	ssub.s32 $0x2, s5  }
0x7: {  	s3 =	stileid.u32;
	_ =	strace $0x80000047;
	s7 =	sshrl.u32 s6, $0x1  }
0x8: {  	s31 =	sshll.u32 s3, $0x5;
	s5 =	sshll.u32 s5, $0x4;
	s6 =	ssub.s32 s6, s7  }
0x9: {  	v0 =	vimm.s32 $0x0;
	v1 =	vimm.s32 $0x7FF;
	v2 =	vlaneseq.u32;
	s5 =	sor.u32 s5, s31;
	s7 =	simm.s32 $0x1;
	s6 =	smax.u32 s6, $0x1  }
.LBB2_1:
0xa: {  	s11 =	simm.s32 $0x0  }
.LBB2_2:
0xb: {  	p0 =	sne.s32 s11, $0x19C0  }
.Ltmp0:
0xc: {  	_ = 	snop;
	(pc) =	sbr.rel @p0 .LBB2_2-.Ltmp0, $3  }
0xd: {  	_ =	sdelay $0x1  }
0xe: {  	s12 =	sshra.s32 s11, $0x2  }
0xf: {  	s11 =	sadd.s32 $0x40, s11;
	[tilespmem:s12+$0x3400] =	vst v0  }
0x10: {  	s11 =	simm.s32 $0x0;
	p1 =	por $0x1, $0x1;
	s12 =	simm.s32 $0x0  }
.LBB2_4:
0x11: {  	s12 =	sor.u32 s5, s12  }
0x12: {  	s13 =	smul.u32 $0xD0, s12;
	_ =	sdelay $0x1  }
0x13: {  	s13 =	sadd.s32 s4, s13  }
0x14: {  	[tilespmem:s11], [sflag:$0x1] =	stream.linear.gather [hbm4b:s13+s11], $0x3400, $0x38;
	[tilespmem:$0x3AD0] =	vst v63  }
0x15: {  	_ =	swait.ge [sflag:s7], $0x3400  }
0x16: {  	p0 =	por p1, p1;
	[sflag:s7] =	ssyncset.done $0x0  }
0x17: {  	s14 =	simm.s32 $0x0;
	s13 =	simm.s32 $0x20;
	[sflag:s7] =	ssyncadd.s32 $0xFFFFCC00  }
.LBB2_5:
0x18: {  	v4 =	vmov s13  }
0x19: {  	s15 =	sor.u32 s12, s14;
	s16 =	smul.u32 $0x1A00, s14  }
0x1a: {  	s17 =	sadd.s32 $0x1, s15  }
0x1b: {  	v3 =	vmov s17;
	s17 =	sshra.s32 s16, $0x2;
	s16 =	simm.s32 $0x0  }
.LBB2_6:
0x1c: {  	s18 =	sshra.s32 s16, $0x2  }
0x1d: {  	v5 =	vld.idx.msk [tilespmem:v4+s18+$0xFFFFFFE0 ss:$0x1], $0xffff;
	_ =	sdelay $0x7  }
0x1e: {  	[tilespmem:v5+s8+$0x0] =	vst.idx.msk $0xffff, v3  }
0x1f: {  	v5 =	vld.idx.msk [tilespmem:v4+s18+$0xFFFFFFF0 ss:$0x1], $0xffff;
	_ =	sdelay $0x7  }
0x20: {  	[tilespmem:v5+s8+$0x0] =	vst.idx.msk $0xffff, v3  }
0x21: {  	v5 =	vld.idx.msk [tilespmem:v4+s18+$0x0 ss:$0x1], $0xffff;
	_ =	sdelay $0x7  }
0x22: {  	[tilespmem:v5+s8+$0x0] =	vst.idx.msk $0xffff, v3  }
0x23: {  	v5 =	vld.idx.msk [tilespmem:v4+s18+$0x10 ss:$0x1], $0xffff;
	_ =	sdelay $0x2  }
0x24: {  	p1 =	sne.s32 s16, $0x1800  }
.Ltmp1:
0x25: {  	_ = 	snop;
	(pc) =	sbr.rel @p1 .LBB2_6-.Ltmp1, $2  }
0x26: {  	_ =	sdelay $0x2  }
0x27: {  	s16 =	sadd.s32 $0x100, s16;
	[tilespmem:v5+s8+$0x0] =	vst.idx.msk $0xffff, v3  }
0x28: {  	v4 =	vld [tilespmem:s17+$0x640];
	_ =	sdelay $0x6  }
0x29: {  	s16 =	simm.s32 $0x3400  }
0x2a: {  	[tilespmem:v4+s16+$0x0] =	vst.idx.msk $0xffff, v3  }
0x2b: {  	v4 =	vld [tilespmem:s17+$0x650];
	_ =	sdelay $0x7  }
0x2c: {  	[tilespmem:v4+s16+$0x0] =	vst.idx.msk $0xffff, v3  }
0x2d: {  	v4 =	vld [tilespmem:s17+$0x660];
	_ =	sdelay $0x7  }
0x2e: {  	[tilespmem:v4+s16+$0x0] =	vst.idx.msk $0xffff, v3  }
0x2f: {  	v4 =	vld [tilespmem:s17+$0x66B];
	_ =	sdelay $0x7  }
0x30: {  	[tilespmem:v4+s16+$0x0] =	vst.idx.msk $0xffff, v3  }
0x31: {  	[tilespmem:$0x3A80] =	vst v1  }
0x32: {  	[tilespmem:$0x3A90] =	vst v1  }
0x33: {  	[tilespmem:$0x3AA0] =	vst v1  }
0x34: {  	[tilespmem:$0x3AB0] =	vst v1  }
0x35: {  	s19 =	simm.s32 $0x0;
	s18 =	simm.s32 $0x0;
	s17 =	simm.s32 $0x0;
	[tilespmem:$0x3AC0] =	vst v1  }
.LBB2_8:
0x36: {  	v4 =	vld [tilespmem:s16+$0x0];
	_ =	sdelay $0x4  }
0x37: {  	vm0 =	veq.s32 v4, v3  }
0x38: {  	v4 =	vsel vm0, $0x1, v0  }
0x39: {  	(xrf0) =	vadd.scan.msk.s32 $0xffff, v4;
	_ =	sdelay $0x5  }
0x3a: {  	v4, _, _ =	vpop (xrf0)  }
0x3b: {  	(v2sf) =	vpush v4, $0xF;
	_ =	sdelay $0xd  }
0x3c: {  	v5 =	vmov s18  }
0x3d: {  	v5 =	vadd.s32 $0xFFFFFFFF, v5;
	s20 =	spop (v2sf)  }
0x3e: {  	p1 =	sgt.u32 s19, $0x5E;
	v5 =	vbroadcast v5, $0x0;
	s18 =	sadd.s32 s18, s20  }
0x3f: {  	p2 =	slt.s32 @!p1 s18, $0x40  }
0x40: {  	v4 =	vadd.s32 v4, v5;
	p1 =	por p1, !p2  }
.Ltmp2:
0x41: {  	_ = 	snop;
	(pc) =	sbr.rel @!p1 .LBB2_8-.Ltmp2, $3  }
0x42: {  	_ =	sdelay $0x1  }
0x43: {  	v5 =	vor.u32 s17, v2  }
0x44: {  	s19 =	sadd.s32 $0x1, s19;
	s16 =	sadd.s32 $0x10, s16;
	s17 =	sadd.s32 $0x10, s17;
	[tilespmem:v4+s9+$0x0] =	vst.idx.msk vm0, v5  }
0x45: {  	s14 =	sadd.s32 $0x1, s14  }
0x46: {  	s15 =	sshll.u32 s15, $0x3;
	p1 =	sne.s32 s14, $0x8  }
.Ltmp3:
0x47: {  	s15 =	sadd.s32 s1, s15;
	(pc) =	sbr.rel @p1 .LBB2_5-.Ltmp3, $4  }
0x48: {  	[hbm4b:s15+s2] =	stream.linear.scatter [tilespmem:s9], [sflag:$0x1], $0x40, $0x38;
	[tilespmem:$0x3AD0] =	vst v63  }
0x49: {  	_ =	swait.ge [sflag:s7], $0x40  }
0x4a: {  	[sflag:s7] =	ssyncset.done $0x0  }
0x4b: {  	s13 =	sadd.s32 $0x680, s13;
	[sflag:s7] =	ssyncadd.s32 $0xFFFFFFC0  }
.Ltmp4:
0x4c: {  	(pc) =	sbr.rel @p0 .LBB2_4-.Ltmp4, $2  }
0x4d: {  	_ =	sdelay $0x2  }
0x4e: {  	s12 =	simm.s32 $0x8;
	p1 =	por $0x0, $0x0  }
0x4f: {  	s10 =	sadd.s32 $0x1, s10  }
0x50: {  	p0 =	sne.s32 s10, s6  }
.Ltmp5:
0x51: {  	_ = 	snop;
	(pc) =	sbr.rel @p0 .LBB2_1-.Ltmp5, $1  }
0x52: {  	_ =	sdelay $0x3  }
0x53: {  	_ =	sfence.sel $0x180000  }
0x54: {  	[bflag:$0x0] =	sbarrier.arrive $0xFFFF  }
0x55: {  	p0 =	sne.s32 s3, $0x0;
	_ =	strace $0x90000047  }
0x56: {  	s0 =	sadd.s32 @!p0 $0x100000, s0;
	[bflag:$0x2] =	sbarrier.arrive $0xFFFF  }
0x57: {  	[sflag:s0] =	ssyncadd.tile.s32 @!p0 $0x1;
	_ =	shalt  }
.Lfunc_end2:
_tile_overlayer_lowered:
.L_overlay_start_2:
0x58: {  	(tag) =	ssettag $0x2  }
0x59: {  	s0 =	rddreg [dreg:$0x0];
	s2 =	stileid.u32  }
0x5a: {  	s1 =	rddreg [dreg:$0x1];
	p0 =	sne.s32 s2, $0x0  }
0x5b: {  	s3 =	rddreg [dreg:$0x2];
	[bflag:$0x3] =	sbarrier.arrive $0xFFFF;
	s2 =	simm.s32 @!p0 $0x1C01  }
0x5c: {  	[timem:s3], [sflag:s2] =	dma.local @!p0 [hbm:s0], s1  }
0x5d: {  	s0 =	simm.s32 @!p0 $0x1  }
0x5e: {  	_ =	swait.ge @!p0 [sflag:s0], s1  }
0x5f: {  	s1 =	ssub.s32 @!p0 $0x0, s1;
	[sflag:s0] =	ssyncset.done @!p0 $0x0  }
0x60: {  	[sflag:s0] =	ssyncadd.s32 @!p0 s1  }
0x61: {  	[bflag:$0x3] =	sbarrier.arrive $0xFFFF  }
0x62: {  	_ =	shalt  }

// kernel: kernel.9.cloned.1.call-start
scs
__scs_entry_jumppad:
0x0: {  	(pc) =	sbr.rel $0x88, $3  }
0x1: {  	(tag) =	ssettag $0x0;
	lr =	simm.s32 $0x1  }
0x2: {  	[smem:$0x3F99] =	sst lr;
	_ =	strace $0xD0000000  }
0x3: {  	_ = 	snop  }
0x4: {  	_ = 	snop  }
0x5: {  	_ = 	snop  }
0x6: {  	_ = 	snop  }
0x7: {  	_ = 	snop  }
__scs_overlays_trampoline_lowered:
0x8: {  	[smem:$0x3FA8] =	sst s0  }
0x9: {  	[smem:$0x3FA9] =	sst s1  }
0xa: {  	[smem:$0x3FAA] =	sst s2  }
0xb: {  	[smem:$0x3FAB] =	sst s3  }
0xc: {  	[smem:$0x3FAC] =	sst s4  }
0xd: {  	[smem:$0x3FAD] =	sst s5  }
0xe: {  	[smem:$0x3FAE] =	sst s6  }
0xf: {  	[smem:$0x3FAF] =	sst s7  }
0x10: {  	[smem:$0x3FB0] =	sst s8  }
0x11: {  	[smem:$0x3FB1] =	sst s9;
	s0 =	simm.s32 @!p0 $0x0  }
0x12: {  	s1 =	sld [smem:$0x3F97];
	s0 =	simm.s32 @p0 $0x1  }
0x13: {  	[smem:$0x3FB2] =	sst s0;
	s0 =	simm.s32 @!p1 $0x0  }
0x14: {  	s2 =	sld [smem:$0x3F96];
	s0 =	simm.s32 @p1 $0x1  }
0x15: {  	[smem:$0x3FB3] =	sst s0;
	s0 =	simm.s32 @!p2 $0x0  }
0x16: {  	s3 =	sld [smem:$0x3FDB];
	s0 =	simm.s32 @p2 $0x1  }
0x17: {  	s4 =	simm.s32 $0x1BF5;
	[smem:$0x3FB5] =	sst s0  }
0x18: {  	s0 =	sld [smem:$0x3F98];
	_ =	swait.ge [sflag:s4], $0x0  }
0x19: {  	s7 =	sld [smem:$0x3F99]  }
0x1a: {  	s8 =	sadd.s32 $0xFFFFE003, lr  }
0x1b: {  	s9 =	sadd.s32 $0xFFFFFEF7, lr;
	s5 =	simm.s32 $0xFFFFFFFF;
	p2 =	slt.u32 s8, $0xFFFFF086  }
0x1c: {  	p1 =	slt.u32 s9, $0xF7A;
	s5 =	simm.s32 @!p2 $0x0  }
0x1d: {  	s5 =	simm.s32 @p1 $0x1;
	p0 =	seq.s32 s7, s2  }
0x1e: {  	s7 =	smul.u32 @!p0 $0xF7A, s2;
	p2 =	seq.s32 @!p0 s5, $0x0  }
0x1f: {  	s9 =	smul.u32 $0xF7A, s1;
	s8 =	simm.s32 @!p0 $0x1BF5;
	p2 =	por !p2, p0  }
0x20: {  	[sflag:s8] =	ssyncset.s32 @!p0 $0xFFFFF086;
	s6 =	sadd.s32 @!p0 s3, s7;
	s7 =	simm.s32 @!p0 $0x108  }
0x21: {  	s3 =	sadd.s32 s3, s9;
	s6 =	sadd.s32 @!p0 $0x88, s6;
	s7 =	simm.s32 @p2 $0x1082  }
0x22: {  	[simem:s7], [sflag:s8] =	dma.local @!p0 [hbm:s6], $0xF7A  }
0x23: {  	s9 =	sor.u32 $0xD0000000, s2;
	s6 =	simm.s32 $0x108;
	_ =	swait.ge @!p0 [sflag:s8], $0x0  }
0x24: {  	s3 =	sadd.s32 $0x88, s3;
	s6 =	simm.s32 @!p1 $0x1082;
	[sflag:s4] =	ssyncset.s32 $0xFFFFF086  }
0x25: {  	[simem:s6], [sflag:s4] =	dma.local [hbm:s3], $0xF7A  }
0x26: {  	[smem:$0x3F99] =	sst s1;
	(tag) =	ssettag s2;
	_ =	strace s9  }
0x27: {  	s1 =	sld [smem:$0x3FA9]  }
0x28: {  	s2 =	sld [smem:$0x3FAA]  }
0x29: {  	s4 =	sld [smem:$0x3FAC]  }
0x2a: {  	p0 =	seq.s32 s5, $0x0;
	s5 =	sld [smem:$0x3FAD]  }
0x2b: {  	s6 =	sld [smem:$0x3FAE]  }
0x2c: {  	s7 =	sld [smem:$0x3FAF]  }
0x2d: {  	s3 =	simm.s32 $0x108;
	s8 =	sld [smem:$0x3FB0]  }
0x2e: {  	s3 =	simm.s32 @!p0 $0x1082;
	s9 =	sld [smem:$0x3FB1]  }
0x2f: {  	lr =	sadd.s32 s0, s3;
	s0 =	sld [smem:$0x3FA8]  }
0x30: {  	s3 =	sld [smem:$0x3FAB]  }
0x31: {  	[smem:$0x3FB4] =	sst s10  }
0x32: {  	s10 =	sld [smem:$0x3FB2];
	_ =	sdelay $0x3  }
0x33: {  	p0 =	seq.s32 s10, $0x1;
	s10 =	sld [smem:$0x3FB4];
	_ =	sdelay $0x3  }
0x34: {  	[smem:$0x3FB4] =	sst s10  }
0x35: {  	s10 =	sld [smem:$0x3FB3];
	_ =	sdelay $0x3  }
0x36: {  	p1 =	seq.s32 s10, $0x1;
	s10 =	sld [smem:$0x3FB4];
	_ =	sdelay $0x3  }
0x37: {  	[smem:$0x3FB4] =	sst s10  }
0x38: {  	s10 =	sld [smem:$0x3FB5]  }
0x39: {  	_ = 	snop;
	(pc) =	sbr.ind lr, $3  }
0x3a: {  	_ = 	snop  }
0x3b: {  	_ = 	snop  }
0x3c: {  	p2 =	seq.s32 s10, $0x1;
	s10 =	sld [smem:$0x3FB4]  }
0x3d: {  	_ =	shalt  }
0x3e: {  	_ =	shalt  }
0x3f: {  	_ =	shalt  }
0x40: {  	_ =	shalt  }
0x41: {  	_ =	shalt  }
0x42: {  	_ =	shalt  }
0x43: {  	_ =	shalt  }
0x44: {  	_ =	shalt  }
0x45: {  	_ =	shalt  }
0x46: {  	_ =	shalt  }
0x47: {  	_ =	shalt  }
0x48: {  	_ =	shalt  }
0x49: {  	_ =	shalt  }
0x4a: {  	_ =	shalt  }
0x4b: {  	_ =	shalt  }
0x4c: {  	_ =	shalt  }
0x4d: {  	_ =	shalt  }
0x4e: {  	_ =	shalt  }
0x4f: {  	_ =	shalt  }
0x50: {  	_ =	shalt  }
0x51: {  	_ =	shalt  }
0x52: {  	_ =	shalt  }
0x53: {  	_ =	shalt  }
0x54: {  	_ =	shalt  }
0x55: {  	_ =	shalt  }
0x56: {  	_ =	shalt  }
0x57: {  	_ =	shalt  }
0x58: {  	_ =	shalt  }
0x59: {  	_ =	shalt  }
0x5a: {  	_ =	shalt  }
0x5b: {  	_ =	shalt  }
0x5c: {  	_ =	shalt  }
0x5d: {  	_ =	shalt  }
0x5e: {  	_ =	shalt  }
0x5f: {  	_ =	shalt  }
0x60: {  	_ =	shalt  }
0x61: {  	_ =	shalt  }
0x62: {  	_ =	shalt  }
0x63: {  	_ =	shalt  }
0x64: {  	_ =	shalt  }
0x65: {  	_ =	shalt  }
0x66: {  	_ =	shalt  }
0x67: {  	_ =	shalt  }
0x68: {  	_ =	shalt  }
0x69: {  	_ =	shalt  }
0x6a: {  	_ =	shalt  }
0x6b: {  	_ =	shalt  }
0x6c: {  	_ =	shalt  }
0x6d: {  	_ =	shalt  }
0x6e: {  	_ =	shalt  }
0x6f: {  	_ =	shalt  }
0x70: {  	_ =	shalt  }
0x71: {  	_ =	shalt  }
0x72: {  	_ =	shalt  }
0x73: {  	_ =	shalt  }
0x74: {  	_ =	shalt  }
0x75: {  	_ =	shalt  }
0x76: {  	_ =	shalt  }
0x77: {  	_ =	shalt  }
0x78: {  	_ =	shalt  }
0x79: {  	_ =	shalt  }
0x7a: {  	_ =	shalt  }
0x7b: {  	_ =	shalt  }
0x7c: {  	_ =	shalt  }
0x7d: {  	_ =	shalt  }
0x7e: {  	_ =	shalt  }
0x7f: {  	_ =	shalt  }
0x80: {  	_ =	shalt  }
0x81: {  	_ =	shalt  }
0x82: {  	_ =	shalt  }
0x83: {  	_ =	shalt  }
0x84: {  	_ =	shalt  }
0x85: {  	_ =	shalt  }
0x86: {  	_ =	shalt  }
0x87: {  	_ =	shalt  }
.Lfunc_end0:
.L_simem_size_0:
called_computation.1_lowered:
.L_overlay_start_0:
0x88: {  	s2 =	sld [smem:$0x3FD9]  }
0x89: {  	s3 =	sld [smem:$0x3FFE];
	_ =	sdelay $0x1  }
0x8a: {  	s1 =	srdreg.scid  }
0x8b: {  	s0 =	sand.u32 $0x1, s1  }
0x8c: {  	s15 =	sshll.u32 s0, $0xA;
	s2 =	sadd.s32 s3, s2  }
0x8d: {  	s2 =	sadd.s32 s2, s15  }
0x8e: {  	[smem:$0x3FC0] =	sst s2  }
0x8f: {  	_ = 	snop  }
0x90: {  	s2 =	sld [smem:$0x3FD0];
	_ =	sdelay $0x2  }
0x91: {  	s16 =	simm.s32 $0xB;
	s4 =	simm.s32 $0x10  }
0x92: {  	[smem:s4], [sflag:s16] =	dma.local [hbm:s2], $0x1  }
0x93: {  	_ =	swait.eq [sflag:s16], $0x1  }
0x94: {  	[sflag:s16] =	ssyncset.done $0x0  }
0x95: {  	[sflag:s16] =	ssyncadd.s32 $0xFFFFFFFF  }
0x96: {  	s17 =	sld [smem:$0x10];
	(tm) =	ssettm $0x1  }
0x97: {  	s18 =	sld [smem:$0x3FFB];
	_ =	sdelay $0x3  }
0x98: {  	_ =	strace s18  }
0x99: {  	s2 =	sld [smem:$0x3FFC];
	_ =	sdelay $0x3  }
0x9a: {  	_ =	strace s2  }
0x9b: {  	s2 =	sld [smem:$0x3FFD];
	_ =	sdelay $0x3  }
0x9c: {  	_ =	strace s2  }
0x9d: {  	_ =	strace $0x8FFFFFFF  }
0x9e: {  	s19 =	sld [smem:$0x3FDB];
	_ =	sdelay $0x1  }
0x9f: {  	s20 =	simm.s32 $_scs_section_size  }
0xa0: {  	s5 =	simm.s32 $_size__tile_overlayer_lowered;
	s6 =	simm.s32 $_tile_overlayer_lowered  }
0xa1: {  	s7 =	simm.s32 $0x1BFF;
	s21 =	sshll.u32 s6, $0x1;
	s4 =	sadd.s32 s20, s19  }
0xa2: {  	s22 =	simm.s32 $0x0;
	s5 =	sshll.u32 s5, $0x1;
	s6 =	sadd.s32 s21, s4  }
0xa3: {  	[timem:s22], [sflag:s7] =	dma.local [hbm:s6], s5  }
0xa4: {  	_ =	swait.ge [sflag:s7], s5  }
0xa5: {  	s5 =	ssub.s32 $0x0, s5;
	[sflag:s7] =	ssyncset.done $0x0  }
0xa6: {  	[sflag:s7] =	ssyncadd.s32 s5;
	_ =	sdelay $0x1  }
0xa7: {  	s23 =	simm.s32 $0x1B8B  }
0xa8: {  	_ =	swait.ge [sflag:s23], $0x1  }
0xa9: {  	[sflag:s23] =	ssyncset.done $0x0  }
0xaa: {  	[sflag:s23] =	ssyncadd.s32 $0xFFFFFFFF  }
0xab: {  	s5 =	sld [smem:$0x0]  }
0xac: {  	s6 =	sand.u32 $0xFFFFFFFE, s1  }
0xad: {  	p0 =	sne.s32 s1, s6  }
0xae: {  	s6 =	sshll.u32 @p0 s6, $0xE  }
0xaf: {  	s6 =	sadd.s32 @p0 $0x11B8D, s6;
	s7 =	sshll.u32 @p0 s5, $0x11  }
0xb0: {  	s6 =	sor.u32 @p0 s7, s6  }
0xb1: {  	[sflag:s6] =	ssyncadd.remote.s32 @p0 $0x1;
	_ =	sdelay $0x1  }
0xb2: {  	s6 =	simm.s32 @p0 $0x1B8D  }
0xb3: {  	_ =	swait.eq @p0 [sflag:s6], $0x1  }
0xb4: {  	[sflag:s6] =	ssyncadd.s32 @p0 $0xFFFFFFFF  }
0xb5: {  	s7 =	sshll.u32 @!p0 s1, $0xE  }
0xb6: {  	s7 =	sor.u32 @!p0 $0x4000, s7;
	s6 =	simm.s32 @!p0 $0x1B8D  }
0xb7: {  	s5 =	sshll.u32 @!p0 s5, $0x11;
	s7 =	sadd.s32 @!p0 $0x11B8D, s7;
	_ =	swait.eq @!p0 [sflag:s6], $0x1  }
0xb8: {  	s5 =	sor.u32 @!p0 s5, s7;
	[sflag:s6] =	ssyncadd.s32 @!p0 $0xFFFFFFFF  }
0xb9: {  	s25 =	simm.s32 $0x1B8E;
	s24 =	sld [smem:$0x3FFE];
	[sflag:s5] =	ssyncadd.remote.s32 @!p0 $0x1  }
0xba: {  	s26 =	simm.s32 $execute0_lowered;
	[smem:$0x3FD2] =	sst s25  }
0xbb: {  	s6 =	sshll.u32 s26, $0x1;
	_ =	strace $0x80000049;
	[dreg:$0x1] =	wrdreg $0xFFFFFFFF  }
0xbc: {  	s28 =	simm.s32 $_size_execute0_lowered;
	s4 =	sadd.s32 s4, s6;
	[dreg:$0x0] =	wrdreg $0x0  }
0xbd: {  	s6 =	sshll.u32 s28, $0x1;
	[dreg:$0x2] =	wrdreg s4  }
0xbe: {  	[dreg:$0x3] =	wrdreg s6  }
0xbf: {  	[dreg:$0x4] =	wrdreg $0xC0  }
0xc0: {  	_ =	task [dreg:s22], $0x5FFFF  }
0xc1: {  	[dreg:$0x1] =	wrdreg $0xFFFFFFFF  }
0xc2: {  	[dreg:$0x0] =	wrdreg $0x60  }
0xc3: {  	[dreg:$0x2] =	wrdreg s24  }
0xc4: {  	[dreg:$0x3] =	wrdreg s17  }
0xc5: {  	[dreg:$0x4] =	wrdreg $0xA  }
0xc6: {  	_ =	task.clear_ibuf [dreg:s22], $0x5FFFF;
	_ =	strace $0x90000049  }
0xc7: {  	s29 =	simm.s32 $0xA;
	_ =	strace $0x8000004B  }
0xc8: {  	_ =	swait.ge [sflag:s29], $0x1  }
0xc9: {  	[sflag:s29] =	ssyncadd.s32 $0xFFFFFFFF  }
0xca: {  	_ =	strace $0x9000004B  }
0xcb: {  	_ =	sfence  }
0xcc: {  	s30 =	sld [smem:$0x0];
	_ =	sdelay $0x2  }
0xcd: {  	s31 =	sshll.u32 s1, $0xD;
	s1 =	sshrl.u32 s1, $0x2  }
0xce: {  	s4 =	sand.u32 $0x4000, s31;
	s1 =	sadd.s32 s1, s30  }
0xcf: {  	s0 =	sor.u32 s4, s0;
	s1 =	sshll.u32 s1, $0x11  }
0xd0: {  	s0 =	sor.u32 s1, s0  }
0xd1: {  	s0 =	sadd.s32 $0x8F2B, s0  }
0xd2: {  	[sflag:s0] =	ssyncadd.remote.s32 $0x1  }
0xd3: {  	_ =	sfence.sel $0xFFFF  }
0xd4: {  	[dreg:$0x0] =	wrdreg $0xFFFFFFFF;
	(pc) =	sbr.abs _section_cstart, $3  }
0xd5: {  	[dreg:$0x1] =	wrdreg $0xFFFFFFFF  }
0xd6: {  	_ =	task.clear_ibuf [dreg:s22], $0x2FFFF;
	_ =	strace $0x9FFFFFFF  }
0xd7: {  	(tm) =	ssettm $0x7FFFFFFF  }
tec
execute0_lowered:
.L_overlay_start_1:
0x0: {  	(tag) =	ssettag $0x1  }
0x1: {  	s6 =	rddreg [dreg:$0x0]  }
0x2: {  	s1 =	rddreg [dreg:$0x1];
	s2 =	srdreg.scid  }
0x3: {  	s0 =	rddreg [dreg:$0x2];
	s3 =	simm.s32 $0x0;
	s9 =	simm.s32 $0x3A80  }
0x4: {  	s10 =	simm.s32 $0x0;
	s4 =	sand.u32 $0x1, s2;
	[smem:$0x7FF] =	sst s3  }
0x5: {  	s2 =	stileid.u32;
	s6 =	sadd.s32 $0x1BC00, s6;
	s5 =	ssub.s32 $0x2, s4  }
0x6: {  	s8 =	sshll.u32 s2, $0x5;
	s4 =	sshll.u32 s4, $0x4;
	s7 =	sshrl.u32 s5, $0x1  }
0x7: {  	_ =	strace $0x8000004A;
	s4 =	sor.u32 s4, s8;
	s5 =	ssub.s32 s5, s7  }
0x8: {  	v0 =	vimm.s32 $0x0;
	v1 =	vimm.s32 $0x7FF;
	v2 =	vlaneseq.u32;
	s8 =	simm.s32 $0x3400;
	s7 =	simm.s32 $0x1;
	s5 =	smax.u32 s5, $0x1  }
.LBB2_1:
0x9: {  	s11 =	simm.s32 $0x0  }
.LBB2_2:
0xa: {  	p0 =	sne.s32 s11, $0x19C0  }
.Ltmp0:
0xb: {  	_ = 	snop;
	(pc) =	sbr.rel @p0 .LBB2_2-.Ltmp0, $3  }
0xc: {  	_ =	sdelay $0x1  }
0xd: {  	s12 =	sshra.s32 s11, $0x2  }
0xe: {  	s11 =	sadd.s32 $0x40, s11;
	[tilespmem:s12+$0x3400] =	vst v0  }
0xf: {  	s11 =	simm.s32 $0x0;
	p1 =	por $0x1, $0x1;
	s12 =	simm.s32 $0x0  }
.LBB2_4:
0x10: {  	s12 =	sor.u32 s4, s12  }
0x11: {  	s13 =	smul.u32 $0xD0, s12;
	_ =	sdelay $0x1  }
0x12: {  	s13 =	sadd.s32 s6, s13  }
0x13: {  	[tilespmem:s11], [sflag:$0x1] =	stream.linear.gather [hbm4b:s13+s11], $0x3400, $0x38;
	[tilespmem:$0x3AD0] =	vst v63  }
0x14: {  	_ =	swait.ge [sflag:s7], $0x3400  }
0x15: {  	p0 =	por p1, p1;
	s14 =	simm.s32 $0x20;
	[sflag:s7] =	ssyncset.done $0x0  }
0x16: {  	s15 =	simm.s32 $0x0;
	s13 =	sor.u32 $0x201, s12;
	[sflag:s7] =	ssyncadd.s32 $0xFFFFCC00  }
.LBB2_5:
0x17: {  	v4 =	vmov s14  }
0x18: {  	s16 =	smul.u32 $0x1A00, s15  }
0x19: {  	s17 =	sadd.s32 s15, s13  }
0x1a: {  	v3 =	vmov s17;
	s17 =	sshra.s32 s16, $0x2;
	s16 =	simm.s32 $0x0  }
.LBB2_6:
0x1b: {  	s18 =	sshra.s32 s16, $0x2  }
0x1c: {  	v5 =	vld.idx.msk [tilespmem:v4+s18+$0xFFFFFFE0 ss:$0x1], $0xffff;
	_ =	sdelay $0x7  }
0x1d: {  	[tilespmem:v5+s8+$0x0] =	vst.idx.msk $0xffff, v3  }
0x1e: {  	v5 =	vld.idx.msk [tilespmem:v4+s18+$0xFFFFFFF0 ss:$0x1], $0xffff;
	_ =	sdelay $0x7  }
0x1f: {  	[tilespmem:v5+s8+$0x0] =	vst.idx.msk $0xffff, v3  }
0x20: {  	v5 =	vld.idx.msk [tilespmem:v4+s18+$0x0 ss:$0x1], $0xffff;
	_ =	sdelay $0x7  }
0x21: {  	[tilespmem:v5+s8+$0x0] =	vst.idx.msk $0xffff, v3  }
0x22: {  	v5 =	vld.idx.msk [tilespmem:v4+s18+$0x10 ss:$0x1], $0xffff;
	_ =	sdelay $0x2  }
0x23: {  	p1 =	sne.s32 s16, $0x1800  }
.Ltmp1:
0x24: {  	_ = 	snop;
	(pc) =	sbr.rel @p1 .LBB2_6-.Ltmp1, $2  }
0x25: {  	_ =	sdelay $0x2  }
0x26: {  	s16 =	sadd.s32 $0x100, s16;
	[tilespmem:v5+s8+$0x0] =	vst.idx.msk $0xffff, v3  }
0x27: {  	v4 =	vld [tilespmem:s17+$0x640];
	_ =	sdelay $0x6  }
0x28: {  	s16 =	simm.s32 $0x3400  }
0x29: {  	[tilespmem:v4+s16+$0x0] =	vst.idx.msk $0xffff, v3  }
0x2a: {  	v4 =	vld [tilespmem:s17+$0x650];
	_ =	sdelay $0x7  }
0x2b: {  	[tilespmem:v4+s16+$0x0] =	vst.idx.msk $0xffff, v3  }
0x2c: {  	v4 =	vld [tilespmem:s17+$0x660];
	_ =	sdelay $0x7  }
0x2d: {  	[tilespmem:v4+s16+$0x0] =	vst.idx.msk $0xffff, v3  }
0x2e: {  	v4 =	vld [tilespmem:s17+$0x66B];
	_ =	sdelay $0x7  }
0x2f: {  	[tilespmem:v4+s16+$0x0] =	vst.idx.msk $0xffff, v3  }
0x30: {  	[tilespmem:$0x3A80] =	vst v1  }
0x31: {  	[tilespmem:$0x3A90] =	vst v1  }
0x32: {  	[tilespmem:$0x3AA0] =	vst v1  }
0x33: {  	[tilespmem:$0x3AB0] =	vst v1  }
0x34: {  	s19 =	simm.s32 $0x0;
	s18 =	simm.s32 $0x0;
	s17 =	simm.s32 $0x0;
	[tilespmem:$0x3AC0] =	vst v1  }
.LBB2_8:
0x35: {  	v4 =	vld [tilespmem:s16+$0x0];
	_ =	sdelay $0x4  }
0x36: {  	vm0 =	veq.s32 v4, v3  }
0x37: {  	v4 =	vsel vm0, $0x1, v0  }
0x38: {  	(xrf0) =	vadd.scan.msk.s32 $0xffff, v4;
	_ =	sdelay $0x5  }
0x39: {  	v4, _, _ =	vpop (xrf0)  }
0x3a: {  	(v2sf) =	vpush v4, $0xF;
	_ =	sdelay $0xd  }
0x3b: {  	v5 =	vmov s18  }
0x3c: {  	v5 =	vadd.s32 $0xFFFFFFFF, v5;
	s20 =	spop (v2sf)  }
0x3d: {  	p1 =	sgt.u32 s19, $0x5E;
	v5 =	vbroadcast v5, $0x0;
	s18 =	sadd.s32 s18, s20  }
0x3e: {  	p2 =	slt.s32 @!p1 s18, $0x40  }
0x3f: {  	v4 =	vadd.s32 v4, v5;
	p1 =	por p1, !p2  }
.Ltmp2:
0x40: {  	_ = 	snop;
	(pc) =	sbr.rel @!p1 .LBB2_8-.Ltmp2, $3  }
0x41: {  	_ =	sdelay $0x1  }
0x42: {  	v5 =	vor.u32 s17, v2  }
0x43: {  	s19 =	sadd.s32 $0x1, s19;
	s16 =	sadd.s32 $0x10, s16;
	s17 =	sadd.s32 $0x10, s17;
	[tilespmem:v4+s9+$0x0] =	vst.idx.msk vm0, v5  }
0x44: {  	s16 =	sadd.s32 s12, s15;
	s15 =	sadd.s32 $0x1, s15  }
0x45: {  	s16 =	sshll.u32 s16, $0x3;
	p1 =	sne.s32 s15, $0x8  }
.Ltmp3:
0x46: {  	s16 =	sadd.s32 s1, s16;
	(pc) =	sbr.rel @p1 .LBB2_5-.Ltmp3, $4  }
0x47: {  	[hbm4b:s16+s3] =	stream.linear.scatter [tilespmem:s9], [sflag:$0x1], $0x40, $0x38;
	[tilespmem:$0x3AD0] =	vst v63  }
0x48: {  	_ =	swait.ge [sflag:s7], $0x40  }
0x49: {  	[sflag:s7] =	ssyncset.done $0x0  }
0x4a: {  	s14 =	sadd.s32 $0x680, s14;
	[sflag:s7] =	ssyncadd.s32 $0xFFFFFFC0  }
.Ltmp4:
0x4b: {  	(pc) =	sbr.rel @p0 .LBB2_4-.Ltmp4, $2  }
0x4c: {  	_ =	sdelay $0x2  }
0x4d: {  	s12 =	simm.s32 $0x8;
	p1 =	por $0x0, $0x0  }
0x4e: {  	s10 =	sadd.s32 $0x1, s10  }
0x4f: {  	p0 =	sne.s32 s10, s5  }
.Ltmp5:
0x50: {  	_ = 	snop;
	(pc) =	sbr.rel @p0 .LBB2_1-.Ltmp5, $1  }
0x51: {  	_ =	sdelay $0x3  }
0x52: {  	_ =	sfence.sel $0x180000  }
0x53: {  	[bflag:$0x0] =	sbarrier.arrive $0xFFFF  }
0x54: {  	p0 =	sne.s32 s2, $0x0;
	_ =	strace $0x9000004A  }
0x55: {  	s0 =	sadd.s32 @!p0 $0x100000, s0;
	[bflag:$0x2] =	sbarrier.arrive $0xFFFF  }
0x56: {  	[sflag:s0] =	ssyncadd.tile.s32 @!p0 $0x1;
	_ =	shalt  }
.Lfunc_end2:
_tile_overlayer_lowered:
.L_overlay_start_2:
0x57: {  	(tag) =	ssettag $0x2  }
0x58: {  	s0 =	rddreg [dreg:$0x0];
	s2 =	stileid.u32  }
0x59: {  	s1 =	rddreg [dreg:$0x1];
	p0 =	sne.s32 s2, $0x0  }
0x5a: {  	s3 =	rddreg [dreg:$0x2];
	[bflag:$0x3] =	sbarrier.arrive $0xFFFF;
	s2 =	simm.s32 @!p0 $0x1C01  }
0x5b: {  	[timem:s3], [sflag:s2] =	dma.local @!p0 [hbm:s0], s1  }
0x5c: {  	s0 =	simm.s32 @!p0 $0x1  }
0x5d: {  	_ =	swait.ge @!p0 [sflag:s0], s1  }
0x5e: {  	s1 =	ssub.s32 @!p0 $0x0, s1;
	[sflag:s0] =	ssyncset.done @!p0 $0x0  }
0x5f: {  	[sflag:s0] =	ssyncadd.s32 @!p0 s1  }
0x60: {  	[bflag:$0x3] =	sbarrier.arrive $0xFFFF  }
0x61: {  	_ =	shalt  }

</sc_bundles>
